<compile_context>
chip_gen: v7x
topology: tpu7x:2x2x1
jax: 0.10.2.dev20260603
libtpu: 0.0.44.dev20260713+nightly
codegen_flags: <defaults>
</compile_context>

<pallas_src>
import functools

import jax
import jax.numpy as jnp
from jax import lax
from jax.experimental import pallas as pl
from jax.experimental.pallas import tpu as pltpu
from jax.experimental.pallas import tpu_sc as plsc

HID = 128
HEADS = 8
HEAD_DIM = HID // HEADS
N_NODES = 10000
N_EDGES = 320000

NC = 2
NS = 16
NW = NC * NS
EPW = N_EDGES // NW
CH = 80
NCHUNK = EPW // CH
SCH = 80
NSCHUNK = EPW // SCH
NPAD = 10240
ROWS_PER_TILE = NPAD // NS

_F32 = jnp.float32
_HIGH = jax.lax.Precision.DEFAULT


def _mm_t(a, w):
    return jax.lax.dot_general(
        a, w, (((1,), (1,)), ((), ())),
        precision=_HIGH, preferred_element_type=_F32)


def _mm(a, b):
    return jax.lax.dot_general(
        a, b, (((1,), (0,)), ((), ())),
        precision=_HIGH, preferred_element_type=_F32)


def _ln(x, w, b):
    mu = jnp.mean(x, axis=-1, keepdims=True)
    var = jnp.mean((x - mu) ** 2, axis=-1, keepdims=True)
    return (x - mu) / jnp.sqrt(var + 1e-5) * w + b


def _node_prep_body(x_ref, wq_ref, bq_ref, wk_ref, bk_ref, wv_ref, bv_ref,
                    lw_ref, lb_ref, xn_ref, q_ref, k_ref, v_ref):
    xn = _ln(x_ref[...], lw_ref[...], lb_ref[...])
    xn_ref[...] = xn
    q_ref[...] = (_mm_t(xn, wq_ref[...]) + bq_ref[...]) * (1.0 / jnp.sqrt(jnp.float32(HEAD_DIM)))
    k_ref[...] = _mm_t(xn, wk_ref[...]) + bk_ref[...]
    v_ref[...] = _mm_t(xn, wv_ref[...]) + bv_ref[...]


def _node_prep(x, Wq, bq, Wk, bk, Wv, bv, lw, lb):
    out = jax.ShapeDtypeStruct((N_NODES, HID), _F32)
    return pl.pallas_call(
        _node_prep_body,
        out_shape=(out, out, out, out),
    )(x, Wq, bq.reshape(1, HID), Wk, bk.reshape(1, HID),
      Wv, bv.reshape(1, HID), lw.reshape(1, HID), lb.reshape(1, HID))


def _sc_gather(Qs, K, V, src, dst):
    mesh = plsc.VectorSubcoreMesh(core_axis_name="c", subcore_axis_name="s")
    erows = jax.ShapeDtypeStruct((N_EDGES, HID), _F32)

    @functools.partial(
        pl.kernel,
        out_type=(erows, erows, erows),
        mesh=mesh,
        scratch_types=[
            pltpu.VMEM((EPW,), jnp.int32),
            pltpu.VMEM((EPW,), jnp.int32),
            [pltpu.VMEM((CH,), jnp.int32)] * 4,
            [pltpu.VMEM((CH, HID), _F32)] * 6,
            [pltpu.SemaphoreType.DMA] * 6,
        ],
    )
    def gather_kernel(q_hbm, k_hbm, v_hbm, src_hbm, dst_hbm,
                      qd_hbm, kn_hbm, vn_hbm, si_v, di_v, idx, bufs, sems):
        wid = lax.axis_index("s") * NC + lax.axis_index("c")
        base0 = wid * EPW
        pltpu.sync_copy(src_hbm.at[pl.ds(base0, EPW)], si_v)
        pltpu.sync_copy(dst_hbm.at[pl.ds(base0, EPW)], di_v)

        def one_chunk(i, sc_v, dc_v, bq_v, bk_v, bv_v, sq, sk, sv):
            for t in range(CH // 16):
                sc_v[pl.ds(t * 16, 16)] = si_v[pl.ds(i * CH + t * 16, 16)]
                dc_v[pl.ds(t * 16, 16)] = di_v[pl.ds(i * CH + t * 16, 16)]
            return (pltpu.async_copy(q_hbm.at[dc_v], bq_v, sq),
                    pltpu.async_copy(k_hbm.at[sc_v], bk_v, sk),
                    pltpu.async_copy(v_hbm.at[sc_v], bv_v, sv))

        def body(p, carry):
            a = 2 * p
            b = 2 * p + 1
            csa = one_chunk(a, idx[0], idx[1], bufs[0], bufs[1], bufs[2],
                            sems[0], sems[1], sems[2])
            csb = one_chunk(b, idx[2], idx[3], bufs[3], bufs[4], bufs[5],
                            sems[3], sems[4], sems[5])
            basea = base0 + a * CH
            baseb = base0 + b * CH
            csa[0].wait()
            wa0 = pltpu.async_copy(bufs[0], qd_hbm.at[pl.ds(basea, CH)], sems[0])
            csa[1].wait()
            wa1 = pltpu.async_copy(bufs[1], kn_hbm.at[pl.ds(basea, CH)], sems[1])
            csa[2].wait()
            wa2 = pltpu.async_copy(bufs[2], vn_hbm.at[pl.ds(basea, CH)], sems[2])
            csb[0].wait()
            wb0 = pltpu.async_copy(bufs[3], qd_hbm.at[pl.ds(baseb, CH)], sems[3])
            csb[1].wait()
            wb1 = pltpu.async_copy(bufs[4], kn_hbm.at[pl.ds(baseb, CH)], sems[4])
            csb[2].wait()
            wb2 = pltpu.async_copy(bufs[5], vn_hbm.at[pl.ds(baseb, CH)], sems[5])
            for w in (wa0, wa1, wa2, wb0, wb1, wb2):
                w.wait()
            return carry

        lax.fori_loop(0, NCHUNK // 2, body, 0)

        i = NCHUNK - 1
        cs = one_chunk(i, idx[0], idx[1], bufs[0], bufs[1], bufs[2],
                       sems[0], sems[1], sems[2])
        base = base0 + i * CH
        cs[0].wait()
        pltpu.sync_copy(bufs[0], qd_hbm.at[pl.ds(base, CH)])
        cs[1].wait()
        pltpu.sync_copy(bufs[1], kn_hbm.at[pl.ds(base, CH)])
        cs[2].wait()
        pltpu.sync_copy(bufs[2], vn_hbm.at[pl.ds(base, CH)])

    return gather_kernel(Qs, K, V, src, dst)


def _edge_body(ea_ref, qd_ref, kn_ref, vn_ref, dst_ref, wek_ref, bek_ref,
               wev_ref, bev_ref, lw_ref, lb_ref, sel_ref, bc_ref, pk_ref,
               msg_ref, ex_ref):
    en = _ln(ea_ref[...], lw_ref[...], lb_ref[...])
    ek = _mm_t(en, wek_ref[...]) + bek_ref[...]
    prod = qd_ref[...] * (kn_ref[...] + ek)
    ex16 = jnp.exp(_mm(prod, sel_ref[...]))
    ev = _mm_t(en, wev_ref[...]) + bev_ref[...]
    exb = _mm(ex16, bc_ref[...])
    msg_ref[...] = (vn_ref[...] + ev) * exb
    be = ea_ref.shape[0]
    slot = (dst_ref[0, 0, :] % 8).reshape(be, 1)
    col = lax.broadcasted_iota(jnp.int32, (be, HID), 1)
    exhc = _mm(ex16, pk_ref[...])
    ex_ref[...] = jnp.where((col // HEAD_DIM) == slot, exhc, 0.0)


def _edge_math(edge_attr, QD, KN, VN, dst, Wek, bek, Wev, bev, lw, lb):
    BE = 4000
    grid = N_EDGES // BE
    eye = jnp.concatenate([jnp.eye(HEADS, dtype=_F32),
                           jnp.zeros((HEADS, HEADS), _F32)], axis=1)
    sel = jnp.repeat(eye, HEAD_DIM, axis=0)
    bc = jnp.concatenate([jnp.repeat(jnp.eye(HEADS, dtype=_F32), HEAD_DIM, axis=1),
                          jnp.zeros((HEADS, HID), _F32)], axis=0)
    colv = jnp.arange(HID) % (2 * HEADS)
    pk = (colv[None, :] == jnp.arange(2 * HEADS)[:, None]).astype(_F32)
    pk = pk.at[HEADS:].set(0.0)
    row_spec = pl.BlockSpec((BE, HID), lambda i: (i, 0))
    w_spec = pl.BlockSpec((HID, HID), lambda i: (0, 0))
    b_spec = pl.BlockSpec((1, HID), lambda i: (0, 0))
    return pl.pallas_call(
        _edge_body,
        grid=(grid,),
        in_specs=[row_spec, row_spec, row_spec, row_spec,
                  pl.BlockSpec((1, 1, BE), lambda i: (i, 0, 0)),
                  w_spec, b_spec, w_spec, b_spec, b_spec, b_spec,
                  pl.BlockSpec((HID, 2 * HEADS), lambda i: (0, 0)),
                  pl.BlockSpec((2 * HEADS, HID), lambda i: (0, 0)),
                  pl.BlockSpec((2 * HEADS, HID), lambda i: (0, 0))],
        out_specs=(row_spec, row_spec),
        out_shape=(jax.ShapeDtypeStruct((N_EDGES, HID), _F32),
                   jax.ShapeDtypeStruct((N_EDGES, HID), _F32)),
    )(edge_attr, QD, KN, VN, dst.reshape(grid, 1, BE), Wek, bek.reshape(1, HID),
      Wev, bev.reshape(1, HID), lw.reshape(1, HID), lb.reshape(1, HID),
      sel, bc, pk)


DPAD = NPAD // 8
DROWS_PER_TILE = DPAD // NS


def _sc_scatter(MSG, EX, dst):
    mesh = plsc.VectorSubcoreMesh(core_axis_name="c", subcore_axis_name="s")

    @functools.partial(
        pl.kernel,
        out_type=(jax.ShapeDtypeStruct((NC, NPAD, HID), _F32),
                  jax.ShapeDtypeStruct((NC, DPAD, HID), _F32)),
        mesh=mesh,
        scratch_types=[
            pltpu.VMEM((EPW,), jnp.int32),
            pltpu.VMEM((SCH,), jnp.int32),
            pltpu.VMEM((SCH,), jnp.int32),
            pltpu.VMEM((SCH,), jnp.int32),
            pltpu.VMEM((SCH, HID), _F32),
            pltpu.VMEM((SCH, HID), _F32),
            pltpu.VMEM_SHARED((NPAD, HID), _F32),
            pltpu.VMEM_SHARED((DPAD, HID), _F32),
            pltpu.SemaphoreType.DMA,
            pltpu.SemaphoreType.DMA,
        ],
    )
    def scatter_kernel(msg_hbm, ex_hbm, dst_hbm, on_hbm, od_hbm,
                       da_v, di_v, dp_v, zi_v, m_v, e_v, accn_s, accd_s,
                       sem, sem2):
        cid = lax.axis_index("c")
        sid = lax.axis_index("s")
        wid = sid * NC + cid

        zeros16 = jnp.zeros((16,), _F32)

        def zrow(i, carry):
            for j in range(HID // 16):
                m_v[i, pl.ds(j * 16, 16)] = zeros16
                e_v[i, pl.ds(j * 16, 16)] = zeros16
            return carry

        off = sid * ROWS_PER_TILE
        doff = sid * DROWS_PER_TILE
        lax.fori_loop(0, SCH, zrow, 0)

        iota16 = lax.iota(jnp.int32, 16)

        def _fill_zidx(base):
            for t in range(SCH // 16):
                zi_v[pl.ds(t * 16, 16)] = iota16 + (base + t * 16)

        for j in range(ROWS_PER_TILE // SCH):
            _fill_zidx(off + j * SCH)
            pltpu.sync_copy(m_v, accn_s.at[zi_v])
        _fill_zidx(doff)
        pltpu.sync_copy(e_v, accd_s.at[zi_v])
        base0 = wid * EPW
        pltpu.sync_copy(dst_hbm.at[pl.ds(base0, EPW)], da_v)
        plsc.subcore_barrier()

        def body(i, carry):
            base = base0 + i * SCH
            cm = pltpu.async_copy(msg_hbm.at[pl.ds(base, SCH)], m_v, sem)
            ce = pltpu.async_copy(ex_hbm.at[pl.ds(base, SCH)], e_v, sem2)
            for t in range(SCH // 16):
                d16 = da_v[pl.ds(i * SCH + t * 16, 16)]
                di_v[pl.ds(t * 16, 16)] = d16
                dp_v[pl.ds(t * 16, 16)] = lax.shift_right_logical(d16, 3)
            cm.wait()
            am = pltpu.async_copy(m_v, accn_s.at[di_v], sem, add=True)
            ce.wait()
            ae = pltpu.async_copy(e_v, accd_s.at[dp_v], sem2, add=True)
            am.wait()
            ae.wait()
            return carry

        lax.fori_loop(0, NSCHUNK, body, 0)
        plsc.subcore_barrier()

        for j in range(ROWS_PER_TILE // SCH):
            _fill_zidx(off + j * SCH)
            pltpu.async_copy(accn_s.at[zi_v], m_v, sem).wait()
            pltpu.sync_copy(m_v, on_hbm.at[cid, pl.ds(off + j * SCH, SCH)])
        _fill_zidx(doff)
        pltpu.async_copy(accd_s.at[zi_v], e_v, sem).wait()
        pltpu.sync_copy(e_v, od_hbm.at[cid, pl.ds(doff, SCH)])

    return scatter_kernel(MSG, EX, dst)


def _final_body(xn_ref, pn_ref, pd_ref, w1_ref, b1_ref, w2_ref, b2_ref,
                lw_ref, lb_ref, bc_ref, out_ref):
    num = pn_ref[0] + pn_ref[1]
    den = pd_ref[0] + pd_ref[1]
    denb = _mm(den, bc_ref[...])
    x_dst = xn_ref[...] + num / (denb + 1e-16)
    h = _ln(x_dst, lw_ref[...], lb_ref[...])
    t = jnp.maximum(_mm_t(h, w1_ref[...]) + b1_ref[...], 0.0)
    out_ref[...] = x_dst + _mm_t(t, w2_ref[...]) + b2_ref[...]


def _finalize(x_n, PN, PD, W1, b1, W2, b2, lw, lb):
    BN = 2000
    grid = N_NODES // BN
    DW = 2 * HEADS
    bc = jnp.concatenate([jnp.repeat(jnp.eye(HEADS, dtype=_F32), HEAD_DIM, axis=1),
                          jnp.zeros((HEADS, HID), _F32)], axis=0)
    return pl.pallas_call(
        _final_body,
        grid=(grid,),
        in_specs=[pl.BlockSpec((BN, HID), lambda i: (i, 0)),
                  pl.BlockSpec((NC, BN, HID), lambda i: (0, i, 0)),
                  pl.BlockSpec((NC, BN, DW), lambda i: (0, i, 0)),
                  pl.BlockSpec((4 * HID, HID), lambda i: (0, 0)),
                  pl.BlockSpec((1, 4 * HID), lambda i: (0, 0)),
                  pl.BlockSpec((HID, 4 * HID), lambda i: (0, 0)),
                  pl.BlockSpec((1, HID), lambda i: (0, 0)),
                  pl.BlockSpec((1, HID), lambda i: (0, 0)),
                  pl.BlockSpec((1, HID), lambda i: (0, 0)),
                  pl.BlockSpec((DW, HID), lambda i: (0, 0))],
        out_specs=pl.BlockSpec((BN, HID), lambda i: (i, 0)),
        out_shape=jax.ShapeDtypeStruct((N_NODES, HID), _F32),
    )(x_n, PN, PD, W1, b1.reshape(1, 4 * HID), W2, b2.reshape(1, HID),
      lw.reshape(1, HID), lb.reshape(1, HID), bc)


def kernel(x, edge_index, edge_attr, Wq, bq, Wk, bk, Wv, bv, Wek, bek, Wev, bev,
           W1, b1, W2, b2, ln_src_w, ln_src_b, ln_edge_w, ln_edge_b,
           ln_ffn_w, ln_ffn_b):
    src = edge_index[0].astype(jnp.int32)
    dst = edge_index[1].astype(jnp.int32)
    x_n, Qs, K, V = _node_prep(x, Wq, bq, Wk, bk, Wv, bv, ln_src_w, ln_src_b)
    QD, KN, VN = _sc_gather(Qs, K, V, src, dst)
    MSG, EX = _edge_math(edge_attr, QD, KN, VN, dst, Wek, bek, Wev, bev,
                         ln_edge_w, ln_edge_b)
    PN, PD2 = _sc_scatter(MSG, EX, dst)
    PD = PD2.reshape(NC, NPAD, 2 * HEADS)
    return _finalize(x_n, PN, PD, W1, b1, W2, b2, ln_ffn_w, ln_ffn_b)

# --- scband reference (transcript-rebuilt; emitter-appended) ---
"""Pipeline reference for scband-backbone-78426102825264 (READ-ONLY COPY).

The authoritative reference and input builder live on the scoring server;
editing this copy changes nothing except your own understanding.
"""

import jax, jax.numpy as jnp
import numpy as np

HID = 128
HEADS = 8
HEAD_DIM = HID // HEADS
N_NODES = 10000
N_EDGES = 320000


def _xavier(key, out_f, in_f):
    bound = (6.0 / (in_f + out_f)) ** 0.5
    return jax.random.uniform(key, (out_f, in_f), minval=-bound, maxval=bound, dtype=jnp.float32)


def setup_inputs(seed: int = 0) -> dict:
    key = jax.random.key(seed)
    ks = jax.random.split(key, 12)
    x = jax.random.normal(ks[0], (N_NODES, HID), dtype=jnp.float32)
    edge_index = jax.random.randint(ks[1], (2, N_EDGES), 0, N_NODES)
    edge_attr = jax.random.normal(ks[2], (N_EDGES, HID), dtype=jnp.float32)
    return {
        'x': x,
        'edge_index': edge_index,
        'edge_attr': edge_attr,
        'Wq': _xavier(ks[3], HID, HID), 'bq': jnp.zeros((HID,), jnp.float32),
        'Wk': _xavier(ks[4], HID, HID), 'bk': jnp.zeros((HID,), jnp.float32),
        'Wv': _xavier(ks[5], HID, HID), 'bv': jnp.zeros((HID,), jnp.float32),
        'Wek': _xavier(ks[6], HID, HID), 'bek': jnp.zeros((HID,), jnp.float32),
        'Wev': _xavier(ks[7], HID, HID), 'bev': jnp.zeros((HID,), jnp.float32),
        'W1': _xavier(ks[8], HID * 4, HID), 'b1': jnp.zeros((HID * 4,), jnp.float32),
        'W2': _xavier(ks[9], HID, HID * 4), 'b2': jnp.zeros((HID,), jnp.float32),
        'ln_src_w': jnp.ones((HID,), jnp.float32), 'ln_src_b': jnp.zeros((HID,), jnp.float32),
        'ln_edge_w': jnp.ones((HID,), jnp.float32), 'ln_edge_b': jnp.zeros((HID,), jnp.float32),
        'ln_ffn_w': jnp.ones((HID,), jnp.float32), 'ln_ffn_b': jnp.zeros((HID,), jnp.float32),
    }


def _layer_norm(x, w, b):
    mu = jnp.mean(x, axis=-1, keepdims=True)
    var = jnp.mean((x - mu) ** 2, axis=-1, keepdims=True)
    return (x - mu) / jnp.sqrt(var + 1e-5) * w + b


def reference(x, edge_index, edge_attr, Wq, bq, Wk, bk, Wv, bv, Wek, bek, Wev, bev,
              W1, b1, W2, b2, ln_src_w, ln_src_b, ln_edge_w, ln_edge_b, ln_ffn_w, ln_ffn_b):
    # self-attention: x_src = x_dst = LayerNorm(x)
    x_n = _layer_norm(x, ln_src_w, ln_src_b)
    e_n = _layer_norm(edge_attr, ln_edge_w, ln_edge_b)
    src = edge_index[0]
    dst = edge_index[1]
    x_j = jnp.take(x_n, src, axis=0)   # source/neighbor features (gather)
    x_i = jnp.take(x_n, dst, axis=0)   # destination features (gather)
    E = x_j.shape[0]
    q = (x_i @ Wq.T + bq).reshape(E, HEADS, HEAD_DIM)
    k = (x_j @ Wk.T + bk).reshape(E, HEADS, HEAD_DIM) + (e_n @ Wek.T + bek).reshape(E, HEADS, HEAD_DIM)
    v = (x_j @ Wv.T + bv).reshape(E, HEADS, HEAD_DIM) + (e_n @ Wev.T + bev).reshape(E, HEADS, HEAD_DIM)
    scores = jnp.sum(q * k, axis=-1) / jnp.sqrt(jnp.float32(HEAD_DIM))  # [E, H]
    # segment softmax over destination nodes
    m = jax.ops.segment_max(scores, dst, num_segments=N_NODES)
    ex = jnp.exp(scores - jnp.take(m, dst, axis=0))
    denom = jax.ops.segment_sum(ex, dst, num_segments=N_NODES)
    attn = ex / (jnp.take(denom, dst, axis=0) + 1e-16)  # dropout p=0.0 (eval)
    msg = v * attn[..., None]  # [E, H, Dh]
    agg = jax.ops.segment_sum(msg, dst, num_segments=N_NODES).reshape(N_NODES, HID)  # scatter-add
    x_dst = x_n + agg  # residual on pre-normed x, faithful to source
    h = _layer_norm(x_dst, ln_ffn_w, ln_ffn_b)
    ffn = jax.nn.relu(h @ W1.T + b1) @ W2.T + b2
    return x_dst + ffn

if __name__ == "__main__":
    import jax
    _d = setup_inputs()
    print(jax.jit(kernel)(*tuple(_d.values())))

</pallas_src>

<mosaic_0001>
#map = affine_map<(d0, d1) -> (0, 0)>
#map1 = affine_map<(d0, d1) -> (0)>
#map2 = affine_map<(d0, d1) -> (0, 0, 0)>
module attributes {stable_mosaic.version = 14 : i64} {
  func.func @scatter_kernel(%arg0: i32, %arg1: i32, %arg2: memref<320000x128xf32, #tpu.memory_space<hbm>>, %arg3: memref<320000x128xf32, #tpu.memory_space<hbm>>, %arg4: memref<320000xi32, #tpu.memory_space<hbm>>, %arg5: memref<2x10240x128xf32, #tpu.memory_space<hbm>>, %arg6: memref<2x1280x128xf32, #tpu.memory_space<hbm>>, %arg7: memref<10000xi32, #tpu.memory_space<vmem>>, %arg8: memref<80xi32, #tpu.memory_space<vmem>>, %arg9: memref<80xi32, #tpu.memory_space<vmem>>, %arg10: memref<80xi32, #tpu.memory_space<vmem>>, %arg11: memref<80x128xf32, #tpu.memory_space<vmem>>, %arg12: memref<80x128xf32, #tpu.memory_space<vmem>>, %arg13: memref<10240x128xf32, #tpu.memory_space<vmem_shared>>, %arg14: memref<1280x128xf32, #tpu.memory_space<vmem_shared>>, %arg15: memref<!tpu.dma_semaphore, #tpu.memory_space<semaphore_mem>>, %arg16: memref<!tpu.dma_semaphore, #tpu.memory_space<semaphore_mem>>) attributes {dimension_semantics = [#tpu.dimension_semantics<core_parallel>, #tpu.dimension_semantics<subcore_parallel>], iteration_bounds = array<i64: 2, 16>, scalar_prefetch = 0 : i64, scratch_operands = 10 : i64, tpu.core_type = #tpu.core_type<sc_vector_subcore>, window_params = [{transform_indices = #map}, {transform_indices = #map}, {transform_indices = #map1}, {transform_indices = #map2}, {transform_indices = #map2}]} {
    %mul3A = arith.constant 2 : i32
    %mul3A_0 = arith.muli %arg1, %mul3A : i32
    %add3A = arith.addi %mul3A_0, %arg0 : i32
    %broadcast_in_dim3A = arith.constant 0.000000e+00 : f32
    %broadcast_in_dim3A_1 = vector.broadcast %broadcast_in_dim3A : f32 to vector<16xf32>
    %mul3A_2 = arith.constant 640 : i32
    %mul3A_3 = arith.muli %arg1, %mul3A_2 : i32
    %mul3A_4 = arith.constant 80 : i32
    %mul3A_5 = arith.muli %arg1, %mul3A_4 : i32
    %scan3A = arith.constant 0 : i32
    %scan3A_6 = arith.constant 0 : i32
    %scan3A_7 = arith.constant 80 : i32
    %scan3A_8 = arith.addi %scan3A_6, %scan3A_7 : i32
    %scan3A_9 = arith.constant 1 : i32
    scf.for %scan3A_839 = %scan3A_6 to %scan3A_8 step %scan3A_9  : i32 {
      %swap3A_840 = arith.index_cast %scan3A_839 : i32 to index
      %swap3A_841 = arith.constant 0 : index
      %swap3A_842 = tpu.vector_load %arg11[%swap3A_840, %swap3A_841] {strides = array<i32>} : memref<80x128xf32, #tpu.memory_space<vmem>>, vector<1x16xf32>,
      %swap3A_843 = vector.shape_cast %swap3A_842 : vector<1x16xf32> to vector<16xf32>
      %swap3A_844 = vector.shape_cast %broadcast_in_dim3A_1 : vector<16xf32> to vector<1x16xf32>
      tpu.vector_store %arg11[%swap3A_840, %swap3A_841], %swap3A_844 {strides = array<i32>} : memref<80x128xf32, #tpu.memory_space<vmem>>, vector<1x16xf32>,
      %swap3A_845 = arith.index_cast %scan3A_839 : i32 to index
      %swap3A_846 = arith.constant 0 : index
      %swap3A_847 = tpu.vector_load %arg12[%swap3A_845, %swap3A_846] {strides = array<i32>} : memref<80x128xf32, #tpu.memory_space<vmem>>, vector<1x16xf32>,
      %swap3A_848 = vector.shape_cast %swap3A_847 : vector<1x16xf32> to vector<16xf32>
      %swap3A_849 = vector.shape_cast %broadcast_in_dim3A_1 : vector<16xf32> to vector<1x16xf32>
      tpu.vector_store %arg12[%swap3A_845, %swap3A_846], %swap3A_849 {strides = array<i32>} : memref<80x128xf32, #tpu.memory_space<vmem>>, vector<1x16xf32>,
      %swap3A_850 = arith.index_cast %scan3A_839 : i32 to index
      %swap3A_851 = arith.constant 16 : index
      %swap3A_852 = tpu.vector_load %arg11[%swap3A_850, %swap3A_851] {strides = array<i32>} : memref<80x128xf32, #tpu.memory_space<vmem>>, vector<1x16xf32>,
      %swap3A_853 = vector.shape_cast %swap3A_852 : vector<1x16xf32> to vector<16xf32>
      %swap3A_854 = vector.shape_cast %broadcast_in_dim3A_1 : vector<16xf32> to vector<1x16xf32>
      tpu.vector_store %arg11[%swap3A_850, %swap3A_851], %swap3A_854 {strides = array<i32>} : memref<80x128xf32, #tpu.memory_space<vmem>>, vector<1x16xf32>,
      %swap3A_855 = arith.index_cast %scan3A_839 : i32 to index
      %swap3A_856 = arith.constant 16 : index
      %swap3A_857 = tpu.vector_load %arg12[%swap3A_855, %swap3A_856] {strides = array<i32>} : memref<80x128xf32, #tpu.memory_space<vmem>>, vector<1x16xf32>,
      %swap3A_858 = vector.shape_cast %swap3A_857 : vector<1x16xf32> to vector<16xf32>
      %swap3A_859 = vector.shape_cast %broadcast_in_dim3A_1 : vector<16xf32> to vector<1x16xf32>
      tpu.vector_store %arg12[%swap3A_855, %swap3A_856], %swap3A_859 {strides = array<i32>} : memref<80x128xf32, #tpu.memory_space<vmem>>, vector<1x16xf32>,
      %swap3A_860 = arith.index_cast %scan3A_839 : i32 to index
      %swap3A_861 = arith.constant 32 : index
      %swap3A_862 = tpu.vector_load %arg11[%swap3A_860, %swap3A_861] {strides = array<i32>} : memref<80x128xf32, #tpu.memory_space<vmem>>, vector<1x16xf32>,
      %swap3A_863 = vector.shape_cast %swap3A_862 : vector<1x16xf32> to vector<16xf32>
      %swap3A_864 = vector.shape_cast %broadcast_in_dim3A_1 : vector<16xf32> to vector<1x16xf32>
      tpu.vector_store %arg11[%swap3A_860, %swap3A_861], %swap3A_864 {strides = array<i32>} : memref<80x128xf32, #tpu.memory_space<vmem>>, vector<1x16xf32>,
      %swap3A_865 = arith.index_cast %scan3A_839 : i32 to index
      %swap3A_866 = arith.constant 32 : index
      %swap3A_867 = tpu.vector_load %arg12[%swap3A_865, %swap3A_866] {strides = array<i32>} : memref<80x128xf32, #tpu.memory_space<vmem>>, vector<1x16xf32>,
      %swap3A_868 = vector.shape_cast %swap3A_867 : vector<1x16xf32> to vector<16xf32>
      %swap3A_869 = vector.shape_cast %broadcast_in_dim3A_1 : vector<16xf32> to vector<1x16xf32>
      tpu.vector_store %arg12[%swap3A_865, %swap3A_866], %swap3A_869 {strides = array<i32>} : memref<80x128xf32, #tpu.memory_space<vmem>>, vector<1x16xf32>,
      %swap3A_870 = arith.index_cast %scan3A_839 : i32 to index
      %swap3A_871 = arith.constant 48 : index
      %swap3A_872 = tpu.vector_load %arg11[%swap3A_870, %swap3A_871] {strides = array<i32>} : memref<80x128xf32, #tpu.memory_space<vmem>>, vector<1x16xf32>,
      %swap3A_873 = vector.shape_cast %swap3A_872 : vector<1x16xf32> to vector<16xf32>
      %swap3A_874 = vector.shape_cast %broadcast_in_dim3A_1 : vector<16xf32> to vector<1x16xf32>
      tpu.vector_store %arg11[%swap3A_870, %swap3A_871], %swap3A_874 {strides = array<i32>} : memref<80x128xf32, #tpu.memory_space<vmem>>, vector<1x16xf32>,
      %swap3A_875 = arith.index_cast %scan3A_839 : i32 to index
      %swap3A_876 = arith.constant 48 : index
      %swap3A_877 = tpu.vector_load %arg12[%swap3A_875, %swap3A_876] {strides = array<i32>} : memref<80x128xf32, #tpu.memory_space<vmem>>, vector<1x16xf32>,
      %swap3A_878 = vector.shape_cast %swap3A_877 : vector<1x16xf32> to vector<16xf32>
      %swap3A_879 = vector.shape_cast %broadcast_in_dim3A_1 : vector<16xf32> to vector<1x16xf32>
      tpu.vector_store %arg12[%swap3A_875, %swap3A_876], %swap3A_879 {strides = array<i32>} : memref<80x128xf32, #tpu.memory_space<vmem>>, vector<1x16xf32>,
      %swap3A_880 = arith.index_cast %scan3A_839 : i32 to index
      %swap3A_881 = arith.constant 64 : index
      %swap3A_882 = tpu.vector_load %arg11[%swap3A_880, %swap3A_881] {strides = array<i32>} : memref<80x128xf32, #tpu.memory_space<vmem>>, vector<1x16xf32>,
      %swap3A_883 = vector.shape_cast %swap3A_882 : vector<1x16xf32> to vector<16xf32>
      %swap3A_884 = vector.shape_cast %broadcast_in_dim3A_1 : vector<16xf32> to vector<1x16xf32>
      tpu.vector_store %arg11[%swap3A_880, %swap3A_881], %swap3A_884 {strides = array<i32>} : memref<80x128xf32, #tpu.memory_space<vmem>>, vector<1x16xf32>,
      %swap3A_885 = arith.index_cast %scan3A_839 : i32 to index
      %swap3A_886 = arith.constant 64 : index
      %swap3A_887 = tpu.vector_load %arg12[%swap3A_885, %swap3A_886] {strides = array<i32>} : memref<80x128xf32, #tpu.memory_space<vmem>>, vector<1x16xf32>,
      %swap3A_888 = vector.shape_cast %swap3A_887 : vector<1x16xf32> to vector<16xf32>
      %swap3A_889 = vector.shape_cast %broadcast_in_dim3A_1 : vector<16xf32> to vector<1x16xf32>
      tpu.vector_store %arg12[%swap3A_885, %swap3A_886], %swap3A_889 {strides = array<i32>} : memref<80x128xf32, #tpu.memory_space<vmem>>, vector<1x16xf32>,
      %swap3A_890 = arith.index_cast %scan3A_839 : i32 to index
      %swap3A_891 = arith.constant 80 : index
      %swap3A_892 = tpu.vector_load %arg11[%swap3A_890, %swap3A_891] {strides = array<i32>} : memref<80x128xf32, #tpu.memory_space<vmem>>, vector<1x16xf32>,
      %swap3A_893 = vector.shape_cast %swap3A_892 : vector<1x16xf32> to vector<16xf32>
      %swap3A_894 = vector.shape_cast %broadcast_in_dim3A_1 : vector<16xf32> to vector<1x16xf32>
      tpu.vector_store %arg11[%swap3A_890, %swap3A_891], %swap3A_894 {strides = array<i32>} : memref<80x128xf32, #tpu.memory_space<vmem>>, vector<1x16xf32>,
      %swap3A_895 = arith.index_cast %scan3A_839 : i32 to index
      %swap3A_896 = arith.constant 80 : index
      %swap3A_897 = tpu.vector_load %arg12[%swap3A_895, %swap3A_896] {strides = array<i32>} : memref<80x128xf32, #tpu.memory_space<vmem>>, vector<1x16xf32>,
      %swap3A_898 = vector.shape_cast %swap3A_897 : vector<1x16xf32> to vector<16xf32>
      %swap3A_899 = vector.shape_cast %broadcast_in_dim3A_1 : vector<16xf32> to vector<1x16xf32>
      tpu.vector_store %arg12[%swap3A_895, %swap3A_896], %swap3A_899 {strides = array<i32>} : memref<80x128xf32, #tpu.memory_space<vmem>>, vector<1x16xf32>,
      %swap3A_900 = arith.index_cast %scan3A_839 : i32 to index
      %swap3A_901 = arith.constant 96 : index
      %swap3A_902 = tpu.vector_load %arg11[%swap3A_900, %swap3A_901] {strides = array<i32>} : memref<80x128xf32, #tpu.memory_space<vmem>>, vector<1x16xf32>,
      %swap3A_903 = vector.shape_cast %swap3A_902 : vector<1x16xf32> to vector<16xf32>
      %swap3A_904 = vector.shape_cast %broadcast_in_dim3A_1 : vector<16xf32> to vector<1x16xf32>
      tpu.vector_store %arg11[%swap3A_900, %swap3A_901], %swap3A_904 {strides = array<i32>} : memref<80x128xf32, #tpu.memory_space<vmem>>, vector<1x16xf32>,
      %swap3A_905 = arith.index_cast %scan3A_839 : i32 to index
      %swap3A_906 = arith.constant 96 : index
      %swap3A_907 = tpu.vector_load %arg12[%swap3A_905, %swap3A_906] {strides = array<i32>} : memref<80x128xf32, #tpu.memory_space<vmem>>, vector<1x16xf32>,
      %swap3A_908 = vector.shape_cast %swap3A_907 : vector<1x16xf32> to vector<16xf32>
      %swap3A_909 = vector.shape_cast %broadcast_in_dim3A_1 : vector<16xf32> to vector<1x16xf32>
      tpu.vector_store %arg12[%swap3A_905, %swap3A_906], %swap3A_909 {strides = array<i32>} : memref<80x128xf32, #tpu.memory_space<vmem>>, vector<1x16xf32>,
      %swap3A_910 = arith.index_cast %scan3A_839 : i32 to index
      %swap3A_911 = arith.constant 112 : index
      %swap3A_912 = tpu.vector_load %arg11[%swap3A_910, %swap3A_911] {strides = array<i32>} : memref<80x128xf32, #tpu.memory_space<vmem>>, vector<1x16xf32>,
      %swap3A_913 = vector.shape_cast %swap3A_912 : vector<1x16xf32> to vector<16xf32>
      %swap3A_914 = vector.shape_cast %broadcast_in_dim3A_1 : vector<16xf32> to vector<1x16xf32>
      tpu.vector_store %arg11[%swap3A_910, %swap3A_911], %swap3A_914 {strides = array<i32>} : memref<80x128xf32, #tpu.memory_space<vmem>>, vector<1x16xf32>,
      %swap3A_915 = arith.index_cast %scan3A_839 : i32 to index
      %swap3A_916 = arith.constant 112 : index
      %swap3A_917 = tpu.vector_load %arg12[%swap3A_915, %swap3A_916] {strides = array<i32>} : memref<80x128xf32, #tpu.memory_space<vmem>>, vector<1x16xf32>,
      %swap3A_918 = vector.shape_cast %swap3A_917 : vector<1x16xf32> to vector<16xf32>
      %swap3A_919 = vector.shape_cast %broadcast_in_dim3A_1 : vector<16xf32> to vector<1x16xf32>
      tpu.vector_store %arg12[%swap3A_915, %swap3A_916], %swap3A_919 {strides = array<i32>} : memref<80x128xf32, #tpu.memory_space<vmem>>, vector<1x16xf32>,
    }
    %scan3A_10 = arith.constant 80 : i32
    %iota3A = tpu.iota {dimensions = array<i32: 0>} : vector<16xi32>
    %add3A_11 = arith.constant 0 : i32
    %add3A_12 = arith.addi %mul3A_3, %add3A_11 : i32
    %add3A_13 = arith.constant 0 : i32
    %add3A_14 = arith.addi %add3A_12, %add3A_13 : i32
    %add3A_15 = vector.broadcast %add3A_14 : i32 to vector<16xi32>
    %add3A_16 = arith.addi %iota3A, %add3A_15 : vector<16xi32>
    %swap3A = arith.constant 0 : index
    %swap3A_17 = tpu.vector_load %arg10[%swap3A] {strides = array<i32>} : memref<80xi32, #tpu.memory_space<vmem>>, vector<16xi32>,
    %swap3A_18 = vector.shape_cast %swap3A_17 : vector<16xi32> to vector<16xi32>
    %swap3A_19 = vector.shape_cast %add3A_16 : vector<16xi32> to vector<16xi32>
    tpu.vector_store %arg10[%swap3A], %swap3A_19 {strides = array<i32>} : memref<80xi32, #tpu.memory_space<vmem>>, vector<16xi32>,
    %add3A_20 = arith.constant 16 : i32
    %add3A_21 = arith.addi %add3A_12, %add3A_20 : i32
    %add3A_22 = vector.broadcast %add3A_21 : i32 to vector<16xi32>
    %add3A_23 = arith.addi %iota3A, %add3A_22 : vector<16xi32>
    %swap3A_24 = arith.constant 16 : index
    %swap3A_25 = tpu.vector_load %arg10[%swap3A_24] {strides = array<i32>} : memref<80xi32, #tpu.memory_space<vmem>>, vector<16xi32>,
    %swap3A_26 = vector.shape_cast %swap3A_25 : vector<16xi32> to vector<16xi32>
    %swap3A_27 = vector.shape_cast %add3A_23 : vector<16xi32> to vector<16xi32>
    tpu.vector_store %arg10[%swap3A_24], %swap3A_27 {strides = array<i32>} : memref<80xi32, #tpu.memory_space<vmem>>, vector<16xi32>,
    %add3A_28 = arith.constant 32 : i32
    %add3A_29 = arith.addi %add3A_12, %add3A_28 : i32
    %add3A_30 = vector.broadcast %add3A_29 : i32 to vector<16xi32>
    %add3A_31 = arith.addi %iota3A, %add3A_30 : vector<16xi32>
    %swap3A_32 = arith.constant 32 : index
    %swap3A_33 = tpu.vector_load %arg10[%swap3A_32] {strides = array<i32>} : memref<80xi32, #tpu.memory_space<vmem>>, vector<16xi32>,
    %swap3A_34 = vector.shape_cast %swap3A_33 : vector<16xi32> to vector<16xi32>
    %swap3A_35 = vector.shape_cast %add3A_31 : vector<16xi32> to vector<16xi32>
    tpu.vector_store %arg10[%swap3A_32], %swap3A_35 {strides = array<i32>} : memref<80xi32, #tpu.memory_space<vmem>>, vector<16xi32>,
    %add3A_36 = arith.constant 48 : i32
    %add3A_37 = arith.addi %add3A_12, %add3A_36 : i32
    %add3A_38 = vector.broadcast %add3A_37 : i32 to vector<16xi32>
    %add3A_39 = arith.addi %iota3A, %add3A_38 : vector<16xi32>
    %swap3A_40 = arith.constant 48 : index
    %swap3A_41 = tpu.vector_load %arg10[%swap3A_40] {strides = array<i32>} : memref<80xi32, #tpu.memory_space<vmem>>, vector<16xi32>,
    %swap3A_42 = vector.shape_cast %swap3A_41 : vector<16xi32> to vector<16xi32>
    %swap3A_43 = vector.shape_cast %add3A_39 : vector<16xi32> to vector<16xi32>
    tpu.vector_store %arg10[%swap3A_40], %swap3A_43 {strides = array<i32>} : memref<80xi32, #tpu.memory_space<vmem>>, vector<16xi32>,
    %add3A_44 = arith.constant 64 : i32
    %add3A_45 = arith.addi %add3A_12, %add3A_44 : i32
    %add3A_46 = vector.broadcast %add3A_45 : i32 to vector<16xi32>
    %add3A_47 = arith.addi %iota3A, %add3A_46 : vector<16xi32>
    %swap3A_48 = arith.constant 64 : index
    %swap3A_49 = tpu.vector_load %arg10[%swap3A_48] {strides = array<i32>} : memref<80xi32, #tpu.memory_space<vmem>>, vector<16xi32>,
    %swap3A_50 = vector.shape_cast %swap3A_49 : vector<16xi32> to vector<16xi32>
    %swap3A_51 = vector.shape_cast %add3A_47 : vector<16xi32> to vector<16xi32>
    tpu.vector_store %arg10[%swap3A_48], %swap3A_51 {strides = array<i32>} : memref<80xi32, #tpu.memory_space<vmem>>, vector<16xi32>,
    "tpu.region"() ({
      %run_scoped3A = tpu.sem_alloc : memref<!tpu.dma_semaphore, #tpu.memory_space<semaphore_mem>>
      %dma_start3A_839 = arith.constant 0 : i32
      %dma_start3A_840 = arith.constant 0 : i32
      %dma_start3A_841 = tpu.memref_slice %arg13[%dma_start3A_839, %dma_start3A_840] : memref<10240x128xf32, #tpu.memory_space<vmem_shared>> -> memref<10240x128xf32, #tpu.memory_space<vmem_shared>>
      tpu.enqueue_indirect_dma source(%arg11 : memref<80x128xf32, #tpu.memory_space<vmem>>) target(%dma_start3A_841 : memref<10240x128xf32, #tpu.memory_space<vmem_shared>>) offsets(%arg10 : memref<80xi32, #tpu.memory_space<vmem>>) semaphore(%run_scoped3A : memref<!tpu.dma_semaphore, #tpu.memory_space<semaphore_mem>>)
      %dma_wait3A_842 = arith.constant 0 : i32
      %dma_wait3A_843 = arith.constant 0 : i32
      %dma_wait3A_844 = tpu.memref_slice %arg13[%dma_wait3A_842, %dma_wait3A_843] : memref<10240x128xf32, #tpu.memory_space<vmem_shared>> -> memref<10240x128xf32, #tpu.memory_space<vmem_shared>>
      tpu.wait_indirect_dma semaphore(%run_scoped3A : memref<!tpu.dma_semaphore, #tpu.memory_space<semaphore_mem>>) src(%arg11 : memref<80x128xf32, #tpu.memory_space<vmem>>) dst(%dma_wait3A_844 : memref<10240x128xf32, #tpu.memory_space<vmem_shared>>)
      tpu.yield
    }) : () -> ()
    %add3A_52 = arith.constant 80 : i32
    %add3A_53 = arith.addi %mul3A_3, %add3A_52 : i32
    %add3A_54 = arith.constant 0 : i32
    %add3A_55 = arith.addi %add3A_53, %add3A_54 : i32
    %add3A_56 = vector.broadcast %add3A_55 : i32 to vector<16xi32>
    %add3A_57 = arith.addi %iota3A, %add3A_56 : vector<16xi32>
    %swap3A_58 = arith.constant 0 : index
    %swap3A_59 = tpu.vector_load %arg10[%swap3A_58] {strides = array<i32>} : memref<80xi32, #tpu.memory_space<vmem>>, vector<16xi32>,
    %swap3A_60 = vector.shape_cast %swap3A_59 : vector<16xi32> to vector<16xi32>
    %swap3A_61 = vector.shape_cast %add3A_57 : vector<16xi32> to vector<16xi32>
    tpu.vector_store %arg10[%swap3A_58], %swap3A_61 {strides = array<i32>} : memref<80xi32, #tpu.memory_space<vmem>>, vector<16xi32>,
    %add3A_62 = arith.constant 16 : i32
    %add3A_63 = arith.addi %add3A_53, %add3A_62 : i32
    %add3A_64 = vector.broadcast %add3A_63 : i32 to vector<16xi32>
    %add3A_65 = arith.addi %iota3A, %add3A_64 : vector<16xi32>
    %swap3A_66 = arith.constant 16 : index
    %swap3A_67 = tpu.vector_load %arg10[%swap3A_66] {strides = array<i32>} : memref<80xi32, #tpu.memory_space<vmem>>, vector<16xi32>,
    %swap3A_68 = vector.shape_cast %swap3A_67 : vector<16xi32> to vector<16xi32>
    %swap3A_69 = vector.shape_cast %add3A_65 : vector<16xi32> to vector<16xi32>
    tpu.vector_store %arg10[%swap3A_66], %swap3A_69 {strides = array<i32>} : memref<80xi32, #tpu.memory_space<vmem>>, vector<16xi32>,
    %add3A_70 = arith.constant 32 : i32
    %add3A_71 = arith.addi %add3A_53, %add3A_70 : i32
    %add3A_72 = vector.broadcast %add3A_71 : i32 to vector<16xi32>
    %add3A_73 = arith.addi %iota3A, %add3A_72 : vector<16xi32>
    %swap3A_74 = arith.constant 32 : index
    %swap3A_75 = tpu.vector_load %arg10[%swap3A_74] {strides = array<i32>} : memref<80xi32, #tpu.memory_space<vmem>>, vector<16xi32>,
    %swap3A_76 = vector.shape_cast %swap3A_75 : vector<16xi32> to vector<16xi32>
    %swap3A_77 = vector.shape_cast %add3A_73 : vector<16xi32> to vector<16xi32>
    tpu.vector_store %arg10[%swap3A_74], %swap3A_77 {strides = array<i32>} : memref<80xi32, #tpu.memory_space<vmem>>, vector<16xi32>,
    %add3A_78 = arith.constant 48 : i32
    %add3A_79 = arith.addi %add3A_53, %add3A_78 : i32
    %add3A_80 = vector.broadcast %add3A_79 : i32 to vector<16xi32>
    %add3A_81 = arith.addi %iota3A, %add3A_80 : vector<16xi32>
    %swap3A_82 = arith.constant 48 : index
    %swap3A_83 = tpu.vector_load %arg10[%swap3A_82] {strides = array<i32>} : memref<80xi32, #tpu.memory_space<vmem>>, vector<16xi32>,
    %swap3A_84 = vector.shape_cast %swap3A_83 : vector<16xi32> to vector<16xi32>
    %swap3A_85 = vector.shape_cast %add3A_81 : vector<16xi32> to vector<16xi32>
    tpu.vector_store %arg10[%swap3A_82], %swap3A_85 {strides = array<i32>} : memref<80xi32, #tpu.memory_space<vmem>>, vector<16xi32>,
    %add3A_86 = arith.constant 64 : i32
    %add3A_87 = arith.addi %add3A_53, %add3A_86 : i32
    %add3A_88 = vector.broadcast %add3A_87 : i32 to vector<16xi32>
    %add3A_89 = arith.addi %iota3A, %add3A_88 : vector<16xi32>
    %swap3A_90 = arith.constant 64 : index
    %swap3A_91 = tpu.vector_load %arg10[%swap3A_90] {strides = array<i32>} : memref<80xi32, #tpu.memory_space<vmem>>, vector<16xi32>,
    %swap3A_92 = vector.shape_cast %swap3A_91 : vector<16xi32> to vector<16xi32>
    %swap3A_93 = vector.shape_cast %add3A_89 : vector<16xi32> to vector<16xi32>
    tpu.vector_store %arg10[%swap3A_90], %swap3A_93 {strides = array<i32>} : memref<80xi32, #tpu.memory_space<vmem>>, vector<16xi32>,
    "tpu.region"() ({
      %run_scoped3A = tpu.sem_alloc : memref<!tpu.dma_semaphore, #tpu.memory_space<semaphore_mem>>
      %dma_start3A_839 = arith.constant 0 : i32
      %dma_start3A_840 = arith.constant 0 : i32
      %dma_start3A_841 = tpu.memref_slice %arg13[%dma_start3A_839, %dma_start3A_840] : memref<10240x128xf32, #tpu.memory_space<vmem_shared>> -> memref<10240x128xf32, #tpu.memory_space<vmem_shared>>
      tpu.enqueue_indirect_dma source(%arg11 : memref<80x128xf32, #tpu.memory_space<vmem>>) target(%dma_start3A_841 : memref<10240x128xf32, #tpu.memory_space<vmem_shared>>) offsets(%arg10 : memref<80xi32, #tpu.memory_space<vmem>>) semaphore(%run_scoped3A : memref<!tpu.dma_semaphore, #tpu.memory_space<semaphore_mem>>)
      %dma_wait3A_842 = arith.constant 0 : i32
      %dma_wait3A_843 = arith.constant 0 : i32
      %dma_wait3A_844 = tpu.memref_slice %arg13[%dma_wait3A_842, %dma_wait3A_843] : memref<10240x128xf32, #tpu.memory_space<vmem_shared>> -> memref<10240x128xf32, #tpu.memory_space<vmem_shared>>
      tpu.wait_indirect_dma semaphore(%run_scoped3A : memref<!tpu.dma_semaphore, #tpu.memory_space<semaphore_mem>>) src(%arg11 : memref<80x128xf32, #tpu.memory_space<vmem>>) dst(%dma_wait3A_844 : memref<10240x128xf32, #tpu.memory_space<vmem_shared>>)
      tpu.yield
    }) : () -> ()
    %add3A_94 = arith.constant 160 : i32
    %add3A_95 = arith.addi %mul3A_3, %add3A_94 : i32
    %add3A_96 = arith.constant 0 : i32
    %add3A_97 = arith.addi %add3A_95, %add3A_96 : i32
    %add3A_98 = vector.broadcast %add3A_97 : i32 to vector<16xi32>
    %add3A_99 = arith.addi %iota3A, %add3A_98 : vector<16xi32>
    %swap3A_100 = arith.constant 0 : index
    %swap3A_101 = tpu.vector_load %arg10[%swap3A_100] {strides = array<i32>} : memref<80xi32, #tpu.memory_space<vmem>>, vector<16xi32>,
    %swap3A_102 = vector.shape_cast %swap3A_101 : vector<16xi32> to vector<16xi32>
    %swap3A_103 = vector.shape_cast %add3A_99 : vector<16xi32> to vector<16xi32>
    tpu.vector_store %arg10[%swap3A_100], %swap3A_103 {strides = array<i32>} : memref<80xi32, #tpu.memory_space<vmem>>, vector<16xi32>,
    %add3A_104 = arith.constant 16 : i32
    %add3A_105 = arith.addi %add3A_95, %add3A_104 : i32
    %add3A_106 = vector.broadcast %add3A_105 : i32 to vector<16xi32>
    %add3A_107 = arith.addi %iota3A, %add3A_106 : vector<16xi32>
    %swap3A_108 = arith.constant 16 : index
    %swap3A_109 = tpu.vector_load %arg10[%swap3A_108] {strides = array<i32>} : memref<80xi32, #tpu.memory_space<vmem>>, vector<16xi32>,
    %swap3A_110 = vector.shape_cast %swap3A_109 : vector<16xi32> to vector<16xi32>
    %swap3A_111 = vector.shape_cast %add3A_107 : vector<16xi32> to vector<16xi32>
    tpu.vector_store %arg10[%swap3A_108], %swap3A_111 {strides = array<i32>} : memref<80xi32, #tpu.memory_space<vmem>>, vector<16xi32>,
    %add3A_112 = arith.constant 32 : i32
    %add3A_113 = arith.addi %add3A_95, %add3A_112 : i32
    %add3A_114 = vector.broadcast %add3A_113 : i32 to vector<16xi32>
    %add3A_115 = arith.addi %iota3A, %add3A_114 : vector<16xi32>
    %swap3A_116 = arith.constant 32 : index
    %swap3A_117 = tpu.vector_load %arg10[%swap3A_116] {strides = array<i32>} : memref<80xi32, #tpu.memory_space<vmem>>, vector<16xi32>,
    %swap3A_118 = vector.shape_cast %swap3A_117 : vector<16xi32> to vector<16xi32>
    %swap3A_119 = vector.shape_cast %add3A_115 : vector<16xi32> to vector<16xi32>
    tpu.vector_store %arg10[%swap3A_116], %swap3A_119 {strides = array<i32>} : memref<80xi32, #tpu.memory_space<vmem>>, vector<16xi32>,
    %add3A_120 = arith.constant 48 : i32
    %add3A_121 = arith.addi %add3A_95, %add3A_120 : i32
    %add3A_122 = vector.broadcast %add3A_121 : i32 to vector<16xi32>
    %add3A_123 = arith.addi %iota3A, %add3A_122 : vector<16xi32>
    %swap3A_124 = arith.constant 48 : index
    %swap3A_125 = tpu.vector_load %arg10[%swap3A_124] {strides = array<i32>} : memref<80xi32, #tpu.memory_space<vmem>>, vector<16xi32>,
    %swap3A_126 = vector.shape_cast %swap3A_125 : vector<16xi32> to vector<16xi32>
    %swap3A_127 = vector.shape_cast %add3A_123 : vector<16xi32> to vector<16xi32>
    tpu.vector_store %arg10[%swap3A_124], %swap3A_127 {strides = array<i32>} : memref<80xi32, #tpu.memory_space<vmem>>, vector<16xi32>,
    %add3A_128 = arith.constant 64 : i32
    %add3A_129 = arith.addi %add3A_95, %add3A_128 : i32
    %add3A_130 = vector.broadcast %add3A_129 : i32 to vector<16xi32>
    %add3A_131 = arith.addi %iota3A, %add3A_130 : vector<16xi32>
    %swap3A_132 = arith.constant 64 : index
    %swap3A_133 = tpu.vector_load %arg10[%swap3A_132] {strides = array<i32>} : memref<80xi32, #tpu.memory_space<vmem>>, vector<16xi32>,
    %swap3A_134 = vector.shape_cast %swap3A_133 : vector<16xi32> to vector<16xi32>
    %swap3A_135 = vector.shape_cast %add3A_131 : vector<16xi32> to vector<16xi32>
    tpu.vector_store %arg10[%swap3A_132], %swap3A_135 {strides = array<i32>} : memref<80xi32, #tpu.memory_space<vmem>>, vector<16xi32>,
    "tpu.region"() ({
      %run_scoped3A = tpu.sem_alloc : memref<!tpu.dma_semaphore, #tpu.memory_space<semaphore_mem>>
      %dma_start3A_839 = arith.constant 0 : i32
      %dma_start3A_840 = arith.constant 0 : i32
      %dma_start3A_841 = tpu.memref_slice %arg13[%dma_start3A_839, %dma_start3A_840] : memref<10240x128xf32, #tpu.memory_space<vmem_shared>> -> memref<10240x128xf32, #tpu.memory_space<vmem_shared>>
      tpu.enqueue_indirect_dma source(%arg11 : memref<80x128xf32, #tpu.memory_space<vmem>>) target(%dma_start3A_841 : memref<10240x128xf32, #tpu.memory_space<vmem_shared>>) offsets(%arg10 : memref<80xi32, #tpu.memory_space<vmem>>) semaphore(%run_scoped3A : memref<!tpu.dma_semaphore, #tpu.memory_space<semaphore_mem>>)
      %dma_wait3A_842 = arith.constant 0 : i32
      %dma_wait3A_843 = arith.constant 0 : i32
      %dma_wait3A_844 = tpu.memref_slice %arg13[%dma_wait3A_842, %dma_wait3A_843] : memref<10240x128xf32, #tpu.memory_space<vmem_shared>> -> memref<10240x128xf32, #tpu.memory_space<vmem_shared>>
      tpu.wait_indirect_dma semaphore(%run_scoped3A : memref<!tpu.dma_semaphore, #tpu.memory_space<semaphore_mem>>) src(%arg11 : memref<80x128xf32, #tpu.memory_space<vmem>>) dst(%dma_wait3A_844 : memref<10240x128xf32, #tpu.memory_space<vmem_shared>>)
      tpu.yield
    }) : () -> ()
    %add3A_136 = arith.constant 240 : i32
    %add3A_137 = arith.addi %mul3A_3, %add3A_136 : i32
    %add3A_138 = arith.constant 0 : i32
    %add3A_139 = arith.addi %add3A_137, %add3A_138 : i32
    %add3A_140 = vector.broadcast %add3A_139 : i32 to vector<16xi32>
    %add3A_141 = arith.addi %iota3A, %add3A_140 : vector<16xi32>
    %swap3A_142 = arith.constant 0 : index
    %swap3A_143 = tpu.vector_load %arg10[%swap3A_142] {strides = array<i32>} : memref<80xi32, #tpu.memory_space<vmem>>, vector<16xi32>,
    %swap3A_144 = vector.shape_cast %swap3A_143 : vector<16xi32> to vector<16xi32>
    %swap3A_145 = vector.shape_cast %add3A_141 : vector<16xi32> to vector<16xi32>
    tpu.vector_store %arg10[%swap3A_142], %swap3A_145 {strides = array<i32>} : memref<80xi32, #tpu.memory_space<vmem>>, vector<16xi32>,
    %add3A_146 = arith.constant 16 : i32
    %add3A_147 = arith.addi %add3A_137, %add3A_146 : i32
    %add3A_148 = vector.broadcast %add3A_147 : i32 to vector<16xi32>
    %add3A_149 = arith.addi %iota3A, %add3A_148 : vector<16xi32>
    %swap3A_150 = arith.constant 16 : index
    %swap3A_151 = tpu.vector_load %arg10[%swap3A_150] {strides = array<i32>} : memref<80xi32, #tpu.memory_space<vmem>>, vector<16xi32>,
    %swap3A_152 = vector.shape_cast %swap3A_151 : vector<16xi32> to vector<16xi32>
    %swap3A_153 = vector.shape_cast %add3A_149 : vector<16xi32> to vector<16xi32>
    tpu.vector_store %arg10[%swap3A_150], %swap3A_153 {strides = array<i32>} : memref<80xi32, #tpu.memory_space<vmem>>, vector<16xi32>,
    %add3A_154 = arith.constant 32 : i32
    %add3A_155 = arith.addi %add3A_137, %add3A_154 : i32
    %add3A_156 = vector.broadcast %add3A_155 : i32 to vector<16xi32>
    %add3A_157 = arith.addi %iota3A, %add3A_156 : vector<16xi32>
    %swap3A_158 = arith.constant 32 : index
    %swap3A_159 = tpu.vector_load %arg10[%swap3A_158] {strides = array<i32>} : memref<80xi32, #tpu.memory_space<vmem>>, vector<16xi32>,
    %swap3A_160 = vector.shape_cast %swap3A_159 : vector<16xi32> to vector<16xi32>
    %swap3A_161 = vector.shape_cast %add3A_157 : vector<16xi32> to vector<16xi32>
    tpu.vector_store %arg10[%swap3A_158], %swap3A_161 {strides = array<i32>} : memref<80xi32, #tpu.memory_space<vmem>>, vector<16xi32>,
    %add3A_162 = arith.constant 48 : i32
    %add3A_163 = arith.addi %add3A_137, %add3A_162 : i32
    %add3A_164 = vector.broadcast %add3A_163 : i32 to vector<16xi32>
    %add3A_165 = arith.addi %iota3A, %add3A_164 : vector<16xi32>
    %swap3A_166 = arith.constant 48 : index
    %swap3A_167 = tpu.vector_load %arg10[%swap3A_166] {strides = array<i32>} : memref<80xi32, #tpu.memory_space<vmem>>, vector<16xi32>,
    %swap3A_168 = vector.shape_cast %swap3A_167 : vector<16xi32> to vector<16xi32>
    %swap3A_169 = vector.shape_cast %add3A_165 : vector<16xi32> to vector<16xi32>
    tpu.vector_store %arg10[%swap3A_166], %swap3A_169 {strides = array<i32>} : memref<80xi32, #tpu.memory_space<vmem>>, vector<16xi32>,
    %add3A_170 = arith.constant 64 : i32
    %add3A_171 = arith.addi %add3A_137, %add3A_170 : i32
    %add3A_172 = vector.broadcast %add3A_171 : i32 to vector<16xi32>
    %add3A_173 = arith.addi %iota3A, %add3A_172 : vector<16xi32>
    %swap3A_174 = arith.constant 64 : index
    %swap3A_175 = tpu.vector_load %arg10[%swap3A_174] {strides = array<i32>} : memref<80xi32, #tpu.memory_space<vmem>>, vector<16xi32>,
    %swap3A_176 = vector.shape_cast %swap3A_175 : vector<16xi32> to vector<16xi32>
    %swap3A_177 = vector.shape_cast %add3A_173 : vector<16xi32> to vector<16xi32>
    tpu.vector_store %arg10[%swap3A_174], %swap3A_177 {strides = array<i32>} : memref<80xi32, #tpu.memory_space<vmem>>, vector<16xi32>,
    "tpu.region"() ({
      %run_scoped3A = tpu.sem_alloc : memref<!tpu.dma_semaphore, #tpu.memory_space<semaphore_mem>>
      %dma_start3A_839 = arith.constant 0 : i32
      %dma_start3A_840 = arith.constant 0 : i32
      %dma_start3A_841 = tpu.memref_slice %arg13[%dma_start3A_839, %dma_start3A_840] : memref<10240x128xf32, #tpu.memory_space<vmem_shared>> -> memref<10240x128xf32, #tpu.memory_space<vmem_shared>>
      tpu.enqueue_indirect_dma source(%arg11 : memref<80x128xf32, #tpu.memory_space<vmem>>) target(%dma_start3A_841 : memref<10240x128xf32, #tpu.memory_space<vmem_shared>>) offsets(%arg10 : memref<80xi32, #tpu.memory_space<vmem>>) semaphore(%run_scoped3A : memref<!tpu.dma_semaphore, #tpu.memory_space<semaphore_mem>>)
      %dma_wait3A_842 = arith.constant 0 : i32
      %dma_wait3A_843 = arith.constant 0 : i32
      %dma_wait3A_844 = tpu.memref_slice %arg13[%dma_wait3A_842, %dma_wait3A_843] : memref<10240x128xf32, #tpu.memory_space<vmem_shared>> -> memref<10240x128xf32, #tpu.memory_space<vmem_shared>>
      tpu.wait_indirect_dma semaphore(%run_scoped3A : memref<!tpu.dma_semaphore, #tpu.memory_space<semaphore_mem>>) src(%arg11 : memref<80x128xf32, #tpu.memory_space<vmem>>) dst(%dma_wait3A_844 : memref<10240x128xf32, #tpu.memory_space<vmem_shared>>)
      tpu.yield
    }) : () -> ()
    %add3A_178 = arith.constant 320 : i32
    %add3A_179 = arith.addi %mul3A_3, %add3A_178 : i32
    %add3A_180 = arith.constant 0 : i32
    %add3A_181 = arith.addi %add3A_179, %add3A_180 : i32
    %add3A_182 = vector.broadcast %add3A_181 : i32 to vector<16xi32>
    %add3A_183 = arith.addi %iota3A, %add3A_182 : vector<16xi32>
    %swap3A_184 = arith.constant 0 : index
    %swap3A_185 = tpu.vector_load %arg10[%swap3A_184] {strides = array<i32>} : memref<80xi32, #tpu.memory_space<vmem>>, vector<16xi32>,
    %swap3A_186 = vector.shape_cast %swap3A_185 : vector<16xi32> to vector<16xi32>
    %swap3A_187 = vector.shape_cast %add3A_183 : vector<16xi32> to vector<16xi32>
    tpu.vector_store %arg10[%swap3A_184], %swap3A_187 {strides = array<i32>} : memref<80xi32, #tpu.memory_space<vmem>>, vector<16xi32>,
    %add3A_188 = arith.constant 16 : i32
    %add3A_189 = arith.addi %add3A_179, %add3A_188 : i32
    %add3A_190 = vector.broadcast %add3A_189 : i32 to vector<16xi32>
    %add3A_191 = arith.addi %iota3A, %add3A_190 : vector<16xi32>
    %swap3A_192 = arith.constant 16 : index
    %swap3A_193 = tpu.vector_load %arg10[%swap3A_192] {strides = array<i32>} : memref<80xi32, #tpu.memory_space<vmem>>, vector<16xi32>,
    %swap3A_194 = vector.shape_cast %swap3A_193 : vector<16xi32> to vector<16xi32>
    %swap3A_195 = vector.shape_cast %add3A_191 : vector<16xi32> to vector<16xi32>
    tpu.vector_store %arg10[%swap3A_192], %swap3A_195 {strides = array<i32>} : memref<80xi32, #tpu.memory_space<vmem>>, vector<16xi32>,
    %add3A_196 = arith.constant 32 : i32
    %add3A_197 = arith.addi %add3A_179, %add3A_196 : i32
    %add3A_198 = vector.broadcast %add3A_197 : i32 to vector<16xi32>
    %add3A_199 = arith.addi %iota3A, %add3A_198 : vector<16xi32>
    %swap3A_200 = arith.constant 32 : index
    %swap3A_201 = tpu.vector_load %arg10[%swap3A_200] {strides = array<i32>} : memref<80xi32, #tpu.memory_space<vmem>>, vector<16xi32>,
    %swap3A_202 = vector.shape_cast %swap3A_201 : vector<16xi32> to vector<16xi32>
    %swap3A_203 = vector.shape_cast %add3A_199 : vector<16xi32> to vector<16xi32>
    tpu.vector_store %arg10[%swap3A_200], %swap3A_203 {strides = array<i32>} : memref<80xi32, #tpu.memory_space<vmem>>, vector<16xi32>,
    %add3A_204 = arith.constant 48 : i32
    %add3A_205 = arith.addi %add3A_179, %add3A_204 : i32
    %add3A_206 = vector.broadcast %add3A_205 : i32 to vector<16xi32>
    %add3A_207 = arith.addi %iota3A, %add3A_206 : vector<16xi32>
    %swap3A_208 = arith.constant 48 : index
    %swap3A_209 = tpu.vector_load %arg10[%swap3A_208] {strides = array<i32>} : memref<80xi32, #tpu.memory_space<vmem>>, vector<16xi32>,
    %swap3A_210 = vector.shape_cast %swap3A_209 : vector<16xi32> to vector<16xi32>
    %swap3A_211 = vector.shape_cast %add3A_207 : vector<16xi32> to vector<16xi32>
    tpu.vector_store %arg10[%swap3A_208], %swap3A_211 {strides = array<i32>} : memref<80xi32, #tpu.memory_space<vmem>>, vector<16xi32>,
    %add3A_212 = arith.constant 64 : i32
    %add3A_213 = arith.addi %add3A_179, %add3A_212 : i32
    %add3A_214 = vector.broadcast %add3A_213 : i32 to vector<16xi32>
    %add3A_215 = arith.addi %iota3A, %add3A_214 : vector<16xi32>
    %swap3A_216 = arith.constant 64 : index
    %swap3A_217 = tpu.vector_load %arg10[%swap3A_216] {strides = array<i32>} : memref<80xi32, #tpu.memory_space<vmem>>, vector<16xi32>,
    %swap3A_218 = vector.shape_cast %swap3A_217 : vector<16xi32> to vector<16xi32>
    %swap3A_219 = vector.shape_cast %add3A_215 : vector<16xi32> to vector<16xi32>
    tpu.vector_store %arg10[%swap3A_216], %swap3A_219 {strides = array<i32>} : memref<80xi32, #tpu.memory_space<vmem>>, vector<16xi32>,
    "tpu.region"() ({
      %run_scoped3A = tpu.sem_alloc : memref<!tpu.dma_semaphore, #tpu.memory_space<semaphore_mem>>
      %dma_start3A_839 = arith.constant 0 : i32
      %dma_start3A_840 = arith.constant 0 : i32
      %dma_start3A_841 = tpu.memref_slice %arg13[%dma_start3A_839, %dma_start3A_840] : memref<10240x128xf32, #tpu.memory_space<vmem_shared>> -> memref<10240x128xf32, #tpu.memory_space<vmem_shared>>
      tpu.enqueue_indirect_dma source(%arg11 : memref<80x128xf32, #tpu.memory_space<vmem>>) target(%dma_start3A_841 : memref<10240x128xf32, #tpu.memory_space<vmem_shared>>) offsets(%arg10 : memref<80xi32, #tpu.memory_space<vmem>>) semaphore(%run_scoped3A : memref<!tpu.dma_semaphore, #tpu.memory_space<semaphore_mem>>)
      %dma_wait3A_842 = arith.constant 0 : i32
      %dma_wait3A_843 = arith.constant 0 : i32
      %dma_wait3A_844 = tpu.memref_slice %arg13[%dma_wait3A_842, %dma_wait3A_843] : memref<10240x128xf32, #tpu.memory_space<vmem_shared>> -> memref<10240x128xf32, #tpu.memory_space<vmem_shared>>
      tpu.wait_indirect_dma semaphore(%run_scoped3A : memref<!tpu.dma_semaphore, #tpu.memory_space<semaphore_mem>>) src(%arg11 : memref<80x128xf32, #tpu.memory_space<vmem>>) dst(%dma_wait3A_844 : memref<10240x128xf32, #tpu.memory_space<vmem_shared>>)
      tpu.yield
    }) : () -> ()
    %add3A_220 = arith.constant 400 : i32
    %add3A_221 = arith.addi %mul3A_3, %add3A_220 : i32
    %add3A_222 = arith.constant 0 : i32
    %add3A_223 = arith.addi %add3A_221, %add3A_222 : i32
    %add3A_224 = vector.broadcast %add3A_223 : i32 to vector<16xi32>
    %add3A_225 = arith.addi %iota3A, %add3A_224 : vector<16xi32>
    %swap3A_226 = arith.constant 0 : index
    %swap3A_227 = tpu.vector_load %arg10[%swap3A_226] {strides = array<i32>} : memref<80xi32, #tpu.memory_space<vmem>>, vector<16xi32>,
    %swap3A_228 = vector.shape_cast %swap3A_227 : vector<16xi32> to vector<16xi32>
    %swap3A_229 = vector.shape_cast %add3A_225 : vector<16xi32> to vector<16xi32>
    tpu.vector_store %arg10[%swap3A_226], %swap3A_229 {strides = array<i32>} : memref<80xi32, #tpu.memory_space<vmem>>, vector<16xi32>,
    %add3A_230 = arith.constant 16 : i32
    %add3A_231 = arith.addi %add3A_221, %add3A_230 : i32
    %add3A_232 = vector.broadcast %add3A_231 : i32 to vector<16xi32>
    %add3A_233 = arith.addi %iota3A, %add3A_232 : vector<16xi32>
    %swap3A_234 = arith.constant 16 : index
    %swap3A_235 = tpu.vector_load %arg10[%swap3A_234] {strides = array<i32>} : memref<80xi32, #tpu.memory_space<vmem>>, vector<16xi32>,
    %swap3A_236 = vector.shape_cast %swap3A_235 : vector<16xi32> to vector<16xi32>
    %swap3A_237 = vector.shape_cast %add3A_233 : vector<16xi32> to vector<16xi32>
    tpu.vector_store %arg10[%swap3A_234], %swap3A_237 {strides = array<i32>} : memref<80xi32, #tpu.memory_space<vmem>>, vector<16xi32>,
    %add3A_238 = arith.constant 32 : i32
    %add3A_239 = arith.addi %add3A_221, %add3A_238 : i32
    %add3A_240 = vector.broadcast %add3A_239 : i32 to vector<16xi32>
    %add3A_241 = arith.addi %iota3A, %add3A_240 : vector<16xi32>
    %swap3A_242 = arith.constant 32 : index
    %swap3A_243 = tpu.vector_load %arg10[%swap3A_242] {strides = array<i32>} : memref<80xi32, #tpu.memory_space<vmem>>, vector<16xi32>,
    %swap3A_244 = vector.shape_cast %swap3A_243 : vector<16xi32> to vector<16xi32>
    %swap3A_245 = vector.shape_cast %add3A_241 : vector<16xi32> to vector<16xi32>
    tpu.vector_store %arg10[%swap3A_242], %swap3A_245 {strides = array<i32>} : memref<80xi32, #tpu.memory_space<vmem>>, vector<16xi32>,
    %add3A_246 = arith.constant 48 : i32
    %add3A_247 = arith.addi %add3A_221, %add3A_246 : i32
    %add3A_248 = vector.broadcast %add3A_247 : i32 to vector<16xi32>
    %add3A_249 = arith.addi %iota3A, %add3A_248 : vector<16xi32>
    %swap3A_250 = arith.constant 48 : index
    %swap3A_251 = tpu.vector_load %arg10[%swap3A_250] {strides = array<i32>} : memref<80xi32, #tpu.memory_space<vmem>>, vector<16xi32>,
    %swap3A_252 = vector.shape_cast %swap3A_251 : vector<16xi32> to vector<16xi32>
    %swap3A_253 = vector.shape_cast %add3A_249 : vector<16xi32> to vector<16xi32>
    tpu.vector_store %arg10[%swap3A_250], %swap3A_253 {strides = array<i32>} : memref<80xi32, #tpu.memory_space<vmem>>, vector<16xi32>,
    %add3A_254 = arith.constant 64 : i32
    %add3A_255 = arith.addi %add3A_221, %add3A_254 : i32
    %add3A_256 = vector.broadcast %add3A_255 : i32 to vector<16xi32>
    %add3A_257 = arith.addi %iota3A, %add3A_256 : vector<16xi32>
    %swap3A_258 = arith.constant 64 : index
    %swap3A_259 = tpu.vector_load %arg10[%swap3A_258] {strides = array<i32>} : memref<80xi32, #tpu.memory_space<vmem>>, vector<16xi32>,
    %swap3A_260 = vector.shape_cast %swap3A_259 : vector<16xi32> to vector<16xi32>
    %swap3A_261 = vector.shape_cast %add3A_257 : vector<16xi32> to vector<16xi32>
    tpu.vector_store %arg10[%swap3A_258], %swap3A_261 {strides = array<i32>} : memref<80xi32, #tpu.memory_space<vmem>>, vector<16xi32>,
    "tpu.region"() ({
      %run_scoped3A = tpu.sem_alloc : memref<!tpu.dma_semaphore, #tpu.memory_space<semaphore_mem>>
      %dma_start3A_839 = arith.constant 0 : i32
      %dma_start3A_840 = arith.constant 0 : i32
      %dma_start3A_841 = tpu.memref_slice %arg13[%dma_start3A_839, %dma_start3A_840] : memref<10240x128xf32, #tpu.memory_space<vmem_shared>> -> memref<10240x128xf32, #tpu.memory_space<vmem_shared>>
      tpu.enqueue_indirect_dma source(%arg11 : memref<80x128xf32, #tpu.memory_space<vmem>>) target(%dma_start3A_841 : memref<10240x128xf32, #tpu.memory_space<vmem_shared>>) offsets(%arg10 : memref<80xi32, #tpu.memory_space<vmem>>) semaphore(%run_scoped3A : memref<!tpu.dma_semaphore, #tpu.memory_space<semaphore_mem>>)
      %dma_wait3A_842 = arith.constant 0 : i32
      %dma_wait3A_843 = arith.constant 0 : i32
      %dma_wait3A_844 = tpu.memref_slice %arg13[%dma_wait3A_842, %dma_wait3A_843] : memref<10240x128xf32, #tpu.memory_space<vmem_shared>> -> memref<10240x128xf32, #tpu.memory_space<vmem_shared>>
      tpu.wait_indirect_dma semaphore(%run_scoped3A : memref<!tpu.dma_semaphore, #tpu.memory_space<semaphore_mem>>) src(%arg11 : memref<80x128xf32, #tpu.memory_space<vmem>>) dst(%dma_wait3A_844 : memref<10240x128xf32, #tpu.memory_space<vmem_shared>>)
      tpu.yield
    }) : () -> ()
    %add3A_262 = arith.constant 480 : i32
    %add3A_263 = arith.addi %mul3A_3, %add3A_262 : i32
    %add3A_264 = arith.constant 0 : i32
    %add3A_265 = arith.addi %add3A_263, %add3A_264 : i32
    %add3A_266 = vector.broadcast %add3A_265 : i32 to vector<16xi32>
    %add3A_267 = arith.addi %iota3A, %add3A_266 : vector<16xi32>
    %swap3A_268 = arith.constant 0 : index
    %swap3A_269 = tpu.vector_load %arg10[%swap3A_268] {strides = array<i32>} : memref<80xi32, #tpu.memory_space<vmem>>, vector<16xi32>,
    %swap3A_270 = vector.shape_cast %swap3A_269 : vector<16xi32> to vector<16xi32>
    %swap3A_271 = vector.shape_cast %add3A_267 : vector<16xi32> to vector<16xi32>
    tpu.vector_store %arg10[%swap3A_268], %swap3A_271 {strides = array<i32>} : memref<80xi32, #tpu.memory_space<vmem>>, vector<16xi32>,
    %add3A_272 = arith.constant 16 : i32
    %add3A_273 = arith.addi %add3A_263, %add3A_272 : i32
    %add3A_274 = vector.broadcast %add3A_273 : i32 to vector<16xi32>
    %add3A_275 = arith.addi %iota3A, %add3A_274 : vector<16xi32>
    %swap3A_276 = arith.constant 16 : index
    %swap3A_277 = tpu.vector_load %arg10[%swap3A_276] {strides = array<i32>} : memref<80xi32, #tpu.memory_space<vmem>>, vector<16xi32>,
    %swap3A_278 = vector.shape_cast %swap3A_277 : vector<16xi32> to vector<16xi32>
    %swap3A_279 = vector.shape_cast %add3A_275 : vector<16xi32> to vector<16xi32>
    tpu.vector_store %arg10[%swap3A_276], %swap3A_279 {strides = array<i32>} : memref<80xi32, #tpu.memory_space<vmem>>, vector<16xi32>,
    %add3A_280 = arith.constant 32 : i32
    %add3A_281 = arith.addi %add3A_263, %add3A_280 : i32
    %add3A_282 = vector.broadcast %add3A_281 : i32 to vector<16xi32>
    %add3A_283 = arith.addi %iota3A, %add3A_282 : vector<16xi32>
    %swap3A_284 = arith.constant 32 : index
    %swap3A_285 = tpu.vector_load %arg10[%swap3A_284] {strides = array<i32>} : memref<80xi32, #tpu.memory_space<vmem>>, vector<16xi32>,
    %swap3A_286 = vector.shape_cast %swap3A_285 : vector<16xi32> to vector<16xi32>
    %swap3A_287 = vector.shape_cast %add3A_283 : vector<16xi32> to vector<16xi32>
    tpu.vector_store %arg10[%swap3A_284], %swap3A_287 {strides = array<i32>} : memref<80xi32, #tpu.memory_space<vmem>>, vector<16xi32>,
    %add3A_288 = arith.constant 48 : i32
    %add3A_289 = arith.addi %add3A_263, %add3A_288 : i32
    %add3A_290 = vector.broadcast %add3A_289 : i32 to vector<16xi32>
    %add3A_291 = arith.addi %iota3A, %add3A_290 : vector<16xi32>
    %swap3A_292 = arith.constant 48 : index
    %swap3A_293 = tpu.vector_load %arg10[%swap3A_292] {strides = array<i32>} : memref<80xi32, #tpu.memory_space<vmem>>, vector<16xi32>,
    %swap3A_294 = vector.shape_cast %swap3A_293 : vector<16xi32> to vector<16xi32>
    %swap3A_295 = vector.shape_cast %add3A_291 : vector<16xi32> to vector<16xi32>
    tpu.vector_store %arg10[%swap3A_292], %swap3A_295 {strides = array<i32>} : memref<80xi32, #tpu.memory_space<vmem>>, vector<16xi32>,
    %add3A_296 = arith.constant 64 : i32
    %add3A_297 = arith.addi %add3A_263, %add3A_296 : i32
    %add3A_298 = vector.broadcast %add3A_297 : i32 to vector<16xi32>
    %add3A_299 = arith.addi %iota3A, %add3A_298 : vector<16xi32>
    %swap3A_300 = arith.constant 64 : index
    %swap3A_301 = tpu.vector_load %arg10[%swap3A_300] {strides = array<i32>} : memref<80xi32, #tpu.memory_space<vmem>>, vector<16xi32>,
    %swap3A_302 = vector.shape_cast %swap3A_301 : vector<16xi32> to vector<16xi32>
    %swap3A_303 = vector.shape_cast %add3A_299 : vector<16xi32> to vector<16xi32>
    tpu.vector_store %arg10[%swap3A_300], %swap3A_303 {strides = array<i32>} : memref<80xi32, #tpu.memory_space<vmem>>, vector<16xi32>,
    "tpu.region"() ({
      %run_scoped3A = tpu.sem_alloc : memref<!tpu.dma_semaphore, #tpu.memory_space<semaphore_mem>>
      %dma_start3A_839 = arith.constant 0 : i32
      %dma_start3A_840 = arith.constant 0 : i32
      %dma_start3A_841 = tpu.memref_slice %arg13[%dma_start3A_839, %dma_start3A_840] : memref<10240x128xf32, #tpu.memory_space<vmem_shared>> -> memref<10240x128xf32, #tpu.memory_space<vmem_shared>>
      tpu.enqueue_indirect_dma source(%arg11 : memref<80x128xf32, #tpu.memory_space<vmem>>) target(%dma_start3A_841 : memref<10240x128xf32, #tpu.memory_space<vmem_shared>>) offsets(%arg10 : memref<80xi32, #tpu.memory_space<vmem>>) semaphore(%run_scoped3A : memref<!tpu.dma_semaphore, #tpu.memory_space<semaphore_mem>>)
      %dma_wait3A_842 = arith.constant 0 : i32
      %dma_wait3A_843 = arith.constant 0 : i32
      %dma_wait3A_844 = tpu.memref_slice %arg13[%dma_wait3A_842, %dma_wait3A_843] : memref<10240x128xf32, #tpu.memory_space<vmem_shared>> -> memref<10240x128xf32, #tpu.memory_space<vmem_shared>>
      tpu.wait_indirect_dma semaphore(%run_scoped3A : memref<!tpu.dma_semaphore, #tpu.memory_space<semaphore_mem>>) src(%arg11 : memref<80x128xf32, #tpu.memory_space<vmem>>) dst(%dma_wait3A_844 : memref<10240x128xf32, #tpu.memory_space<vmem_shared>>)
      tpu.yield
    }) : () -> ()
    %add3A_304 = arith.constant 560 : i32
    %add3A_305 = arith.addi %mul3A_3, %add3A_304 : i32
    %add3A_306 = arith.constant 0 : i32
    %add3A_307 = arith.addi %add3A_305, %add3A_306 : i32
    %add3A_308 = vector.broadcast %add3A_307 : i32 to vector<16xi32>
    %add3A_309 = arith.addi %iota3A, %add3A_308 : vector<16xi32>
    %swap3A_310 = arith.constant 0 : index
    %swap3A_311 = tpu.vector_load %arg10[%swap3A_310] {strides = array<i32>} : memref<80xi32, #tpu.memory_space<vmem>>, vector<16xi32>,
    %swap3A_312 = vector.shape_cast %swap3A_311 : vector<16xi32> to vector<16xi32>
    %swap3A_313 = vector.shape_cast %add3A_309 : vector<16xi32> to vector<16xi32>
    tpu.vector_store %arg10[%swap3A_310], %swap3A_313 {strides = array<i32>} : memref<80xi32, #tpu.memory_space<vmem>>, vector<16xi32>,
    %add3A_314 = arith.constant 16 : i32
    %add3A_315 = arith.addi %add3A_305, %add3A_314 : i32
    %add3A_316 = vector.broadcast %add3A_315 : i32 to vector<16xi32>
    %add3A_317 = arith.addi %iota3A, %add3A_316 : vector<16xi32>
    %swap3A_318 = arith.constant 16 : index
    %swap3A_319 = tpu.vector_load %arg10[%swap3A_318] {strides = array<i32>} : memref<80xi32, #tpu.memory_space<vmem>>, vector<16xi32>,
    %swap3A_320 = vector.shape_cast %swap3A_319 : vector<16xi32> to vector<16xi32>
    %swap3A_321 = vector.shape_cast %add3A_317 : vector<16xi32> to vector<16xi32>
    tpu.vector_store %arg10[%swap3A_318], %swap3A_321 {strides = array<i32>} : memref<80xi32, #tpu.memory_space<vmem>>, vector<16xi32>,
    %add3A_322 = arith.constant 32 : i32
    %add3A_323 = arith.addi %add3A_305, %add3A_322 : i32
    %add3A_324 = vector.broadcast %add3A_323 : i32 to vector<16xi32>
    %add3A_325 = arith.addi %iota3A, %add3A_324 : vector<16xi32>
    %swap3A_326 = arith.constant 32 : index
    %swap3A_327 = tpu.vector_load %arg10[%swap3A_326] {strides = array<i32>} : memref<80xi32, #tpu.memory_space<vmem>>, vector<16xi32>,
    %swap3A_328 = vector.shape_cast %swap3A_327 : vector<16xi32> to vector<16xi32>
    %swap3A_329 = vector.shape_cast %add3A_325 : vector<16xi32> to vector<16xi32>
    tpu.vector_store %arg10[%swap3A_326], %swap3A_329 {strides = array<i32>} : memref<80xi32, #tpu.memory_space<vmem>>, vector<16xi32>,
    %add3A_330 = arith.constant 48 : i32
    %add3A_331 = arith.addi %add3A_305, %add3A_330 : i32
    %add3A_332 = vector.broadcast %add3A_331 : i32 to vector<16xi32>
    %add3A_333 = arith.addi %iota3A, %add3A_332 : vector<16xi32>
    %swap3A_334 = arith.constant 48 : index
    %swap3A_335 = tpu.vector_load %arg10[%swap3A_334] {strides = array<i32>} : memref<80xi32, #tpu.memory_space<vmem>>, vector<16xi32>,
    %swap3A_336 = vector.shape_cast %swap3A_335 : vector<16xi32> to vector<16xi32>
    %swap3A_337 = vector.shape_cast %add3A_333 : vector<16xi32> to vector<16xi32>
    tpu.vector_store %arg10[%swap3A_334], %swap3A_337 {strides = array<i32>} : memref<80xi32, #tpu.memory_space<vmem>>, vector<16xi32>,
    %add3A_338 = arith.constant 64 : i32
    %add3A_339 = arith.addi %add3A_305, %add3A_338 : i32
    %add3A_340 = vector.broadcast %add3A_339 : i32 to vector<16xi32>
    %add3A_341 = arith.addi %iota3A, %add3A_340 : vector<16xi32>
    %swap3A_342 = arith.constant 64 : index
    %swap3A_343 = tpu.vector_load %arg10[%swap3A_342] {strides = array<i32>} : memref<80xi32, #tpu.memory_space<vmem>>, vector<16xi32>,
    %swap3A_344 = vector.shape_cast %swap3A_343 : vector<16xi32> to vector<16xi32>
    %swap3A_345 = vector.shape_cast %add3A_341 : vector<16xi32> to vector<16xi32>
    tpu.vector_store %arg10[%swap3A_342], %swap3A_345 {strides = array<i32>} : memref<80xi32, #tpu.memory_space<vmem>>, vector<16xi32>,
    "tpu.region"() ({
      %run_scoped3A = tpu.sem_alloc : memref<!tpu.dma_semaphore, #tpu.memory_space<semaphore_mem>>
      %dma_start3A_839 = arith.constant 0 : i32
      %dma_start3A_840 = arith.constant 0 : i32
      %dma_start3A_841 = tpu.memref_slice %arg13[%dma_start3A_839, %dma_start3A_840] : memref<10240x128xf32, #tpu.memory_space<vmem_shared>> -> memref<10240x128xf32, #tpu.memory_space<vmem_shared>>
      tpu.enqueue_indirect_dma source(%arg11 : memref<80x128xf32, #tpu.memory_space<vmem>>) target(%dma_start3A_841 : memref<10240x128xf32, #tpu.memory_space<vmem_shared>>) offsets(%arg10 : memref<80xi32, #tpu.memory_space<vmem>>) semaphore(%run_scoped3A : memref<!tpu.dma_semaphore, #tpu.memory_space<semaphore_mem>>)
      %dma_wait3A_842 = arith.constant 0 : i32
      %dma_wait3A_843 = arith.constant 0 : i32
      %dma_wait3A_844 = tpu.memref_slice %arg13[%dma_wait3A_842, %dma_wait3A_843] : memref<10240x128xf32, #tpu.memory_space<vmem_shared>> -> memref<10240x128xf32, #tpu.memory_space<vmem_shared>>
      tpu.wait_indirect_dma semaphore(%run_scoped3A : memref<!tpu.dma_semaphore, #tpu.memory_space<semaphore_mem>>) src(%arg11 : memref<80x128xf32, #tpu.memory_space<vmem>>) dst(%dma_wait3A_844 : memref<10240x128xf32, #tpu.memory_space<vmem_shared>>)
      tpu.yield
    }) : () -> ()
    %add3A_346 = arith.constant 0 : i32
    %add3A_347 = arith.addi %mul3A_5, %add3A_346 : i32
    %add3A_348 = vector.broadcast %add3A_347 : i32 to vector<16xi32>
    %add3A_349 = arith.addi %iota3A, %add3A_348 : vector<16xi32>
    %swap3A_350 = arith.constant 0 : index
    %swap3A_351 = tpu.vector_load %arg10[%swap3A_350] {strides = array<i32>} : memref<80xi32, #tpu.memory_space<vmem>>, vector<16xi32>,
    %swap3A_352 = vector.shape_cast %swap3A_351 : vector<16xi32> to vector<16xi32>
    %swap3A_353 = vector.shape_cast %add3A_349 : vector<16xi32> to vector<16xi32>
    tpu.vector_store %arg10[%swap3A_350], %swap3A_353 {strides = array<i32>} : memref<80xi32, #tpu.memory_space<vmem>>, vector<16xi32>,
    %add3A_354 = arith.constant 16 : i32
    %add3A_355 = arith.addi %mul3A_5, %add3A_354 : i32
    %add3A_356 = vector.broadcast %add3A_355 : i32 to vector<16xi32>
    %add3A_357 = arith.addi %iota3A, %add3A_356 : vector<16xi32>
    %swap3A_358 = arith.constant 16 : index
    %swap3A_359 = tpu.vector_load %arg10[%swap3A_358] {strides = array<i32>} : memref<80xi32, #tpu.memory_space<vmem>>, vector<16xi32>,
    %swap3A_360 = vector.shape_cast %swap3A_359 : vector<16xi32> to vector<16xi32>
    %swap3A_361 = vector.shape_cast %add3A_357 : vector<16xi32> to vector<16xi32>
    tpu.vector_store %arg10[%swap3A_358], %swap3A_361 {strides = array<i32>} : memref<80xi32, #tpu.memory_space<vmem>>, vector<16xi32>,
    %add3A_362 = arith.constant 32 : i32
    %add3A_363 = arith.addi %mul3A_5, %add3A_362 : i32
    %add3A_364 = vector.broadcast %add3A_363 : i32 to vector<16xi32>
    %add3A_365 = arith.addi %iota3A, %add3A_364 : vector<16xi32>
    %swap3A_366 = arith.constant 32 : index
    %swap3A_367 = tpu.vector_load %arg10[%swap3A_366] {strides = array<i32>} : memref<80xi32, #tpu.memory_space<vmem>>, vector<16xi32>,
    %swap3A_368 = vector.shape_cast %swap3A_367 : vector<16xi32> to vector<16xi32>
    %swap3A_369 = vector.shape_cast %add3A_365 : vector<16xi32> to vector<16xi32>
    tpu.vector_store %arg10[%swap3A_366], %swap3A_369 {strides = array<i32>} : memref<80xi32, #tpu.memory_space<vmem>>, vector<16xi32>,
    %add3A_370 = arith.constant 48 : i32
    %add3A_371 = arith.addi %mul3A_5, %add3A_370 : i32
    %add3A_372 = vector.broadcast %add3A_371 : i32 to vector<16xi32>
    %add3A_373 = arith.addi %iota3A, %add3A_372 : vector<16xi32>
    %swap3A_374 = arith.constant 48 : index
    %swap3A_375 = tpu.vector_load %arg10[%swap3A_374] {strides = array<i32>} : memref<80xi32, #tpu.memory_space<vmem>>, vector<16xi32>,
    %swap3A_376 = vector.shape_cast %swap3A_375 : vector<16xi32> to vector<16xi32>
    %swap3A_377 = vector.shape_cast %add3A_373 : vector<16xi32> to vector<16xi32>
    tpu.vector_store %arg10[%swap3A_374], %swap3A_377 {strides = array<i32>} : memref<80xi32, #tpu.memory_space<vmem>>, vector<16xi32>,
    %add3A_378 = arith.constant 64 : i32
    %add3A_379 = arith.addi %mul3A_5, %add3A_378 : i32
    %add3A_380 = vector.broadcast %add3A_379 : i32 to vector<16xi32>
    %add3A_381 = arith.addi %iota3A, %add3A_380 : vector<16xi32>
    %swap3A_382 = arith.constant 64 : index
    %swap3A_383 = tpu.vector_load %arg10[%swap3A_382] {strides = array<i32>} : memref<80xi32, #tpu.memory_space<vmem>>, vector<16xi32>,
    %swap3A_384 = vector.shape_cast %swap3A_383 : vector<16xi32> to vector<16xi32>
    %swap3A_385 = vector.shape_cast %add3A_381 : vector<16xi32> to vector<16xi32>
    tpu.vector_store %arg10[%swap3A_382], %swap3A_385 {strides = array<i32>} : memref<80xi32, #tpu.memory_space<vmem>>, vector<16xi32>,
    "tpu.region"() ({
      %run_scoped3A = tpu.sem_alloc : memref<!tpu.dma_semaphore, #tpu.memory_space<semaphore_mem>>
      %dma_start3A_839 = arith.constant 0 : i32
      %dma_start3A_840 = arith.constant 0 : i32
      %dma_start3A_841 = tpu.memref_slice %arg14[%dma_start3A_839, %dma_start3A_840] : memref<1280x128xf32, #tpu.memory_space<vmem_shared>> -> memref<1280x128xf32, #tpu.memory_space<vmem_shared>>
      tpu.enqueue_indirect_dma source(%arg12 : memref<80x128xf32, #tpu.memory_space<vmem>>) target(%dma_start3A_841 : memref<1280x128xf32, #tpu.memory_space<vmem_shared>>) offsets(%arg10 : memref<80xi32, #tpu.memory_space<vmem>>) semaphore(%run_scoped3A : memref<!tpu.dma_semaphore, #tpu.memory_space<semaphore_mem>>)
      %dma_wait3A_842 = arith.constant 0 : i32
      %dma_wait3A_843 = arith.constant 0 : i32
      %dma_wait3A_844 = tpu.memref_slice %arg14[%dma_wait3A_842, %dma_wait3A_843] : memref<1280x128xf32, #tpu.memory_space<vmem_shared>> -> memref<1280x128xf32, #tpu.memory_space<vmem_shared>>
      tpu.wait_indirect_dma semaphore(%run_scoped3A : memref<!tpu.dma_semaphore, #tpu.memory_space<semaphore_mem>>) src(%arg12 : memref<80x128xf32, #tpu.memory_space<vmem>>) dst(%dma_wait3A_844 : memref<1280x128xf32, #tpu.memory_space<vmem_shared>>)
      tpu.yield
    }) : () -> ()
    %mul3A_386 = arith.constant 10000 : i32
    %mul3A_387 = arith.muli %add3A, %mul3A_386 : i32
    "tpu.region"() ({
      %run_scoped3A = tpu.sem_alloc : memref<!tpu.dma_semaphore, #tpu.memory_space<semaphore_mem>>
      %dma_start3A_839 = tpu.memref_slice %arg4[%mul3A_387] : memref<320000xi32, #tpu.memory_space<hbm>> -> memref<10000xi32, #tpu.memory_space<hbm>>
      %dma_start3A_840 = tpu.memref_slice %arg4[%mul3A_387] : memref<320000xi32, #tpu.memory_space<hbm>> -> memref<10000xi32, #tpu.memory_space<hbm>>
      tpu.enqueue_dma source(%dma_start3A_840 : memref<10000xi32, #tpu.memory_space<hbm>>) target(%arg7 : memref<10000xi32, #tpu.memory_space<vmem>>) target_semaphore(%run_scoped3A : memref<!tpu.dma_semaphore, #tpu.memory_space<semaphore_mem>>)
      %dma_wait3A_841 = tpu.memref_slice %arg4[%mul3A_387] : memref<320000xi32, #tpu.memory_space<hbm>> -> memref<10000xi32, #tpu.memory_space<hbm>>
      %dma_wait3A_842 = tpu.memref_slice %arg4[%mul3A_387] : memref<320000xi32, #tpu.memory_space<hbm>> -> memref<10000xi32, #tpu.memory_space<hbm>>
      tpu.wait_dma2 semaphore(%run_scoped3A : memref<!tpu.dma_semaphore, #tpu.memory_space<semaphore_mem>>) src(%dma_wait3A_842 : memref<10000xi32, #tpu.memory_space<hbm>>) dst(%arg7 : memref<10000xi32, #tpu.memory_space<vmem>>)
      tpu.yield
    }) : () -> ()
    %barrier3A = arith.constant 0 : index
    tpu.barrier barrier_id(%barrier3A)
    %scan3A_388 = arith.constant 0 : i32
    %scan3A_389 = arith.constant 0 : i32
    %scan3A_390 = arith.constant 125 : i32
    %scan3A_391 = arith.addi %scan3A_389, %scan3A_390 : i32
    %scan3A_392 = arith.constant 1 : i32
    scf.for %scan3A_839 = %scan3A_389 to %scan3A_391 step %scan3A_392  : i32 {
      %mul3A_840 = arith.constant 80 : i32
      %mul3A_841 = arith.muli %scan3A_839, %mul3A_840 : i32
      %add3A_842 = arith.addi %mul3A_387, %mul3A_841 : i32
      %dma_start3A_843 = arith.constant 0 : i32
      %dma_start3A_844 = tpu.memref_slice %arg2[%add3A_842, %dma_start3A_843] : memref<320000x128xf32, #tpu.memory_space<hbm>> -> memref<80x128xf32, #tpu.memory_space<hbm>>
      %dma_start3A_845 = arith.constant 0 : i32
      %dma_start3A_846 = tpu.memref_slice %arg2[%add3A_842, %dma_start3A_845] : memref<320000x128xf32, #tpu.memory_space<hbm>> -> memref<80x128xf32, #tpu.memory_space<hbm>>
      tpu.enqueue_dma source(%dma_start3A_846 : memref<80x128xf32, #tpu.memory_space<hbm>>) target(%arg11 : memref<80x128xf32, #tpu.memory_space<vmem>>) target_semaphore(%arg15 : memref<!tpu.dma_semaphore, #tpu.memory_space<semaphore_mem>>)
      %dma_start3A_847 = arith.constant 0 : i32
      %dma_start3A_848 = tpu.memref_slice %arg3[%add3A_842, %dma_start3A_847] : memref<320000x128xf32, #tpu.memory_space<hbm>> -> memref<80x128xf32, #tpu.memory_space<hbm>>
      %dma_start3A_849 = arith.constant 0 : i32
      %dma_start3A_850 = tpu.memref_slice %arg3[%add3A_842, %dma_start3A_849] : memref<320000x128xf32, #tpu.memory_space<hbm>> -> memref<80x128xf32, #tpu.memory_space<hbm>>
      tpu.enqueue_dma source(%dma_start3A_850 : memref<80x128xf32, #tpu.memory_space<hbm>>) target(%arg12 : memref<80x128xf32, #tpu.memory_space<vmem>>) target_semaphore(%arg16 : memref<!tpu.dma_semaphore, #tpu.memory_space<semaphore_mem>>)
      %mul3A_851 = arith.constant 80 : i32
      %mul3A_852 = arith.muli %scan3A_839, %mul3A_851 : i32
      %add3A_853 = arith.constant 0 : i32
      %add3A_854 = arith.addi %mul3A_852, %add3A_853 : i32
      %get3A = arith.index_cast %add3A_854 : i32 to index
      %get3A_855 = tpu.vector_load %arg7[%get3A] {strides = array<i32>} : memref<10000xi32, #tpu.memory_space<vmem>>, vector<16xi32>,
      %get3A_856 = vector.shape_cast %get3A_855 : vector<16xi32> to vector<16xi32>
      %swap3A_857 = arith.constant 0 : index
      %swap3A_858 = tpu.vector_load %arg8[%swap3A_857] {strides = array<i32>} : memref<80xi32, #tpu.memory_space<vmem>>, vector<16xi32>,
      %swap3A_859 = vector.shape_cast %swap3A_858 : vector<16xi32> to vector<16xi32>
      %swap3A_860 = vector.shape_cast %get3A_856 : vector<16xi32> to vector<16xi32>
      tpu.vector_store %arg8[%swap3A_857], %swap3A_860 {strides = array<i32>} : memref<80xi32, #tpu.memory_space<vmem>>, vector<16xi32>,
      %shift_right_logical3A = arith.constant 3 : i32
      %shift_right_logical3A_861 = vector.broadcast %shift_right_logical3A : i32 to vector<16xi32>
      %shift_right_logical3A_862 = arith.shrui %get3A_856, %shift_right_logical3A_861 : vector<16xi32>
      %swap3A_863 = arith.constant 0 : index
      %swap3A_864 = tpu.vector_load %arg9[%swap3A_863] {strides = array<i32>} : memref<80xi32, #tpu.memory_space<vmem>>, vector<16xi32>,
      %swap3A_865 = vector.shape_cast %swap3A_864 : vector<16xi32> to vector<16xi32>
      %swap3A_866 = vector.shape_cast %shift_right_logical3A_862 : vector<16xi32> to vector<16xi32>
      tpu.vector_store %arg9[%swap3A_863], %swap3A_866 {strides = array<i32>} : memref<80xi32, #tpu.memory_space<vmem>>, vector<16xi32>,
      %mul3A_867 = arith.constant 80 : i32
      %mul3A_868 = arith.muli %scan3A_839, %mul3A_867 : i32
      %add3A_869 = arith.constant 16 : i32
      %add3A_870 = arith.addi %mul3A_868, %add3A_869 : i32
      %get3A_871 = arith.index_cast %add3A_870 : i32 to index
      %get3A_872 = tpu.vector_load %arg7[%get3A_871] {strides = array<i32>} : memref<10000xi32, #tpu.memory_space<vmem>>, vector<16xi32>,
      %get3A_873 = vector.shape_cast %get3A_872 : vector<16xi32> to vector<16xi32>
      %swap3A_874 = arith.constant 16 : index
      %swap3A_875 = tpu.vector_load %arg8[%swap3A_874] {strides = array<i32>} : memref<80xi32, #tpu.memory_space<vmem>>, vector<16xi32>,
      %swap3A_876 = vector.shape_cast %swap3A_875 : vector<16xi32> to vector<16xi32>
      %swap3A_877 = vector.shape_cast %get3A_873 : vector<16xi32> to vector<16xi32>
      tpu.vector_store %arg8[%swap3A_874], %swap3A_877 {strides = array<i32>} : memref<80xi32, #tpu.memory_space<vmem>>, vector<16xi32>,
      %shift_right_logical3A_878 = arith.constant 3 : i32
      %shift_right_logical3A_879 = vector.broadcast %shift_right_logical3A_878 : i32 to vector<16xi32>
      %shift_right_logical3A_880 = arith.shrui %get3A_873, %shift_right_logical3A_879 : vector<16xi32>
      %swap3A_881 = arith.constant 16 : index
      %swap3A_882 = tpu.vector_load %arg9[%swap3A_881] {strides = array<i32>} : memref<80xi32, #tpu.memory_space<vmem>>, vector<16xi32>,
      %swap3A_883 = vector.shape_cast %swap3A_882 : vector<16xi32> to vector<16xi32>
      %swap3A_884 = vector.shape_cast %shift_right_logical3A_880 : vector<16xi32> to vector<16xi32>
      tpu.vector_store %arg9[%swap3A_881], %swap3A_884 {strides = array<i32>} : memref<80xi32, #tpu.memory_space<vmem>>, vector<16xi32>,
      %mul3A_885 = arith.constant 80 : i32
      %mul3A_886 = arith.muli %scan3A_839, %mul3A_885 : i32
      %add3A_887 = arith.constant 32 : i32
      %add3A_888 = arith.addi %mul3A_886, %add3A_887 : i32
      %get3A_889 = arith.index_cast %add3A_888 : i32 to index
      %get3A_890 = tpu.vector_load %arg7[%get3A_889] {strides = array<i32>} : memref<10000xi32, #tpu.memory_space<vmem>>, vector<16xi32>,
      %get3A_891 = vector.shape_cast %get3A_890 : vector<16xi32> to vector<16xi32>
      %swap3A_892 = arith.constant 32 : index
      %swap3A_893 = tpu.vector_load %arg8[%swap3A_892] {strides = array<i32>} : memref<80xi32, #tpu.memory_space<vmem>>, vector<16xi32>,
      %swap3A_894 = vector.shape_cast %swap3A_893 : vector<16xi32> to vector<16xi32>
      %swap3A_895 = vector.shape_cast %get3A_891 : vector<16xi32> to vector<16xi32>
      tpu.vector_store %arg8[%swap3A_892], %swap3A_895 {strides = array<i32>} : memref<80xi32, #tpu.memory_space<vmem>>, vector<16xi32>,
      %shift_right_logical3A_896 = arith.constant 3 : i32
      %shift_right_logical3A_897 = vector.broadcast %shift_right_logical3A_896 : i32 to vector<16xi32>
      %shift_right_logical3A_898 = arith.shrui %get3A_891, %shift_right_logical3A_897 : vector<16xi32>
      %swap3A_899 = arith.constant 32 : index
      %swap3A_900 = tpu.vector_load %arg9[%swap3A_899] {strides = array<i32>} : memref<80xi32, #tpu.memory_space<vmem>>, vector<16xi32>,
      %swap3A_901 = vector.shape_cast %swap3A_900 : vector<16xi32> to vector<16xi32>
      %swap3A_902 = vector.shape_cast %shift_right_logical3A_898 : vector<16xi32> to vector<16xi32>
      tpu.vector_store %arg9[%swap3A_899], %swap3A_902 {strides = array<i32>} : memref<80xi32, #tpu.memory_space<vmem>>, vector<16xi32>,
      %mul3A_903 = arith.constant 80 : i32
      %mul3A_904 = arith.muli %scan3A_839, %mul3A_903 : i32
      %add3A_905 = arith.constant 48 : i32
      %add3A_906 = arith.addi %mul3A_904, %add3A_905 : i32
      %get3A_907 = arith.index_cast %add3A_906 : i32 to index
      %get3A_908 = tpu.vector_load %arg7[%get3A_907] {strides = array<i32>} : memref<10000xi32, #tpu.memory_space<vmem>>, vector<16xi32>,
      %get3A_909 = vector.shape_cast %get3A_908 : vector<16xi32> to vector<16xi32>
      %swap3A_910 = arith.constant 48 : index
      %swap3A_911 = tpu.vector_load %arg8[%swap3A_910] {strides = array<i32>} : memref<80xi32, #tpu.memory_space<vmem>>, vector<16xi32>,
      %swap3A_912 = vector.shape_cast %swap3A_911 : vector<16xi32> to vector<16xi32>
      %swap3A_913 = vector.shape_cast %get3A_909 : vector<16xi32> to vector<16xi32>
      tpu.vector_store %arg8[%swap3A_910], %swap3A_913 {strides = array<i32>} : memref<80xi32, #tpu.memory_space<vmem>>, vector<16xi32>,
      %shift_right_logical3A_914 = arith.constant 3 : i32
      %shift_right_logical3A_915 = vector.broadcast %shift_right_logical3A_914 : i32 to vector<16xi32>
      %shift_right_logical3A_916 = arith.shrui %get3A_909, %shift_right_logical3A_915 : vector<16xi32>
      %swap3A_917 = arith.constant 48 : index
      %swap3A_918 = tpu.vector_load %arg9[%swap3A_917] {strides = array<i32>} : memref<80xi32, #tpu.memory_space<vmem>>, vector<16xi32>,
      %swap3A_919 = vector.shape_cast %swap3A_918 : vector<16xi32> to vector<16xi32>
      %swap3A_920 = vector.shape_cast %shift_right_logical3A_916 : vector<16xi32> to vector<16xi32>
      tpu.vector_store %arg9[%swap3A_917], %swap3A_920 {strides = array<i32>} : memref<80xi32, #tpu.memory_space<vmem>>, vector<16xi32>,
      %mul3A_921 = arith.constant 80 : i32
      %mul3A_922 = arith.muli %scan3A_839, %mul3A_921 : i32
      %add3A_923 = arith.constant 64 : i32
      %add3A_924 = arith.addi %mul3A_922, %add3A_923 : i32
      %get3A_925 = arith.index_cast %add3A_924 : i32 to index
      %get3A_926 = tpu.vector_load %arg7[%get3A_925] {strides = array<i32>} : memref<10000xi32, #tpu.memory_space<vmem>>, vector<16xi32>,
      %get3A_927 = vector.shape_cast %get3A_926 : vector<16xi32> to vector<16xi32>
      %swap3A_928 = arith.constant 64 : index
      %swap3A_929 = tpu.vector_load %arg8[%swap3A_928] {strides = array<i32>} : memref<80xi32, #tpu.memory_space<vmem>>, vector<16xi32>,
      %swap3A_930 = vector.shape_cast %swap3A_929 : vector<16xi32> to vector<16xi32>
      %swap3A_931 = vector.shape_cast %get3A_927 : vector<16xi32> to vector<16xi32>
      tpu.vector_store %arg8[%swap3A_928], %swap3A_931 {strides = array<i32>} : memref<80xi32, #tpu.memory_space<vmem>>, vector<16xi32>,
      %shift_right_logical3A_932 = arith.constant 3 : i32
      %shift_right_logical3A_933 = vector.broadcast %shift_right_logical3A_932 : i32 to vector<16xi32>
      %shift_right_logical3A_934 = arith.shrui %get3A_927, %shift_right_logical3A_933 : vector<16xi32>
      %swap3A_935 = arith.constant 64 : index
      %swap3A_936 = tpu.vector_load %arg9[%swap3A_935] {strides = array<i32>} : memref<80xi32, #tpu.memory_space<vmem>>, vector<16xi32>,
      %swap3A_937 = vector.shape_cast %swap3A_936 : vector<16xi32> to vector<16xi32>
      %swap3A_938 = vector.shape_cast %shift_right_logical3A_934 : vector<16xi32> to vector<16xi32>
      tpu.vector_store %arg9[%swap3A_935], %swap3A_938 {strides = array<i32>} : memref<80xi32, #tpu.memory_space<vmem>>, vector<16xi32>,
      %dma_wait3A_939 = arith.constant 0 : i32
      %dma_wait3A_940 = tpu.memref_slice %arg2[%add3A_842, %dma_wait3A_939] : memref<320000x128xf32, #tpu.memory_space<hbm>> -> memref<80x128xf32, #tpu.memory_space<hbm>>
      %dma_wait3A_941 = arith.constant 0 : i32
      %dma_wait3A_942 = tpu.memref_slice %arg2[%add3A_842, %dma_wait3A_941] : memref<320000x128xf32, #tpu.memory_space<hbm>> -> memref<80x128xf32, #tpu.memory_space<hbm>>
      tpu.wait_dma2 semaphore(%arg15 : memref<!tpu.dma_semaphore, #tpu.memory_space<semaphore_mem>>) src(%dma_wait3A_942 : memref<80x128xf32, #tpu.memory_space<hbm>>) dst(%arg11 : memref<80x128xf32, #tpu.memory_space<vmem>>)
      %dma_start3A_943 = arith.constant 0 : i32
      %dma_start3A_944 = arith.constant 0 : i32
      %dma_start3A_945 = tpu.memref_slice %arg13[%dma_start3A_943, %dma_start3A_944] : memref<10240x128xf32, #tpu.memory_space<vmem_shared>> -> memref<10240x128xf32, #tpu.memory_space<vmem_shared>>
      tpu.enqueue_indirect_dma source(%arg11 : memref<80x128xf32, #tpu.memory_space<vmem>>) target(%dma_start3A_945 : memref<10240x128xf32, #tpu.memory_space<vmem_shared>>) offsets(%arg8 : memref<80xi32, #tpu.memory_space<vmem>>) semaphore(%arg15 : memref<!tpu.dma_semaphore, #tpu.memory_space<semaphore_mem>>) {add = true}
      %dma_wait3A_946 = arith.constant 0 : i32
      %dma_wait3A_947 = tpu.memref_slice %arg3[%add3A_842, %dma_wait3A_946] : memref<320000x128xf32, #tpu.memory_space<hbm>> -> memref<80x128xf32, #tpu.memory_space<hbm>>
      %dma_wait3A_948 = arith.constant 0 : i32
      %dma_wait3A_949 = tpu.memref_slice %arg3[%add3A_842, %dma_wait3A_948] : memref<320000x128xf32, #tpu.memory_space<hbm>> -> memref<80x128xf32, #tpu.memory_space<hbm>>
      tpu.wait_dma2 semaphore(%arg16 : memref<!tpu.dma_semaphore, #tpu.memory_space<semaphore_mem>>) src(%dma_wait3A_949 : memref<80x128xf32, #tpu.memory_space<hbm>>) dst(%arg12 : memref<80x128xf32, #tpu.memory_space<vmem>>)
      %dma_start3A_950 = arith.constant 0 : i32
      %dma_start3A_951 = arith.constant 0 : i32
      %dma_start3A_952 = tpu.memref_slice %arg14[%dma_start3A_950, %dma_start3A_951] : memref<1280x128xf32, #tpu.memory_space<vmem_shared>> -> memref<1280x128xf32, #tpu.memory_space<vmem_shared>>
      tpu.enqueue_indirect_dma source(%arg12 : memref<80x128xf32, #tpu.memory_space<vmem>>) target(%dma_start3A_952 : memref<1280x128xf32, #tpu.memory_space<vmem_shared>>) offsets(%arg9 : memref<80xi32, #tpu.memory_space<vmem>>) semaphore(%arg16 : memref<!tpu.dma_semaphore, #tpu.memory_space<semaphore_mem>>) {add = true}
      %dma_wait3A_953 = arith.constant 0 : i32
      %dma_wait3A_954 = arith.constant 0 : i32
      %dma_wait3A_955 = tpu.memref_slice %arg13[%dma_wait3A_953, %dma_wait3A_954] : memref<10240x128xf32, #tpu.memory_space<vmem_shared>> -> memref<10240x128xf32, #tpu.memory_space<vmem_shared>>
      tpu.wait_indirect_dma semaphore(%arg15 : memref<!tpu.dma_semaphore, #tpu.memory_space<semaphore_mem>>) src(%arg11 : memref<80x128xf32, #tpu.memory_space<vmem>>) dst(%dma_wait3A_955 : memref<10240x128xf32, #tpu.memory_space<vmem_shared>>)
      %dma_wait3A_956 = arith.constant 0 : i32
      %dma_wait3A_957 = arith.constant 0 : i32
      %dma_wait3A_958 = tpu.memref_slice %arg14[%dma_wait3A_956, %dma_wait3A_957] : memref<1280x128xf32, #tpu.memory_space<vmem_shared>> -> memref<1280x128xf32, #tpu.memory_space<vmem_shared>>
      tpu.wait_indirect_dma semaphore(%arg16 : memref<!tpu.dma_semaphore, #tpu.memory_space<semaphore_mem>>) src(%arg12 : memref<80x128xf32, #tpu.memory_space<vmem>>) dst(%dma_wait3A_958 : memref<1280x128xf32, #tpu.memory_space<vmem_shared>>)
    }
    %scan3A_393 = arith.constant 125 : i32
    %barrier3A_394 = arith.constant 0 : index
    tpu.barrier barrier_id(%barrier3A_394)
    %add3A_395 = arith.constant 0 : i32
    %add3A_396 = arith.addi %mul3A_3, %add3A_395 : i32
    %add3A_397 = arith.constant 0 : i32
    %add3A_398 = arith.addi %add3A_396, %add3A_397 : i32
    %add3A_399 = vector.broadcast %add3A_398 : i32 to vector<16xi32>
    %add3A_400 = arith.addi %iota3A, %add3A_399 : vector<16xi32>
    %swap3A_401 = arith.constant 0 : index
    %swap3A_402 = tpu.vector_load %arg10[%swap3A_401] {strides = array<i32>} : memref<80xi32, #tpu.memory_space<vmem>>, vector<16xi32>,
    %swap3A_403 = vector.shape_cast %swap3A_402 : vector<16xi32> to vector<16xi32>
    %swap3A_404 = vector.shape_cast %add3A_400 : vector<16xi32> to vector<16xi32>
    tpu.vector_store %arg10[%swap3A_401], %swap3A_404 {strides = array<i32>} : memref<80xi32, #tpu.memory_space<vmem>>, vector<16xi32>,
    %add3A_405 = arith.constant 16 : i32
    %add3A_406 = arith.addi %add3A_396, %add3A_405 : i32
    %add3A_407 = vector.broadcast %add3A_406 : i32 to vector<16xi32>
    %add3A_408 = arith.addi %iota3A, %add3A_407 : vector<16xi32>
    %swap3A_409 = arith.constant 16 : index
    %swap3A_410 = tpu.vector_load %arg10[%swap3A_409] {strides = array<i32>} : memref<80xi32, #tpu.memory_space<vmem>>, vector<16xi32>,
    %swap3A_411 = vector.shape_cast %swap3A_410 : vector<16xi32> to vector<16xi32>
    %swap3A_412 = vector.shape_cast %add3A_408 : vector<16xi32> to vector<16xi32>
    tpu.vector_store %arg10[%swap3A_409], %swap3A_412 {strides = array<i32>} : memref<80xi32, #tpu.memory_space<vmem>>, vector<16xi32>,
    %add3A_413 = arith.constant 32 : i32
    %add3A_414 = arith.addi %add3A_396, %add3A_413 : i32
    %add3A_415 = vector.broadcast %add3A_414 : i32 to vector<16xi32>
    %add3A_416 = arith.addi %iota3A, %add3A_415 : vector<16xi32>
    %swap3A_417 = arith.constant 32 : index
    %swap3A_418 = tpu.vector_load %arg10[%swap3A_417] {strides = array<i32>} : memref<80xi32, #tpu.memory_space<vmem>>, vector<16xi32>,
    %swap3A_419 = vector.shape_cast %swap3A_418 : vector<16xi32> to vector<16xi32>
    %swap3A_420 = vector.shape_cast %add3A_416 : vector<16xi32> to vector<16xi32>
    tpu.vector_store %arg10[%swap3A_417], %swap3A_420 {strides = array<i32>} : memref<80xi32, #tpu.memory_space<vmem>>, vector<16xi32>,
    %add3A_421 = arith.constant 48 : i32
    %add3A_422 = arith.addi %add3A_396, %add3A_421 : i32
    %add3A_423 = vector.broadcast %add3A_422 : i32 to vector<16xi32>
    %add3A_424 = arith.addi %iota3A, %add3A_423 : vector<16xi32>
    %swap3A_425 = arith.constant 48 : index
    %swap3A_426 = tpu.vector_load %arg10[%swap3A_425] {strides = array<i32>} : memref<80xi32, #tpu.memory_space<vmem>>, vector<16xi32>,
    %swap3A_427 = vector.shape_cast %swap3A_426 : vector<16xi32> to vector<16xi32>
    %swap3A_428 = vector.shape_cast %add3A_424 : vector<16xi32> to vector<16xi32>
    tpu.vector_store %arg10[%swap3A_425], %swap3A_428 {strides = array<i32>} : memref<80xi32, #tpu.memory_space<vmem>>, vector<16xi32>,
    %add3A_429 = arith.constant 64 : i32
    %add3A_430 = arith.addi %add3A_396, %add3A_429 : i32
    %add3A_431 = vector.broadcast %add3A_430 : i32 to vector<16xi32>
    %add3A_432 = arith.addi %iota3A, %add3A_431 : vector<16xi32>
    %swap3A_433 = arith.constant 64 : index
    %swap3A_434 = tpu.vector_load %arg10[%swap3A_433] {strides = array<i32>} : memref<80xi32, #tpu.memory_space<vmem>>, vector<16xi32>,
    %swap3A_435 = vector.shape_cast %swap3A_434 : vector<16xi32> to vector<16xi32>
    %swap3A_436 = vector.shape_cast %add3A_432 : vector<16xi32> to vector<16xi32>
    tpu.vector_store %arg10[%swap3A_433], %swap3A_436 {strides = array<i32>} : memref<80xi32, #tpu.memory_space<vmem>>, vector<16xi32>,
    %dma_start3A = arith.constant 0 : i32
    %dma_start3A_437 = arith.constant 0 : i32
    %dma_start3A_438 = tpu.memref_slice %arg13[%dma_start3A, %dma_start3A_437] : memref<10240x128xf32, #tpu.memory_space<vmem_shared>> -> memref<10240x128xf32, #tpu.memory_space<vmem_shared>>
    tpu.enqueue_indirect_dma source(%dma_start3A_438 : memref<10240x128xf32, #tpu.memory_space<vmem_shared>>) target(%arg11 : memref<80x128xf32, #tpu.memory_space<vmem>>) offsets(%arg10 : memref<80xi32, #tpu.memory_space<vmem>>) semaphore(%arg15 : memref<!tpu.dma_semaphore, #tpu.memory_space<semaphore_mem>>)
    %dma_wait3A = arith.constant 0 : i32
    %dma_wait3A_439 = arith.constant 0 : i32
    %dma_wait3A_440 = tpu.memref_slice %arg13[%dma_wait3A, %dma_wait3A_439] : memref<10240x128xf32, #tpu.memory_space<vmem_shared>> -> memref<10240x128xf32, #tpu.memory_space<vmem_shared>>
    tpu.wait_indirect_dma semaphore(%arg15 : memref<!tpu.dma_semaphore, #tpu.memory_space<semaphore_mem>>) src(%dma_wait3A_440 : memref<10240x128xf32, #tpu.memory_space<vmem_shared>>) dst(%arg11 : memref<80x128xf32, #tpu.memory_space<vmem>>)
    %add3A_441 = arith.constant 0 : i32
    %add3A_442 = arith.addi %mul3A_3, %add3A_441 : i32
    "tpu.region"() ({
      %run_scoped3A = tpu.sem_alloc : memref<!tpu.dma_semaphore, #tpu.memory_space<semaphore_mem>>
      %dma_start3A_839 = arith.constant 0 : i32
      %dma_start3A_840 = tpu.memref_slice %arg5[%arg0, %add3A_442, %dma_start3A_839] : memref<2x10240x128xf32, #tpu.memory_space<hbm>> -> memref<1x80x128xf32, #tpu.memory_space<hbm>>
      %dma_start3A_841 = tpu.memref_squeeze %dma_start3A_840 : memref<1x80x128xf32, #tpu.memory_space<hbm>> -> memref<80x128xf32, #tpu.memory_space<hbm>>
      %dma_start3A_842 = arith.constant 0 : i32
      %dma_start3A_843 = tpu.memref_slice %arg5[%arg0, %add3A_442, %dma_start3A_842] : memref<2x10240x128xf32, #tpu.memory_space<hbm>> -> memref<1x80x128xf32, #tpu.memory_space<hbm>>
      %dma_start3A_844 = tpu.memref_squeeze %dma_start3A_843 : memref<1x80x128xf32, #tpu.memory_space<hbm>> -> memref<80x128xf32, #tpu.memory_space<hbm>>
      tpu.enqueue_dma source(%arg11 : memref<80x128xf32, #tpu.memory_space<vmem>>) target(%dma_start3A_844 : memref<80x128xf32, #tpu.memory_space<hbm>>) target_semaphore(%run_scoped3A : memref<!tpu.dma_semaphore, #tpu.memory_space<semaphore_mem>>)
      %dma_wait3A_845 = arith.constant 0 : i32
      %dma_wait3A_846 = tpu.memref_slice %arg5[%arg0, %add3A_442, %dma_wait3A_845] : memref<2x10240x128xf32, #tpu.memory_space<hbm>> -> memref<1x80x128xf32, #tpu.memory_space<hbm>>
      %dma_wait3A_847 = tpu.memref_squeeze %dma_wait3A_846 : memref<1x80x128xf32, #tpu.memory_space<hbm>> -> memref<80x128xf32, #tpu.memory_space<hbm>>
      %dma_wait3A_848 = arith.constant 0 : i32
      %dma_wait3A_849 = tpu.memref_slice %arg5[%arg0, %add3A_442, %dma_wait3A_848] : memref<2x10240x128xf32, #tpu.memory_space<hbm>> -> memref<1x80x128xf32, #tpu.memory_space<hbm>>
      %dma_wait3A_850 = tpu.memref_squeeze %dma_wait3A_849 : memref<1x80x128xf32, #tpu.memory_space<hbm>> -> memref<80x128xf32, #tpu.memory_space<hbm>>
      tpu.wait_dma2 semaphore(%run_scoped3A : memref<!tpu.dma_semaphore, #tpu.memory_space<semaphore_mem>>) src(%arg11 : memref<80x128xf32, #tpu.memory_space<vmem>>) dst(%dma_wait3A_850 : memref<80x128xf32, #tpu.memory_space<hbm>>)
      tpu.yield
    }) : () -> ()
    %add3A_443 = arith.constant 80 : i32
    %add3A_444 = arith.addi %mul3A_3, %add3A_443 : i32
    %add3A_445 = arith.constant 0 : i32
    %add3A_446 = arith.addi %add3A_444, %add3A_445 : i32
    %add3A_447 = vector.broadcast %add3A_446 : i32 to vector<16xi32>
    %add3A_448 = arith.addi %iota3A, %add3A_447 : vector<16xi32>
    %swap3A_449 = arith.constant 0 : index
    %swap3A_450 = tpu.vector_load %arg10[%swap3A_449] {strides = array<i32>} : memref<80xi32, #tpu.memory_space<vmem>>, vector<16xi32>,
    %swap3A_451 = vector.shape_cast %swap3A_450 : vector<16xi32> to vector<16xi32>
    %swap3A_452 = vector.shape_cast %add3A_448 : vector<16xi32> to vector<16xi32>
    tpu.vector_store %arg10[%swap3A_449], %swap3A_452 {strides = array<i32>} : memref<80xi32, #tpu.memory_space<vmem>>, vector<16xi32>,
    %add3A_453 = arith.constant 16 : i32
    %add3A_454 = arith.addi %add3A_444, %add3A_453 : i32
    %add3A_455 = vector.broadcast %add3A_454 : i32 to vector<16xi32>
    %add3A_456 = arith.addi %iota3A, %add3A_455 : vector<16xi32>
    %swap3A_457 = arith.constant 16 : index
    %swap3A_458 = tpu.vector_load %arg10[%swap3A_457] {strides = array<i32>} : memref<80xi32, #tpu.memory_space<vmem>>, vector<16xi32>,
    %swap3A_459 = vector.shape_cast %swap3A_458 : vector<16xi32> to vector<16xi32>
    %swap3A_460 = vector.shape_cast %add3A_456 : vector<16xi32> to vector<16xi32>
    tpu.vector_store %arg10[%swap3A_457], %swap3A_460 {strides = array<i32>} : memref<80xi32, #tpu.memory_space<vmem>>, vector<16xi32>,
    %add3A_461 = arith.constant 32 : i32
    %add3A_462 = arith.addi %add3A_444, %add3A_461 : i32
    %add3A_463 = vector.broadcast %add3A_462 : i32 to vector<16xi32>
    %add3A_464 = arith.addi %iota3A, %add3A_463 : vector<16xi32>
    %swap3A_465 = arith.constant 32 : index
    %swap3A_466 = tpu.vector_load %arg10[%swap3A_465] {strides = array<i32>} : memref<80xi32, #tpu.memory_space<vmem>>, vector<16xi32>,
    %swap3A_467 = vector.shape_cast %swap3A_466 : vector<16xi32> to vector<16xi32>
    %swap3A_468 = vector.shape_cast %add3A_464 : vector<16xi32> to vector<16xi32>
    tpu.vector_store %arg10[%swap3A_465], %swap3A_468 {strides = array<i32>} : memref<80xi32, #tpu.memory_space<vmem>>, vector<16xi32>,
    %add3A_469 = arith.constant 48 : i32
    %add3A_470 = arith.addi %add3A_444, %add3A_469 : i32
    %add3A_471 = vector.broadcast %add3A_470 : i32 to vector<16xi32>
    %add3A_472 = arith.addi %iota3A, %add3A_471 : vector<16xi32>
    %swap3A_473 = arith.constant 48 : index
    %swap3A_474 = tpu.vector_load %arg10[%swap3A_473] {strides = array<i32>} : memref<80xi32, #tpu.memory_space<vmem>>, vector<16xi32>,
    %swap3A_475 = vector.shape_cast %swap3A_474 : vector<16xi32> to vector<16xi32>
    %swap3A_476 = vector.shape_cast %add3A_472 : vector<16xi32> to vector<16xi32>
    tpu.vector_store %arg10[%swap3A_473], %swap3A_476 {strides = array<i32>} : memref<80xi32, #tpu.memory_space<vmem>>, vector<16xi32>,
    %add3A_477 = arith.constant 64 : i32
    %add3A_478 = arith.addi %add3A_444, %add3A_477 : i32
    %add3A_479 = vector.broadcast %add3A_478 : i32 to vector<16xi32>
    %add3A_480 = arith.addi %iota3A, %add3A_479 : vector<16xi32>
    %swap3A_481 = arith.constant 64 : index
    %swap3A_482 = tpu.vector_load %arg10[%swap3A_481] {strides = array<i32>} : memref<80xi32, #tpu.memory_space<vmem>>, vector<16xi32>,
    %swap3A_483 = vector.shape_cast %swap3A_482 : vector<16xi32> to vector<16xi32>
    %swap3A_484 = vector.shape_cast %add3A_480 : vector<16xi32> to vector<16xi32>
    tpu.vector_store %arg10[%swap3A_481], %swap3A_484 {strides = array<i32>} : memref<80xi32, #tpu.memory_space<vmem>>, vector<16xi32>,
    %dma_start3A_485 = arith.constant 0 : i32
    %dma_start3A_486 = arith.constant 0 : i32
    %dma_start3A_487 = tpu.memref_slice %arg13[%dma_start3A_485, %dma_start3A_486] : memref<10240x128xf32, #tpu.memory_space<vmem_shared>> -> memref<10240x128xf32, #tpu.memory_space<vmem_shared>>
    tpu.enqueue_indirect_dma source(%dma_start3A_487 : memref<10240x128xf32, #tpu.memory_space<vmem_shared>>) target(%arg11 : memref<80x128xf32, #tpu.memory_space<vmem>>) offsets(%arg10 : memref<80xi32, #tpu.memory_space<vmem>>) semaphore(%arg15 : memref<!tpu.dma_semaphore, #tpu.memory_space<semaphore_mem>>)
    %dma_wait3A_488 = arith.constant 0 : i32
    %dma_wait3A_489 = arith.constant 0 : i32
    %dma_wait3A_490 = tpu.memref_slice %arg13[%dma_wait3A_488, %dma_wait3A_489] : memref<10240x128xf32, #tpu.memory_space<vmem_shared>> -> memref<10240x128xf32, #tpu.memory_space<vmem_shared>>
    tpu.wait_indirect_dma semaphore(%arg15 : memref<!tpu.dma_semaphore, #tpu.memory_space<semaphore_mem>>) src(%dma_wait3A_490 : memref<10240x128xf32, #tpu.memory_space<vmem_shared>>) dst(%arg11 : memref<80x128xf32, #tpu.memory_space<vmem>>)
    %add3A_491 = arith.constant 80 : i32
    %add3A_492 = arith.addi %mul3A_3, %add3A_491 : i32
    "tpu.region"() ({
      %run_scoped3A = tpu.sem_alloc : memref<!tpu.dma_semaphore, #tpu.memory_space<semaphore_mem>>
      %dma_start3A_839 = arith.constant 0 : i32
      %dma_start3A_840 = tpu.memref_slice %arg5[%arg0, %add3A_492, %dma_start3A_839] : memref<2x10240x128xf32, #tpu.memory_space<hbm>> -> memref<1x80x128xf32, #tpu.memory_space<hbm>>
      %dma_start3A_841 = tpu.memref_squeeze %dma_start3A_840 : memref<1x80x128xf32, #tpu.memory_space<hbm>> -> memref<80x128xf32, #tpu.memory_space<hbm>>
      %dma_start3A_842 = arith.constant 0 : i32
      %dma_start3A_843 = tpu.memref_slice %arg5[%arg0, %add3A_492, %dma_start3A_842] : memref<2x10240x128xf32, #tpu.memory_space<hbm>> -> memref<1x80x128xf32, #tpu.memory_space<hbm>>
      %dma_start3A_844 = tpu.memref_squeeze %dma_start3A_843 : memref<1x80x128xf32, #tpu.memory_space<hbm>> -> memref<80x128xf32, #tpu.memory_space<hbm>>
      tpu.enqueue_dma source(%arg11 : memref<80x128xf32, #tpu.memory_space<vmem>>) target(%dma_start3A_844 : memref<80x128xf32, #tpu.memory_space<hbm>>) target_semaphore(%run_scoped3A : memref<!tpu.dma_semaphore, #tpu.memory_space<semaphore_mem>>)
      %dma_wait3A_845 = arith.constant 0 : i32
      %dma_wait3A_846 = tpu.memref_slice %arg5[%arg0, %add3A_492, %dma_wait3A_845] : memref<2x10240x128xf32, #tpu.memory_space<hbm>> -> memref<1x80x128xf32, #tpu.memory_space<hbm>>
      %dma_wait3A_847 = tpu.memref_squeeze %dma_wait3A_846 : memref<1x80x128xf32, #tpu.memory_space<hbm>> -> memref<80x128xf32, #tpu.memory_space<hbm>>
      %dma_wait3A_848 = arith.constant 0 : i32
      %dma_wait3A_849 = tpu.memref_slice %arg5[%arg0, %add3A_492, %dma_wait3A_848] : memref<2x10240x128xf32, #tpu.memory_space<hbm>> -> memref<1x80x128xf32, #tpu.memory_space<hbm>>
      %dma_wait3A_850 = tpu.memref_squeeze %dma_wait3A_849 : memref<1x80x128xf32, #tpu.memory_space<hbm>> -> memref<80x128xf32, #tpu.memory_space<hbm>>
      tpu.wait_dma2 semaphore(%run_scoped3A : memref<!tpu.dma_semaphore, #tpu.memory_space<semaphore_mem>>) src(%arg11 : memref<80x128xf32, #tpu.memory_space<vmem>>) dst(%dma_wait3A_850 : memref<80x128xf32, #tpu.memory_space<hbm>>)
      tpu.yield
    }) : () -> ()
    %add3A_493 = arith.constant 160 : i32
    %add3A_494 = arith.addi %mul3A_3, %add3A_493 : i32
    %add3A_495 = arith.constant 0 : i32
    %add3A_496 = arith.addi %add3A_494, %add3A_495 : i32
    %add3A_497 = vector.broadcast %add3A_496 : i32 to vector<16xi32>
    %add3A_498 = arith.addi %iota3A, %add3A_497 : vector<16xi32>
    %swap3A_499 = arith.constant 0 : index
    %swap3A_500 = tpu.vector_load %arg10[%swap3A_499] {strides = array<i32>} : memref<80xi32, #tpu.memory_space<vmem>>, vector<16xi32>,
    %swap3A_501 = vector.shape_cast %swap3A_500 : vector<16xi32> to vector<16xi32>
    %swap3A_502 = vector.shape_cast %add3A_498 : vector<16xi32> to vector<16xi32>
    tpu.vector_store %arg10[%swap3A_499], %swap3A_502 {strides = array<i32>} : memref<80xi32, #tpu.memory_space<vmem>>, vector<16xi32>,
    %add3A_503 = arith.constant 16 : i32
    %add3A_504 = arith.addi %add3A_494, %add3A_503 : i32
    %add3A_505 = vector.broadcast %add3A_504 : i32 to vector<16xi32>
    %add3A_506 = arith.addi %iota3A, %add3A_505 : vector<16xi32>
    %swap3A_507 = arith.constant 16 : index
    %swap3A_508 = tpu.vector_load %arg10[%swap3A_507] {strides = array<i32>} : memref<80xi32, #tpu.memory_space<vmem>>, vector<16xi32>,
    %swap3A_509 = vector.shape_cast %swap3A_508 : vector<16xi32> to vector<16xi32>
    %swap3A_510 = vector.shape_cast %add3A_506 : vector<16xi32> to vector<16xi32>
    tpu.vector_store %arg10[%swap3A_507], %swap3A_510 {strides = array<i32>} : memref<80xi32, #tpu.memory_space<vmem>>, vector<16xi32>,
    %add3A_511 = arith.constant 32 : i32
    %add3A_512 = arith.addi %add3A_494, %add3A_511 : i32
    %add3A_513 = vector.broadcast %add3A_512 : i32 to vector<16xi32>
    %add3A_514 = arith.addi %iota3A, %add3A_513 : vector<16xi32>
    %swap3A_515 = arith.constant 32 : index
    %swap3A_516 = tpu.vector_load %arg10[%swap3A_515] {strides = array<i32>} : memref<80xi32, #tpu.memory_space<vmem>>, vector<16xi32>,
    %swap3A_517 = vector.shape_cast %swap3A_516 : vector<16xi32> to vector<16xi32>
    %swap3A_518 = vector.shape_cast %add3A_514 : vector<16xi32> to vector<16xi32>
    tpu.vector_store %arg10[%swap3A_515], %swap3A_518 {strides = array<i32>} : memref<80xi32, #tpu.memory_space<vmem>>, vector<16xi32>,
    %add3A_519 = arith.constant 48 : i32
    %add3A_520 = arith.addi %add3A_494, %add3A_519 : i32
    %add3A_521 = vector.broadcast %add3A_520 : i32 to vector<16xi32>
    %add3A_522 = arith.addi %iota3A, %add3A_521 : vector<16xi32>
    %swap3A_523 = arith.constant 48 : index
    %swap3A_524 = tpu.vector_load %arg10[%swap3A_523] {strides = array<i32>} : memref<80xi32, #tpu.memory_space<vmem>>, vector<16xi32>,
    %swap3A_525 = vector.shape_cast %swap3A_524 : vector<16xi32> to vector<16xi32>
    %swap3A_526 = vector.shape_cast %add3A_522 : vector<16xi32> to vector<16xi32>
    tpu.vector_store %arg10[%swap3A_523], %swap3A_526 {strides = array<i32>} : memref<80xi32, #tpu.memory_space<vmem>>, vector<16xi32>,
    %add3A_527 = arith.constant 64 : i32
    %add3A_528 = arith.addi %add3A_494, %add3A_527 : i32
    %add3A_529 = vector.broadcast %add3A_528 : i32 to vector<16xi32>
    %add3A_530 = arith.addi %iota3A, %add3A_529 : vector<16xi32>
    %swap3A_531 = arith.constant 64 : index
    %swap3A_532 = tpu.vector_load %arg10[%swap3A_531] {strides = array<i32>} : memref<80xi32, #tpu.memory_space<vmem>>, vector<16xi32>,
    %swap3A_533 = vector.shape_cast %swap3A_532 : vector<16xi32> to vector<16xi32>
    %swap3A_534 = vector.shape_cast %add3A_530 : vector<16xi32> to vector<16xi32>
    tpu.vector_store %arg10[%swap3A_531], %swap3A_534 {strides = array<i32>} : memref<80xi32, #tpu.memory_space<vmem>>, vector<16xi32>,
    %dma_start3A_535 = arith.constant 0 : i32
    %dma_start3A_536 = arith.constant 0 : i32
    %dma_start3A_537 = tpu.memref_slice %arg13[%dma_start3A_535, %dma_start3A_536] : memref<10240x128xf32, #tpu.memory_space<vmem_shared>> -> memref<10240x128xf32, #tpu.memory_space<vmem_shared>>
    tpu.enqueue_indirect_dma source(%dma_start3A_537 : memref<10240x128xf32, #tpu.memory_space<vmem_shared>>) target(%arg11 : memref<80x128xf32, #tpu.memory_space<vmem>>) offsets(%arg10 : memref<80xi32, #tpu.memory_space<vmem>>) semaphore(%arg15 : memref<!tpu.dma_semaphore, #tpu.memory_space<semaphore_mem>>)
    %dma_wait3A_538 = arith.constant 0 : i32
    %dma_wait3A_539 = arith.constant 0 : i32
    %dma_wait3A_540 = tpu.memref_slice %arg13[%dma_wait3A_538, %dma_wait3A_539] : memref<10240x128xf32, #tpu.memory_space<vmem_shared>> -> memref<10240x128xf32, #tpu.memory_space<vmem_shared>>
    tpu.wait_indirect_dma semaphore(%arg15 : memref<!tpu.dma_semaphore, #tpu.memory_space<semaphore_mem>>) src(%dma_wait3A_540 : memref<10240x128xf32, #tpu.memory_space<vmem_shared>>) dst(%arg11 : memref<80x128xf32, #tpu.memory_space<vmem>>)
    %add3A_541 = arith.constant 160 : i32
    %add3A_542 = arith.addi %mul3A_3, %add3A_541 : i32
    "tpu.region"() ({
      %run_scoped3A = tpu.sem_alloc : memref<!tpu.dma_semaphore, #tpu.memory_space<semaphore_mem>>
      %dma_start3A_839 = arith.constant 0 : i32
      %dma_start3A_840 = tpu.memref_slice %arg5[%arg0, %add3A_542, %dma_start3A_839] : memref<2x10240x128xf32, #tpu.memory_space<hbm>> -> memref<1x80x128xf32, #tpu.memory_space<hbm>>
      %dma_start3A_841 = tpu.memref_squeeze %dma_start3A_840 : memref<1x80x128xf32, #tpu.memory_space<hbm>> -> memref<80x128xf32, #tpu.memory_space<hbm>>
      %dma_start3A_842 = arith.constant 0 : i32
      %dma_start3A_843 = tpu.memref_slice %arg5[%arg0, %add3A_542, %dma_start3A_842] : memref<2x10240x128xf32, #tpu.memory_space<hbm>> -> memref<1x80x128xf32, #tpu.memory_space<hbm>>
      %dma_start3A_844 = tpu.memref_squeeze %dma_start3A_843 : memref<1x80x128xf32, #tpu.memory_space<hbm>> -> memref<80x128xf32, #tpu.memory_space<hbm>>
      tpu.enqueue_dma source(%arg11 : memref<80x128xf32, #tpu.memory_space<vmem>>) target(%dma_start3A_844 : memref<80x128xf32, #tpu.memory_space<hbm>>) target_semaphore(%run_scoped3A : memref<!tpu.dma_semaphore, #tpu.memory_space<semaphore_mem>>)
      %dma_wait3A_845 = arith.constant 0 : i32
      %dma_wait3A_846 = tpu.memref_slice %arg5[%arg0, %add3A_542, %dma_wait3A_845] : memref<2x10240x128xf32, #tpu.memory_space<hbm>> -> memref<1x80x128xf32, #tpu.memory_space<hbm>>
      %dma_wait3A_847 = tpu.memref_squeeze %dma_wait3A_846 : memref<1x80x128xf32, #tpu.memory_space<hbm>> -> memref<80x128xf32, #tpu.memory_space<hbm>>
      %dma_wait3A_848 = arith.constant 0 : i32
      %dma_wait3A_849 = tpu.memref_slice %arg5[%arg0, %add3A_542, %dma_wait3A_848] : memref<2x10240x128xf32, #tpu.memory_space<hbm>> -> memref<1x80x128xf32, #tpu.memory_space<hbm>>
      %dma_wait3A_850 = tpu.memref_squeeze %dma_wait3A_849 : memref<1x80x128xf32, #tpu.memory_space<hbm>> -> memref<80x128xf32, #tpu.memory_space<hbm>>
      tpu.wait_dma2 semaphore(%run_scoped3A : memref<!tpu.dma_semaphore, #tpu.memory_space<semaphore_mem>>) src(%arg11 : memref<80x128xf32, #tpu.memory_space<vmem>>) dst(%dma_wait3A_850 : memref<80x128xf32, #tpu.memory_space<hbm>>)
      tpu.yield
    }) : () -> ()
    %add3A_543 = arith.constant 240 : i32
    %add3A_544 = arith.addi %mul3A_3, %add3A_543 : i32
    %add3A_545 = arith.constant 0 : i32
    %add3A_546 = arith.addi %add3A_544, %add3A_545 : i32
    %add3A_547 = vector.broadcast %add3A_546 : i32 to vector<16xi32>
    %add3A_548 = arith.addi %iota3A, %add3A_547 : vector<16xi32>
    %swap3A_549 = arith.constant 0 : index
    %swap3A_550 = tpu.vector_load %arg10[%swap3A_549] {strides = array<i32>} : memref<80xi32, #tpu.memory_space<vmem>>, vector<16xi32>,
    %swap3A_551 = vector.shape_cast %swap3A_550 : vector<16xi32> to vector<16xi32>
    %swap3A_552 = vector.shape_cast %add3A_548 : vector<16xi32> to vector<16xi32>
    tpu.vector_store %arg10[%swap3A_549], %swap3A_552 {strides = array<i32>} : memref<80xi32, #tpu.memory_space<vmem>>, vector<16xi32>,
    %add3A_553 = arith.constant 16 : i32
    %add3A_554 = arith.addi %add3A_544, %add3A_553 : i32
    %add3A_555 = vector.broadcast %add3A_554 : i32 to vector<16xi32>
    %add3A_556 = arith.addi %iota3A, %add3A_555 : vector<16xi32>
    %swap3A_557 = arith.constant 16 : index
    %swap3A_558 = tpu.vector_load %arg10[%swap3A_557] {strides = array<i32>} : memref<80xi32, #tpu.memory_space<vmem>>, vector<16xi32>,
    %swap3A_559 = vector.shape_cast %swap3A_558 : vector<16xi32> to vector<16xi32>
    %swap3A_560 = vector.shape_cast %add3A_556 : vector<16xi32> to vector<16xi32>
    tpu.vector_store %arg10[%swap3A_557], %swap3A_560 {strides = array<i32>} : memref<80xi32, #tpu.memory_space<vmem>>, vector<16xi32>,
    %add3A_561 = arith.constant 32 : i32
    %add3A_562 = arith.addi %add3A_544, %add3A_561 : i32
    %add3A_563 = vector.broadcast %add3A_562 : i32 to vector<16xi32>
    %add3A_564 = arith.addi %iota3A, %add3A_563 : vector<16xi32>
    %swap3A_565 = arith.constant 32 : index
    %swap3A_566 = tpu.vector_load %arg10[%swap3A_565] {strides = array<i32>} : memref<80xi32, #tpu.memory_space<vmem>>, vector<16xi32>,
    %swap3A_567 = vector.shape_cast %swap3A_566 : vector<16xi32> to vector<16xi32>
    %swap3A_568 = vector.shape_cast %add3A_564 : vector<16xi32> to vector<16xi32>
    tpu.vector_store %arg10[%swap3A_565], %swap3A_568 {strides = array<i32>} : memref<80xi32, #tpu.memory_space<vmem>>, vector<16xi32>,
    %add3A_569 = arith.constant 48 : i32
    %add3A_570 = arith.addi %add3A_544, %add3A_569 : i32
    %add3A_571 = vector.broadcast %add3A_570 : i32 to vector<16xi32>
    %add3A_572 = arith.addi %iota3A, %add3A_571 : vector<16xi32>
    %swap3A_573 = arith.constant 48 : index
    %swap3A_574 = tpu.vector_load %arg10[%swap3A_573] {strides = array<i32>} : memref<80xi32, #tpu.memory_space<vmem>>, vector<16xi32>,
    %swap3A_575 = vector.shape_cast %swap3A_574 : vector<16xi32> to vector<16xi32>
    %swap3A_576 = vector.shape_cast %add3A_572 : vector<16xi32> to vector<16xi32>
    tpu.vector_store %arg10[%swap3A_573], %swap3A_576 {strides = array<i32>} : memref<80xi32, #tpu.memory_space<vmem>>, vector<16xi32>,
    %add3A_577 = arith.constant 64 : i32
    %add3A_578 = arith.addi %add3A_544, %add3A_577 : i32
    %add3A_579 = vector.broadcast %add3A_578 : i32 to vector<16xi32>
    %add3A_580 = arith.addi %iota3A, %add3A_579 : vector<16xi32>
    %swap3A_581 = arith.constant 64 : index
    %swap3A_582 = tpu.vector_load %arg10[%swap3A_581] {strides = array<i32>} : memref<80xi32, #tpu.memory_space<vmem>>, vector<16xi32>,
    %swap3A_583 = vector.shape_cast %swap3A_582 : vector<16xi32> to vector<16xi32>
    %swap3A_584 = vector.shape_cast %add3A_580 : vector<16xi32> to vector<16xi32>
    tpu.vector_store %arg10[%swap3A_581], %swap3A_584 {strides = array<i32>} : memref<80xi32, #tpu.memory_space<vmem>>, vector<16xi32>,
    %dma_start3A_585 = arith.constant 0 : i32
    %dma_start3A_586 = arith.constant 0 : i32
    %dma_start3A_587 = tpu.memref_slice %arg13[%dma_start3A_585, %dma_start3A_586] : memref<10240x128xf32, #tpu.memory_space<vmem_shared>> -> memref<10240x128xf32, #tpu.memory_space<vmem_shared>>
    tpu.enqueue_indirect_dma source(%dma_start3A_587 : memref<10240x128xf32, #tpu.memory_space<vmem_shared>>) target(%arg11 : memref<80x128xf32, #tpu.memory_space<vmem>>) offsets(%arg10 : memref<80xi32, #tpu.memory_space<vmem>>) semaphore(%arg15 : memref<!tpu.dma_semaphore, #tpu.memory_space<semaphore_mem>>)
    %dma_wait3A_588 = arith.constant 0 : i32
    %dma_wait3A_589 = arith.constant 0 : i32
    %dma_wait3A_590 = tpu.memref_slice %arg13[%dma_wait3A_588, %dma_wait3A_589] : memref<10240x128xf32, #tpu.memory_space<vmem_shared>> -> memref<10240x128xf32, #tpu.memory_space<vmem_shared>>
    tpu.wait_indirect_dma semaphore(%arg15 : memref<!tpu.dma_semaphore, #tpu.memory_space<semaphore_mem>>) src(%dma_wait3A_590 : memref<10240x128xf32, #tpu.memory_space<vmem_shared>>) dst(%arg11 : memref<80x128xf32, #tpu.memory_space<vmem>>)
    %add3A_591 = arith.constant 240 : i32
    %add3A_592 = arith.addi %mul3A_3, %add3A_591 : i32
    "tpu.region"() ({
      %run_scoped3A = tpu.sem_alloc : memref<!tpu.dma_semaphore, #tpu.memory_space<semaphore_mem>>
      %dma_start3A_839 = arith.constant 0 : i32
      %dma_start3A_840 = tpu.memref_slice %arg5[%arg0, %add3A_592, %dma_start3A_839] : memref<2x10240x128xf32, #tpu.memory_space<hbm>> -> memref<1x80x128xf32, #tpu.memory_space<hbm>>
      %dma_start3A_841 = tpu.memref_squeeze %dma_start3A_840 : memref<1x80x128xf32, #tpu.memory_space<hbm>> -> memref<80x128xf32, #tpu.memory_space<hbm>>
      %dma_start3A_842 = arith.constant 0 : i32
      %dma_start3A_843 = tpu.memref_slice %arg5[%arg0, %add3A_592, %dma_start3A_842] : memref<2x10240x128xf32, #tpu.memory_space<hbm>> -> memref<1x80x128xf32, #tpu.memory_space<hbm>>
      %dma_start3A_844 = tpu.memref_squeeze %dma_start3A_843 : memref<1x80x128xf32, #tpu.memory_space<hbm>> -> memref<80x128xf32, #tpu.memory_space<hbm>>
      tpu.enqueue_dma source(%arg11 : memref<80x128xf32, #tpu.memory_space<vmem>>) target(%dma_start3A_844 : memref<80x128xf32, #tpu.memory_space<hbm>>) target_semaphore(%run_scoped3A : memref<!tpu.dma_semaphore, #tpu.memory_space<semaphore_mem>>)
      %dma_wait3A_845 = arith.constant 0 : i32
      %dma_wait3A_846 = tpu.memref_slice %arg5[%arg0, %add3A_592, %dma_wait3A_845] : memref<2x10240x128xf32, #tpu.memory_space<hbm>> -> memref<1x80x128xf32, #tpu.memory_space<hbm>>
      %dma_wait3A_847 = tpu.memref_squeeze %dma_wait3A_846 : memref<1x80x128xf32, #tpu.memory_space<hbm>> -> memref<80x128xf32, #tpu.memory_space<hbm>>
      %dma_wait3A_848 = arith.constant 0 : i32
      %dma_wait3A_849 = tpu.memref_slice %arg5[%arg0, %add3A_592, %dma_wait3A_848] : memref<2x10240x128xf32, #tpu.memory_space<hbm>> -> memref<1x80x128xf32, #tpu.memory_space<hbm>>
      %dma_wait3A_850 = tpu.memref_squeeze %dma_wait3A_849 : memref<1x80x128xf32, #tpu.memory_space<hbm>> -> memref<80x128xf32, #tpu.memory_space<hbm>>
      tpu.wait_dma2 semaphore(%run_scoped3A : memref<!tpu.dma_semaphore, #tpu.memory_space<semaphore_mem>>) src(%arg11 : memref<80x128xf32, #tpu.memory_space<vmem>>) dst(%dma_wait3A_850 : memref<80x128xf32, #tpu.memory_space<hbm>>)
      tpu.yield
    }) : () -> ()
    %add3A_593 = arith.constant 320 : i32
    %add3A_594 = arith.addi %mul3A_3, %add3A_593 : i32
    %add3A_595 = arith.constant 0 : i32
    %add3A_596 = arith.addi %add3A_594, %add3A_595 : i32
    %add3A_597 = vector.broadcast %add3A_596 : i32 to vector<16xi32>
    %add3A_598 = arith.addi %iota3A, %add3A_597 : vector<16xi32>
    %swap3A_599 = arith.constant 0 : index
    %swap3A_600 = tpu.vector_load %arg10[%swap3A_599] {strides = array<i32>} : memref<80xi32, #tpu.memory_space<vmem>>, vector<16xi32>,
    %swap3A_601 = vector.shape_cast %swap3A_600 : vector<16xi32> to vector<16xi32>
    %swap3A_602 = vector.shape_cast %add3A_598 : vector<16xi32> to vector<16xi32>
    tpu.vector_store %arg10[%swap3A_599], %swap3A_602 {strides = array<i32>} : memref<80xi32, #tpu.memory_space<vmem>>, vector<16xi32>,
    %add3A_603 = arith.constant 16 : i32
    %add3A_604 = arith.addi %add3A_594, %add3A_603 : i32
    %add3A_605 = vector.broadcast %add3A_604 : i32 to vector<16xi32>
    %add3A_606 = arith.addi %iota3A, %add3A_605 : vector<16xi32>
    %swap3A_607 = arith.constant 16 : index
    %swap3A_608 = tpu.vector_load %arg10[%swap3A_607] {strides = array<i32>} : memref<80xi32, #tpu.memory_space<vmem>>, vector<16xi32>,
    %swap3A_609 = vector.shape_cast %swap3A_608 : vector<16xi32> to vector<16xi32>
    %swap3A_610 = vector.shape_cast %add3A_606 : vector<16xi32> to vector<16xi32>
    tpu.vector_store %arg10[%swap3A_607], %swap3A_610 {strides = array<i32>} : memref<80xi32, #tpu.memory_space<vmem>>, vector<16xi32>,
    %add3A_611 = arith.constant 32 : i32
    %add3A_612 = arith.addi %add3A_594, %add3A_611 : i32
    %add3A_613 = vector.broadcast %add3A_612 : i32 to vector<16xi32>
    %add3A_614 = arith.addi %iota3A, %add3A_613 : vector<16xi32>
    %swap3A_615 = arith.constant 32 : index
    %swap3A_616 = tpu.vector_load %arg10[%swap3A_615] {strides = array<i32>} : memref<80xi32, #tpu.memory_space<vmem>>, vector<16xi32>,
    %swap3A_617 = vector.shape_cast %swap3A_616 : vector<16xi32> to vector<16xi32>
    %swap3A_618 = vector.shape_cast %add3A_614 : vector<16xi32> to vector<16xi32>
    tpu.vector_store %arg10[%swap3A_615], %swap3A_618 {strides = array<i32>} : memref<80xi32, #tpu.memory_space<vmem>>, vector<16xi32>,
    %add3A_619 = arith.constant 48 : i32
    %add3A_620 = arith.addi %add3A_594, %add3A_619 : i32
    %add3A_621 = vector.broadcast %add3A_620 : i32 to vector<16xi32>
    %add3A_622 = arith.addi %iota3A, %add3A_621 : vector<16xi32>
    %swap3A_623 = arith.constant 48 : index
    %swap3A_624 = tpu.vector_load %arg10[%swap3A_623] {strides = array<i32>} : memref<80xi32, #tpu.memory_space<vmem>>, vector<16xi32>,
    %swap3A_625 = vector.shape_cast %swap3A_624 : vector<16xi32> to vector<16xi32>
    %swap3A_626 = vector.shape_cast %add3A_622 : vector<16xi32> to vector<16xi32>
    tpu.vector_store %arg10[%swap3A_623], %swap3A_626 {strides = array<i32>} : memref<80xi32, #tpu.memory_space<vmem>>, vector<16xi32>,
    %add3A_627 = arith.constant 64 : i32
    %add3A_628 = arith.addi %add3A_594, %add3A_627 : i32
    %add3A_629 = vector.broadcast %add3A_628 : i32 to vector<16xi32>
    %add3A_630 = arith.addi %iota3A, %add3A_629 : vector<16xi32>
    %swap3A_631 = arith.constant 64 : index
    %swap3A_632 = tpu.vector_load %arg10[%swap3A_631] {strides = array<i32>} : memref<80xi32, #tpu.memory_space<vmem>>, vector<16xi32>,
    %swap3A_633 = vector.shape_cast %swap3A_632 : vector<16xi32> to vector<16xi32>
    %swap3A_634 = vector.shape_cast %add3A_630 : vector<16xi32> to vector<16xi32>
    tpu.vector_store %arg10[%swap3A_631], %swap3A_634 {strides = array<i32>} : memref<80xi32, #tpu.memory_space<vmem>>, vector<16xi32>,
    %dma_start3A_635 = arith.constant 0 : i32
    %dma_start3A_636 = arith.constant 0 : i32
    %dma_start3A_637 = tpu.memref_slice %arg13[%dma_start3A_635, %dma_start3A_636] : memref<10240x128xf32, #tpu.memory_space<vmem_shared>> -> memref<10240x128xf32, #tpu.memory_space<vmem_shared>>
    tpu.enqueue_indirect_dma source(%dma_start3A_637 : memref<10240x128xf32, #tpu.memory_space<vmem_shared>>) target(%arg11 : memref<80x128xf32, #tpu.memory_space<vmem>>) offsets(%arg10 : memref<80xi32, #tpu.memory_space<vmem>>) semaphore(%arg15 : memref<!tpu.dma_semaphore, #tpu.memory_space<semaphore_mem>>)
    %dma_wait3A_638 = arith.constant 0 : i32
    %dma_wait3A_639 = arith.constant 0 : i32
    %dma_wait3A_640 = tpu.memref_slice %arg13[%dma_wait3A_638, %dma_wait3A_639] : memref<10240x128xf32, #tpu.memory_space<vmem_shared>> -> memref<10240x128xf32, #tpu.memory_space<vmem_shared>>
    tpu.wait_indirect_dma semaphore(%arg15 : memref<!tpu.dma_semaphore, #tpu.memory_space<semaphore_mem>>) src(%dma_wait3A_640 : memref<10240x128xf32, #tpu.memory_space<vmem_shared>>) dst(%arg11 : memref<80x128xf32, #tpu.memory_space<vmem>>)
    %add3A_641 = arith.constant 320 : i32
    %add3A_642 = arith.addi %mul3A_3, %add3A_641 : i32
    "tpu.region"() ({
      %run_scoped3A = tpu.sem_alloc : memref<!tpu.dma_semaphore, #tpu.memory_space<semaphore_mem>>
      %dma_start3A_839 = arith.constant 0 : i32
      %dma_start3A_840 = tpu.memref_slice %arg5[%arg0, %add3A_642, %dma_start3A_839] : memref<2x10240x128xf32, #tpu.memory_space<hbm>> -> memref<1x80x128xf32, #tpu.memory_space<hbm>>
      %dma_start3A_841 = tpu.memref_squeeze %dma_start3A_840 : memref<1x80x128xf32, #tpu.memory_space<hbm>> -> memref<80x128xf32, #tpu.memory_space<hbm>>
      %dma_start3A_842 = arith.constant 0 : i32
      %dma_start3A_843 = tpu.memref_slice %arg5[%arg0, %add3A_642, %dma_start3A_842] : memref<2x10240x128xf32, #tpu.memory_space<hbm>> -> memref<1x80x128xf32, #tpu.memory_space<hbm>>
      %dma_start3A_844 = tpu.memref_squeeze %dma_start3A_843 : memref<1x80x128xf32, #tpu.memory_space<hbm>> -> memref<80x128xf32, #tpu.memory_space<hbm>>
      tpu.enqueue_dma source(%arg11 : memref<80x128xf32, #tpu.memory_space<vmem>>) target(%dma_start3A_844 : memref<80x128xf32, #tpu.memory_space<hbm>>) target_semaphore(%run_scoped3A : memref<!tpu.dma_semaphore, #tpu.memory_space<semaphore_mem>>)
      %dma_wait3A_845 = arith.constant 0 : i32
      %dma_wait3A_846 = tpu.memref_slice %arg5[%arg0, %add3A_642, %dma_wait3A_845] : memref<2x10240x128xf32, #tpu.memory_space<hbm>> -> memref<1x80x128xf32, #tpu.memory_space<hbm>>
      %dma_wait3A_847 = tpu.memref_squeeze %dma_wait3A_846 : memref<1x80x128xf32, #tpu.memory_space<hbm>> -> memref<80x128xf32, #tpu.memory_space<hbm>>
      %dma_wait3A_848 = arith.constant 0 : i32
      %dma_wait3A_849 = tpu.memref_slice %arg5[%arg0, %add3A_642, %dma_wait3A_848] : memref<2x10240x128xf32, #tpu.memory_space<hbm>> -> memref<1x80x128xf32, #tpu.memory_space<hbm>>
      %dma_wait3A_850 = tpu.memref_squeeze %dma_wait3A_849 : memref<1x80x128xf32, #tpu.memory_space<hbm>> -> memref<80x128xf32, #tpu.memory_space<hbm>>
      tpu.wait_dma2 semaphore(%run_scoped3A : memref<!tpu.dma_semaphore, #tpu.memory_space<semaphore_mem>>) src(%arg11 : memref<80x128xf32, #tpu.memory_space<vmem>>) dst(%dma_wait3A_850 : memref<80x128xf32, #tpu.memory_space<hbm>>)
      tpu.yield
    }) : () -> ()
    %add3A_643 = arith.constant 400 : i32
    %add3A_644 = arith.addi %mul3A_3, %add3A_643 : i32
    %add3A_645 = arith.constant 0 : i32
    %add3A_646 = arith.addi %add3A_644, %add3A_645 : i32
    %add3A_647 = vector.broadcast %add3A_646 : i32 to vector<16xi32>
    %add3A_648 = arith.addi %iota3A, %add3A_647 : vector<16xi32>
    %swap3A_649 = arith.constant 0 : index
    %swap3A_650 = tpu.vector_load %arg10[%swap3A_649] {strides = array<i32>} : memref<80xi32, #tpu.memory_space<vmem>>, vector<16xi32>,
    %swap3A_651 = vector.shape_cast %swap3A_650 : vector<16xi32> to vector<16xi32>
    %swap3A_652 = vector.shape_cast %add3A_648 : vector<16xi32> to vector<16xi32>
    tpu.vector_store %arg10[%swap3A_649], %swap3A_652 {strides = array<i32>} : memref<80xi32, #tpu.memory_space<vmem>>, vector<16xi32>,
    %add3A_653 = arith.constant 16 : i32
    %add3A_654 = arith.addi %add3A_644, %add3A_653 : i32
    %add3A_655 = vector.broadcast %add3A_654 : i32 to vector<16xi32>
    %add3A_656 = arith.addi %iota3A, %add3A_655 : vector<16xi32>
    %swap3A_657 = arith.constant 16 : index
    %swap3A_658 = tpu.vector_load %arg10[%swap3A_657] {strides = array<i32>} : memref<80xi32, #tpu.memory_space<vmem>>, vector<16xi32>,
    %swap3A_659 = vector.shape_cast %swap3A_658 : vector<16xi32> to vector<16xi32>
    %swap3A_660 = vector.shape_cast %add3A_656 : vector<16xi32> to vector<16xi32>
    tpu.vector_store %arg10[%swap3A_657], %swap3A_660 {strides = array<i32>} : memref<80xi32, #tpu.memory_space<vmem>>, vector<16xi32>,
    %add3A_661 = arith.constant 32 : i32
    %add3A_662 = arith.addi %add3A_644, %add3A_661 : i32
    %add3A_663 = vector.broadcast %add3A_662 : i32 to vector<16xi32>
    %add3A_664 = arith.addi %iota3A, %add3A_663 : vector<16xi32>
    %swap3A_665 = arith.constant 32 : index
    %swap3A_666 = tpu.vector_load %arg10[%swap3A_665] {strides = array<i32>} : memref<80xi32, #tpu.memory_space<vmem>>, vector<16xi32>,
    %swap3A_667 = vector.shape_cast %swap3A_666 : vector<16xi32> to vector<16xi32>
    %swap3A_668 = vector.shape_cast %add3A_664 : vector<16xi32> to vector<16xi32>
    tpu.vector_store %arg10[%swap3A_665], %swap3A_668 {strides = array<i32>} : memref<80xi32, #tpu.memory_space<vmem>>, vector<16xi32>,
    %add3A_669 = arith.constant 48 : i32
    %add3A_670 = arith.addi %add3A_644, %add3A_669 : i32
    %add3A_671 = vector.broadcast %add3A_670 : i32 to vector<16xi32>
    %add3A_672 = arith.addi %iota3A, %add3A_671 : vector<16xi32>
    %swap3A_673 = arith.constant 48 : index
    %swap3A_674 = tpu.vector_load %arg10[%swap3A_673] {strides = array<i32>} : memref<80xi32, #tpu.memory_space<vmem>>, vector<16xi32>,
    %swap3A_675 = vector.shape_cast %swap3A_674 : vector<16xi32> to vector<16xi32>
    %swap3A_676 = vector.shape_cast %add3A_672 : vector<16xi32> to vector<16xi32>
    tpu.vector_store %arg10[%swap3A_673], %swap3A_676 {strides = array<i32>} : memref<80xi32, #tpu.memory_space<vmem>>, vector<16xi32>,
    %add3A_677 = arith.constant 64 : i32
    %add3A_678 = arith.addi %add3A_644, %add3A_677 : i32
    %add3A_679 = vector.broadcast %add3A_678 : i32 to vector<16xi32>
    %add3A_680 = arith.addi %iota3A, %add3A_679 : vector<16xi32>
    %swap3A_681 = arith.constant 64 : index
    %swap3A_682 = tpu.vector_load %arg10[%swap3A_681] {strides = array<i32>} : memref<80xi32, #tpu.memory_space<vmem>>, vector<16xi32>,
    %swap3A_683 = vector.shape_cast %swap3A_682 : vector<16xi32> to vector<16xi32>
    %swap3A_684 = vector.shape_cast %add3A_680 : vector<16xi32> to vector<16xi32>
    tpu.vector_store %arg10[%swap3A_681], %swap3A_684 {strides = array<i32>} : memref<80xi32, #tpu.memory_space<vmem>>, vector<16xi32>,
    %dma_start3A_685 = arith.constant 0 : i32
    %dma_start3A_686 = arith.constant 0 : i32
    %dma_start3A_687 = tpu.memref_slice %arg13[%dma_start3A_685, %dma_start3A_686] : memref<10240x128xf32, #tpu.memory_space<vmem_shared>> -> memref<10240x128xf32, #tpu.memory_space<vmem_shared>>
    tpu.enqueue_indirect_dma source(%dma_start3A_687 : memref<10240x128xf32, #tpu.memory_space<vmem_shared>>) target(%arg11 : memref<80x128xf32, #tpu.memory_space<vmem>>) offsets(%arg10 : memref<80xi32, #tpu.memory_space<vmem>>) semaphore(%arg15 : memref<!tpu.dma_semaphore, #tpu.memory_space<semaphore_mem>>)
    %dma_wait3A_688 = arith.constant 0 : i32
    %dma_wait3A_689 = arith.constant 0 : i32
    %dma_wait3A_690 = tpu.memref_slice %arg13[%dma_wait3A_688, %dma_wait3A_689] : memref<10240x128xf32, #tpu.memory_space<vmem_shared>> -> memref<10240x128xf32, #tpu.memory_space<vmem_shared>>
    tpu.wait_indirect_dma semaphore(%arg15 : memref<!tpu.dma_semaphore, #tpu.memory_space<semaphore_mem>>) src(%dma_wait3A_690 : memref<10240x128xf32, #tpu.memory_space<vmem_shared>>) dst(%arg11 : memref<80x128xf32, #tpu.memory_space<vmem>>)
    %add3A_691 = arith.constant 400 : i32
    %add3A_692 = arith.addi %mul3A_3, %add3A_691 : i32
    "tpu.region"() ({
      %run_scoped3A = tpu.sem_alloc : memref<!tpu.dma_semaphore, #tpu.memory_space<semaphore_mem>>
      %dma_start3A_839 = arith.constant 0 : i32
      %dma_start3A_840 = tpu.memref_slice %arg5[%arg0, %add3A_692, %dma_start3A_839] : memref<2x10240x128xf32, #tpu.memory_space<hbm>> -> memref<1x80x128xf32, #tpu.memory_space<hbm>>
      %dma_start3A_841 = tpu.memref_squeeze %dma_start3A_840 : memref<1x80x128xf32, #tpu.memory_space<hbm>> -> memref<80x128xf32, #tpu.memory_space<hbm>>
      %dma_start3A_842 = arith.constant 0 : i32
      %dma_start3A_843 = tpu.memref_slice %arg5[%arg0, %add3A_692, %dma_start3A_842] : memref<2x10240x128xf32, #tpu.memory_space<hbm>> -> memref<1x80x128xf32, #tpu.memory_space<hbm>>
      %dma_start3A_844 = tpu.memref_squeeze %dma_start3A_843 : memref<1x80x128xf32, #tpu.memory_space<hbm>> -> memref<80x128xf32, #tpu.memory_space<hbm>>
      tpu.enqueue_dma source(%arg11 : memref<80x128xf32, #tpu.memory_space<vmem>>) target(%dma_start3A_844 : memref<80x128xf32, #tpu.memory_space<hbm>>) target_semaphore(%run_scoped3A : memref<!tpu.dma_semaphore, #tpu.memory_space<semaphore_mem>>)
      %dma_wait3A_845 = arith.constant 0 : i32
      %dma_wait3A_846 = tpu.memref_slice %arg5[%arg0, %add3A_692, %dma_wait3A_845] : memref<2x10240x128xf32, #tpu.memory_space<hbm>> -> memref<1x80x128xf32, #tpu.memory_space<hbm>>
      %dma_wait3A_847 = tpu.memref_squeeze %dma_wait3A_846 : memref<1x80x128xf32, #tpu.memory_space<hbm>> -> memref<80x128xf32, #tpu.memory_space<hbm>>
      %dma_wait3A_848 = arith.constant 0 : i32
      %dma_wait3A_849 = tpu.memref_slice %arg5[%arg0, %add3A_692, %dma_wait3A_848] : memref<2x10240x128xf32, #tpu.memory_space<hbm>> -> memref<1x80x128xf32, #tpu.memory_space<hbm>>
      %dma_wait3A_850 = tpu.memref_squeeze %dma_wait3A_849 : memref<1x80x128xf32, #tpu.memory_space<hbm>> -> memref<80x128xf32, #tpu.memory_space<hbm>>
      tpu.wait_dma2 semaphore(%run_scoped3A : memref<!tpu.dma_semaphore, #tpu.memory_space<semaphore_mem>>) src(%arg11 : memref<80x128xf32, #tpu.memory_space<vmem>>) dst(%dma_wait3A_850 : memref<80x128xf32, #tpu.memory_space<hbm>>)
      tpu.yield
    }) : () -> ()
    %add3A_693 = arith.constant 480 : i32
    %add3A_694 = arith.addi %mul3A_3, %add3A_693 : i32
    %add3A_695 = arith.constant 0 : i32
    %add3A_696 = arith.addi %add3A_694, %add3A_695 : i32
    %add3A_697 = vector.broadcast %add3A_696 : i32 to vector<16xi32>
    %add3A_698 = arith.addi %iota3A, %add3A_697 : vector<16xi32>
    %swap3A_699 = arith.constant 0 : index
    %swap3A_700 = tpu.vector_load %arg10[%swap3A_699] {strides = array<i32>} : memref<80xi32, #tpu.memory_space<vmem>>, vector<16xi32>,
    %swap3A_701 = vector.shape_cast %swap3A_700 : vector<16xi32> to vector<16xi32>
    %swap3A_702 = vector.shape_cast %add3A_698 : vector<16xi32> to vector<16xi32>
    tpu.vector_store %arg10[%swap3A_699], %swap3A_702 {strides = array<i32>} : memref<80xi32, #tpu.memory_space<vmem>>, vector<16xi32>,
    %add3A_703 = arith.constant 16 : i32
    %add3A_704 = arith.addi %add3A_694, %add3A_703 : i32
    %add3A_705 = vector.broadcast %add3A_704 : i32 to vector<16xi32>
    %add3A_706 = arith.addi %iota3A, %add3A_705 : vector<16xi32>
    %swap3A_707 = arith.constant 16 : index
    %swap3A_708 = tpu.vector_load %arg10[%swap3A_707] {strides = array<i32>} : memref<80xi32, #tpu.memory_space<vmem>>, vector<16xi32>,
    %swap3A_709 = vector.shape_cast %swap3A_708 : vector<16xi32> to vector<16xi32>
    %swap3A_710 = vector.shape_cast %add3A_706 : vector<16xi32> to vector<16xi32>
    tpu.vector_store %arg10[%swap3A_707], %swap3A_710 {strides = array<i32>} : memref<80xi32, #tpu.memory_space<vmem>>, vector<16xi32>,
    %add3A_711 = arith.constant 32 : i32
    %add3A_712 = arith.addi %add3A_694, %add3A_711 : i32
    %add3A_713 = vector.broadcast %add3A_712 : i32 to vector<16xi32>
    %add3A_714 = arith.addi %iota3A, %add3A_713 : vector<16xi32>
    %swap3A_715 = arith.constant 32 : index
    %swap3A_716 = tpu.vector_load %arg10[%swap3A_715] {strides = array<i32>} : memref<80xi32, #tpu.memory_space<vmem>>, vector<16xi32>,
    %swap3A_717 = vector.shape_cast %swap3A_716 : vector<16xi32> to vector<16xi32>
    %swap3A_718 = vector.shape_cast %add3A_714 : vector<16xi32> to vector<16xi32>
    tpu.vector_store %arg10[%swap3A_715], %swap3A_718 {strides = array<i32>} : memref<80xi32, #tpu.memory_space<vmem>>, vector<16xi32>,
    %add3A_719 = arith.constant 48 : i32
    %add3A_720 = arith.addi %add3A_694, %add3A_719 : i32
    %add3A_721 = vector.broadcast %add3A_720 : i32 to vector<16xi32>
    %add3A_722 = arith.addi %iota3A, %add3A_721 : vector<16xi32>
    %swap3A_723 = arith.constant 48 : index
    %swap3A_724 = tpu.vector_load %arg10[%swap3A_723] {strides = array<i32>} : memref<80xi32, #tpu.memory_space<vmem>>, vector<16xi32>,
    %swap3A_725 = vector.shape_cast %swap3A_724 : vector<16xi32> to vector<16xi32>
    %swap3A_726 = vector.shape_cast %add3A_722 : vector<16xi32> to vector<16xi32>
    tpu.vector_store %arg10[%swap3A_723], %swap3A_726 {strides = array<i32>} : memref<80xi32, #tpu.memory_space<vmem>>, vector<16xi32>,
    %add3A_727 = arith.constant 64 : i32
    %add3A_728 = arith.addi %add3A_694, %add3A_727 : i32
    %add3A_729 = vector.broadcast %add3A_728 : i32 to vector<16xi32>
    %add3A_730 = arith.addi %iota3A, %add3A_729 : vector<16xi32>
    %swap3A_731 = arith.constant 64 : index
    %swap3A_732 = tpu.vector_load %arg10[%swap3A_731] {strides = array<i32>} : memref<80xi32, #tpu.memory_space<vmem>>, vector<16xi32>,
    %swap3A_733 = vector.shape_cast %swap3A_732 : vector<16xi32> to vector<16xi32>
    %swap3A_734 = vector.shape_cast %add3A_730 : vector<16xi32> to vector<16xi32>
    tpu.vector_store %arg10[%swap3A_731], %swap3A_734 {strides = array<i32>} : memref<80xi32, #tpu.memory_space<vmem>>, vector<16xi32>,
    %dma_start3A_735 = arith.constant 0 : i32
    %dma_start3A_736 = arith.constant 0 : i32
    %dma_start3A_737 = tpu.memref_slice %arg13[%dma_start3A_735, %dma_start3A_736] : memref<10240x128xf32, #tpu.memory_space<vmem_shared>> -> memref<10240x128xf32, #tpu.memory_space<vmem_shared>>
    tpu.enqueue_indirect_dma source(%dma_start3A_737 : memref<10240x128xf32, #tpu.memory_space<vmem_shared>>) target(%arg11 : memref<80x128xf32, #tpu.memory_space<vmem>>) offsets(%arg10 : memref<80xi32, #tpu.memory_space<vmem>>) semaphore(%arg15 : memref<!tpu.dma_semaphore, #tpu.memory_space<semaphore_mem>>)
    %dma_wait3A_738 = arith.constant 0 : i32
    %dma_wait3A_739 = arith.constant 0 : i32
    %dma_wait3A_740 = tpu.memref_slice %arg13[%dma_wait3A_738, %dma_wait3A_739] : memref<10240x128xf32, #tpu.memory_space<vmem_shared>> -> memref<10240x128xf32, #tpu.memory_space<vmem_shared>>
    tpu.wait_indirect_dma semaphore(%arg15 : memref<!tpu.dma_semaphore, #tpu.memory_space<semaphore_mem>>) src(%dma_wait3A_740 : memref<10240x128xf32, #tpu.memory_space<vmem_shared>>) dst(%arg11 : memref<80x128xf32, #tpu.memory_space<vmem>>)
    %add3A_741 = arith.constant 480 : i32
    %add3A_742 = arith.addi %mul3A_3, %add3A_741 : i32
    "tpu.region"() ({
      %run_scoped3A = tpu.sem_alloc : memref<!tpu.dma_semaphore, #tpu.memory_space<semaphore_mem>>
      %dma_start3A_839 = arith.constant 0 : i32
      %dma_start3A_840 = tpu.memref_slice %arg5[%arg0, %add3A_742, %dma_start3A_839] : memref<2x10240x128xf32, #tpu.memory_space<hbm>> -> memref<1x80x128xf32, #tpu.memory_space<hbm>>
      %dma_start3A_841 = tpu.memref_squeeze %dma_start3A_840 : memref<1x80x128xf32, #tpu.memory_space<hbm>> -> memref<80x128xf32, #tpu.memory_space<hbm>>
      %dma_start3A_842 = arith.constant 0 : i32
      %dma_start3A_843 = tpu.memref_slice %arg5[%arg0, %add3A_742, %dma_start3A_842] : memref<2x10240x128xf32, #tpu.memory_space<hbm>> -> memref<1x80x128xf32, #tpu.memory_space<hbm>>
      %dma_start3A_844 = tpu.memref_squeeze %dma_start3A_843 : memref<1x80x128xf32, #tpu.memory_space<hbm>> -> memref<80x128xf32, #tpu.memory_space<hbm>>
      tpu.enqueue_dma source(%arg11 : memref<80x128xf32, #tpu.memory_space<vmem>>) target(%dma_start3A_844 : memref<80x128xf32, #tpu.memory_space<hbm>>) target_semaphore(%run_scoped3A : memref<!tpu.dma_semaphore, #tpu.memory_space<semaphore_mem>>)
      %dma_wait3A_845 = arith.constant 0 : i32
      %dma_wait3A_846 = tpu.memref_slice %arg5[%arg0, %add3A_742, %dma_wait3A_845] : memref<2x10240x128xf32, #tpu.memory_space<hbm>> -> memref<1x80x128xf32, #tpu.memory_space<hbm>>
      %dma_wait3A_847 = tpu.memref_squeeze %dma_wait3A_846 : memref<1x80x128xf32, #tpu.memory_space<hbm>> -> memref<80x128xf32, #tpu.memory_space<hbm>>
      %dma_wait3A_848 = arith.constant 0 : i32
      %dma_wait3A_849 = tpu.memref_slice %arg5[%arg0, %add3A_742, %dma_wait3A_848] : memref<2x10240x128xf32, #tpu.memory_space<hbm>> -> memref<1x80x128xf32, #tpu.memory_space<hbm>>
      %dma_wait3A_850 = tpu.memref_squeeze %dma_wait3A_849 : memref<1x80x128xf32, #tpu.memory_space<hbm>> -> memref<80x128xf32, #tpu.memory_space<hbm>>
      tpu.wait_dma2 semaphore(%run_scoped3A : memref<!tpu.dma_semaphore, #tpu.memory_space<semaphore_mem>>) src(%arg11 : memref<80x128xf32, #tpu.memory_space<vmem>>) dst(%dma_wait3A_850 : memref<80x128xf32, #tpu.memory_space<hbm>>)
      tpu.yield
    }) : () -> ()
    %add3A_743 = arith.constant 560 : i32
    %add3A_744 = arith.addi %mul3A_3, %add3A_743 : i32
    %add3A_745 = arith.constant 0 : i32
    %add3A_746 = arith.addi %add3A_744, %add3A_745 : i32
    %add3A_747 = vector.broadcast %add3A_746 : i32 to vector<16xi32>
    %add3A_748 = arith.addi %iota3A, %add3A_747 : vector<16xi32>
    %swap3A_749 = arith.constant 0 : index
    %swap3A_750 = tpu.vector_load %arg10[%swap3A_749] {strides = array<i32>} : memref<80xi32, #tpu.memory_space<vmem>>, vector<16xi32>,
    %swap3A_751 = vector.shape_cast %swap3A_750 : vector<16xi32> to vector<16xi32>
    %swap3A_752 = vector.shape_cast %add3A_748 : vector<16xi32> to vector<16xi32>
    tpu.vector_store %arg10[%swap3A_749], %swap3A_752 {strides = array<i32>} : memref<80xi32, #tpu.memory_space<vmem>>, vector<16xi32>,
    %add3A_753 = arith.constant 16 : i32
    %add3A_754 = arith.addi %add3A_744, %add3A_753 : i32
    %add3A_755 = vector.broadcast %add3A_754 : i32 to vector<16xi32>
    %add3A_756 = arith.addi %iota3A, %add3A_755 : vector<16xi32>
    %swap3A_757 = arith.constant 16 : index
    %swap3A_758 = tpu.vector_load %arg10[%swap3A_757] {strides = array<i32>} : memref<80xi32, #tpu.memory_space<vmem>>, vector<16xi32>,
    %swap3A_759 = vector.shape_cast %swap3A_758 : vector<16xi32> to vector<16xi32>
    %swap3A_760 = vector.shape_cast %add3A_756 : vector<16xi32> to vector<16xi32>
    tpu.vector_store %arg10[%swap3A_757], %swap3A_760 {strides = array<i32>} : memref<80xi32, #tpu.memory_space<vmem>>, vector<16xi32>,
    %add3A_761 = arith.constant 32 : i32
    %add3A_762 = arith.addi %add3A_744, %add3A_761 : i32
    %add3A_763 = vector.broadcast %add3A_762 : i32 to vector<16xi32>
    %add3A_764 = arith.addi %iota3A, %add3A_763 : vector<16xi32>
    %swap3A_765 = arith.constant 32 : index
    %swap3A_766 = tpu.vector_load %arg10[%swap3A_765] {strides = array<i32>} : memref<80xi32, #tpu.memory_space<vmem>>, vector<16xi32>,
    %swap3A_767 = vector.shape_cast %swap3A_766 : vector<16xi32> to vector<16xi32>
    %swap3A_768 = vector.shape_cast %add3A_764 : vector<16xi32> to vector<16xi32>
    tpu.vector_store %arg10[%swap3A_765], %swap3A_768 {strides = array<i32>} : memref<80xi32, #tpu.memory_space<vmem>>, vector<16xi32>,
    %add3A_769 = arith.constant 48 : i32
    %add3A_770 = arith.addi %add3A_744, %add3A_769 : i32
    %add3A_771 = vector.broadcast %add3A_770 : i32 to vector<16xi32>
    %add3A_772 = arith.addi %iota3A, %add3A_771 : vector<16xi32>
    %swap3A_773 = arith.constant 48 : index
    %swap3A_774 = tpu.vector_load %arg10[%swap3A_773] {strides = array<i32>} : memref<80xi32, #tpu.memory_space<vmem>>, vector<16xi32>,
    %swap3A_775 = vector.shape_cast %swap3A_774 : vector<16xi32> to vector<16xi32>
    %swap3A_776 = vector.shape_cast %add3A_772 : vector<16xi32> to vector<16xi32>
    tpu.vector_store %arg10[%swap3A_773], %swap3A_776 {strides = array<i32>} : memref<80xi32, #tpu.memory_space<vmem>>, vector<16xi32>,
    %add3A_777 = arith.constant 64 : i32
    %add3A_778 = arith.addi %add3A_744, %add3A_777 : i32
    %add3A_779 = vector.broadcast %add3A_778 : i32 to vector<16xi32>
    %add3A_780 = arith.addi %iota3A, %add3A_779 : vector<16xi32>
    %swap3A_781 = arith.constant 64 : index
    %swap3A_782 = tpu.vector_load %arg10[%swap3A_781] {strides = array<i32>} : memref<80xi32, #tpu.memory_space<vmem>>, vector<16xi32>,
    %swap3A_783 = vector.shape_cast %swap3A_782 : vector<16xi32> to vector<16xi32>
    %swap3A_784 = vector.shape_cast %add3A_780 : vector<16xi32> to vector<16xi32>
    tpu.vector_store %arg10[%swap3A_781], %swap3A_784 {strides = array<i32>} : memref<80xi32, #tpu.memory_space<vmem>>, vector<16xi32>,
    %dma_start3A_785 = arith.constant 0 : i32
    %dma_start3A_786 = arith.constant 0 : i32
    %dma_start3A_787 = tpu.memref_slice %arg13[%dma_start3A_785, %dma_start3A_786] : memref<10240x128xf32, #tpu.memory_space<vmem_shared>> -> memref<10240x128xf32, #tpu.memory_space<vmem_shared>>
    tpu.enqueue_indirect_dma source(%dma_start3A_787 : memref<10240x128xf32, #tpu.memory_space<vmem_shared>>) target(%arg11 : memref<80x128xf32, #tpu.memory_space<vmem>>) offsets(%arg10 : memref<80xi32, #tpu.memory_space<vmem>>) semaphore(%arg15 : memref<!tpu.dma_semaphore, #tpu.memory_space<semaphore_mem>>)
    %dma_wait3A_788 = arith.constant 0 : i32
    %dma_wait3A_789 = arith.constant 0 : i32
    %dma_wait3A_790 = tpu.memref_slice %arg13[%dma_wait3A_788, %dma_wait3A_789] : memref<10240x128xf32, #tpu.memory_space<vmem_shared>> -> memref<10240x128xf32, #tpu.memory_space<vmem_shared>>
    tpu.wait_indirect_dma semaphore(%arg15 : memref<!tpu.dma_semaphore, #tpu.memory_space<semaphore_mem>>) src(%dma_wait3A_790 : memref<10240x128xf32, #tpu.memory_space<vmem_shared>>) dst(%arg11 : memref<80x128xf32, #tpu.memory_space<vmem>>)
    %add3A_791 = arith.constant 560 : i32
    %add3A_792 = arith.addi %mul3A_3, %add3A_791 : i32
    "tpu.region"() ({
      %run_scoped3A = tpu.sem_alloc : memref<!tpu.dma_semaphore, #tpu.memory_space<semaphore_mem>>
      %dma_start3A_839 = arith.constant 0 : i32
      %dma_start3A_840 = tpu.memref_slice %arg5[%arg0, %add3A_792, %dma_start3A_839] : memref<2x10240x128xf32, #tpu.memory_space<hbm>> -> memref<1x80x128xf32, #tpu.memory_space<hbm>>
      %dma_start3A_841 = tpu.memref_squeeze %dma_start3A_840 : memref<1x80x128xf32, #tpu.memory_space<hbm>> -> memref<80x128xf32, #tpu.memory_space<hbm>>
      %dma_start3A_842 = arith.constant 0 : i32
      %dma_start3A_843 = tpu.memref_slice %arg5[%arg0, %add3A_792, %dma_start3A_842] : memref<2x10240x128xf32, #tpu.memory_space<hbm>> -> memref<1x80x128xf32, #tpu.memory_space<hbm>>
      %dma_start3A_844 = tpu.memref_squeeze %dma_start3A_843 : memref<1x80x128xf32, #tpu.memory_space<hbm>> -> memref<80x128xf32, #tpu.memory_space<hbm>>
      tpu.enqueue_dma source(%arg11 : memref<80x128xf32, #tpu.memory_space<vmem>>) target(%dma_start3A_844 : memref<80x128xf32, #tpu.memory_space<hbm>>) target_semaphore(%run_scoped3A : memref<!tpu.dma_semaphore, #tpu.memory_space<semaphore_mem>>)
      %dma_wait3A_845 = arith.constant 0 : i32
      %dma_wait3A_846 = tpu.memref_slice %arg5[%arg0, %add3A_792, %dma_wait3A_845] : memref<2x10240x128xf32, #tpu.memory_space<hbm>> -> memref<1x80x128xf32, #tpu.memory_space<hbm>>
      %dma_wait3A_847 = tpu.memref_squeeze %dma_wait3A_846 : memref<1x80x128xf32, #tpu.memory_space<hbm>> -> memref<80x128xf32, #tpu.memory_space<hbm>>
      %dma_wait3A_848 = arith.constant 0 : i32
      %dma_wait3A_849 = tpu.memref_slice %arg5[%arg0, %add3A_792, %dma_wait3A_848] : memref<2x10240x128xf32, #tpu.memory_space<hbm>> -> memref<1x80x128xf32, #tpu.memory_space<hbm>>
      %dma_wait3A_850 = tpu.memref_squeeze %dma_wait3A_849 : memref<1x80x128xf32, #tpu.memory_space<hbm>> -> memref<80x128xf32, #tpu.memory_space<hbm>>
      tpu.wait_dma2 semaphore(%run_scoped3A : memref<!tpu.dma_semaphore, #tpu.memory_space<semaphore_mem>>) src(%arg11 : memref<80x128xf32, #tpu.memory_space<vmem>>) dst(%dma_wait3A_850 : memref<80x128xf32, #tpu.memory_space<hbm>>)
      tpu.yield
    }) : () -> ()
    %add3A_793 = arith.constant 0 : i32
    %add3A_794 = arith.addi %mul3A_5, %add3A_793 : i32
    %add3A_795 = vector.broadcast %add3A_794 : i32 to vector<16xi32>
    %add3A_796 = arith.addi %iota3A, %add3A_795 : vector<16xi32>
    %swap3A_797 = arith.constant 0 : index
    %swap3A_798 = tpu.vector_load %arg10[%swap3A_797] {strides = array<i32>} : memref<80xi32, #tpu.memory_space<vmem>>, vector<16xi32>,
    %swap3A_799 = vector.shape_cast %swap3A_798 : vector<16xi32> to vector<16xi32>
    %swap3A_800 = vector.shape_cast %add3A_796 : vector<16xi32> to vector<16xi32>
    tpu.vector_store %arg10[%swap3A_797], %swap3A_800 {strides = array<i32>} : memref<80xi32, #tpu.memory_space<vmem>>, vector<16xi32>,
    %add3A_801 = arith.constant 16 : i32
    %add3A_802 = arith.addi %mul3A_5, %add3A_801 : i32
    %add3A_803 = vector.broadcast %add3A_802 : i32 to vector<16xi32>
    %add3A_804 = arith.addi %iota3A, %add3A_803 : vector<16xi32>
    %swap3A_805 = arith.constant 16 : index
    %swap3A_806 = tpu.vector_load %arg10[%swap3A_805] {strides = array<i32>} : memref<80xi32, #tpu.memory_space<vmem>>, vector<16xi32>,
    %swap3A_807 = vector.shape_cast %swap3A_806 : vector<16xi32> to vector<16xi32>
    %swap3A_808 = vector.shape_cast %add3A_804 : vector<16xi32> to vector<16xi32>
    tpu.vector_store %arg10[%swap3A_805], %swap3A_808 {strides = array<i32>} : memref<80xi32, #tpu.memory_space<vmem>>, vector<16xi32>,
    %add3A_809 = arith.constant 32 : i32
    %add3A_810 = arith.addi %mul3A_5, %add3A_809 : i32
    %add3A_811 = vector.broadcast %add3A_810 : i32 to vector<16xi32>
    %add3A_812 = arith.addi %iota3A, %add3A_811 : vector<16xi32>
    %swap3A_813 = arith.constant 32 : index
    %swap3A_814 = tpu.vector_load %arg10[%swap3A_813] {strides = array<i32>} : memref<80xi32, #tpu.memory_space<vmem>>, vector<16xi32>,
    %swap3A_815 = vector.shape_cast %swap3A_814 : vector<16xi32> to vector<16xi32>
    %swap3A_816 = vector.shape_cast %add3A_812 : vector<16xi32> to vector<16xi32>
    tpu.vector_store %arg10[%swap3A_813], %swap3A_816 {strides = array<i32>} : memref<80xi32, #tpu.memory_space<vmem>>, vector<16xi32>,
    %add3A_817 = arith.constant 48 : i32
    %add3A_818 = arith.addi %mul3A_5, %add3A_817 : i32
    %add3A_819 = vector.broadcast %add3A_818 : i32 to vector<16xi32>
    %add3A_820 = arith.addi %iota3A, %add3A_819 : vector<16xi32>
    %swap3A_821 = arith.constant 48 : index
    %swap3A_822 = tpu.vector_load %arg10[%swap3A_821] {strides = array<i32>} : memref<80xi32, #tpu.memory_space<vmem>>, vector<16xi32>,
    %swap3A_823 = vector.shape_cast %swap3A_822 : vector<16xi32> to vector<16xi32>
    %swap3A_824 = vector.shape_cast %add3A_820 : vector<16xi32> to vector<16xi32>
    tpu.vector_store %arg10[%swap3A_821], %swap3A_824 {strides = array<i32>} : memref<80xi32, #tpu.memory_space<vmem>>, vector<16xi32>,
    %add3A_825 = arith.constant 64 : i32
    %add3A_826 = arith.addi %mul3A_5, %add3A_825 : i32
    %add3A_827 = vector.broadcast %add3A_826 : i32 to vector<16xi32>
    %add3A_828 = arith.addi %iota3A, %add3A_827 : vector<16xi32>
    %swap3A_829 = arith.constant 64 : index
    %swap3A_830 = tpu.vector_load %arg10[%swap3A_829] {strides = array<i32>} : memref<80xi32, #tpu.memory_space<vmem>>, vector<16xi32>,
    %swap3A_831 = vector.shape_cast %swap3A_830 : vector<16xi32> to vector<16xi32>
    %swap3A_832 = vector.shape_cast %add3A_828 : vector<16xi32> to vector<16xi32>
    tpu.vector_store %arg10[%swap3A_829], %swap3A_832 {strides = array<i32>} : memref<80xi32, #tpu.memory_space<vmem>>, vector<16xi32>,
    %dma_start3A_833 = arith.constant 0 : i32
    %dma_start3A_834 = arith.constant 0 : i32
    %dma_start3A_835 = tpu.memref_slice %arg14[%dma_start3A_833, %dma_start3A_834] : memref<1280x128xf32, #tpu.memory_space<vmem_shared>> -> memref<1280x128xf32, #tpu.memory_space<vmem_shared>>
    tpu.enqueue_indirect_dma source(%dma_start3A_835 : memref<1280x128xf32, #tpu.memory_space<vmem_shared>>) target(%arg12 : memref<80x128xf32, #tpu.memory_space<vmem>>) offsets(%arg10 : memref<80xi32, #tpu.memory_space<vmem>>) semaphore(%arg15 : memref<!tpu.dma_semaphore, #tpu.memory_space<semaphore_mem>>)
    %dma_wait3A_836 = arith.constant 0 : i32
    %dma_wait3A_837 = arith.constant 0 : i32
    %dma_wait3A_838 = tpu.memref_slice %arg14[%dma_wait3A_836, %dma_wait3A_837] : memref<1280x128xf32, #tpu.memory_space<vmem_shared>> -> memref<1280x128xf32, #tpu.memory_space<vmem_shared>>
    tpu.wait_indirect_dma semaphore(%arg15 : memref<!tpu.dma_semaphore, #tpu.memory_space<semaphore_mem>>) src(%dma_wait3A_838 : memref<1280x128xf32, #tpu.memory_space<vmem_shared>>) dst(%arg12 : memref<80x128xf32, #tpu.memory_space<vmem>>)
    "tpu.region"() ({
      %run_scoped3A = tpu.sem_alloc : memref<!tpu.dma_semaphore, #tpu.memory_space<semaphore_mem>>
      %dma_start3A_839 = arith.constant 0 : i32
      %dma_start3A_840 = tpu.memref_slice %arg6[%arg0, %mul3A_5, %dma_start3A_839] : memref<2x1280x128xf32, #tpu.memory_space<hbm>> -> memref<1x80x128xf32, #tpu.memory_space<hbm>>
      %dma_start3A_841 = tpu.memref_squeeze %dma_start3A_840 : memref<1x80x128xf32, #tpu.memory_space<hbm>> -> memref<80x128xf32, #tpu.memory_space<hbm>>
      %dma_start3A_842 = arith.constant 0 : i32
      %dma_start3A_843 = tpu.memref_slice %arg6[%arg0, %mul3A_5, %dma_start3A_842] : memref<2x1280x128xf32, #tpu.memory_space<hbm>> -> memref<1x80x128xf32, #tpu.memory_space<hbm>>
      %dma_start3A_844 = tpu.memref_squeeze %dma_start3A_843 : memref<1x80x128xf32, #tpu.memory_space<hbm>> -> memref<80x128xf32, #tpu.memory_space<hbm>>
      tpu.enqueue_dma source(%arg12 : memref<80x128xf32, #tpu.memory_space<vmem>>) target(%dma_start3A_844 : memref<80x128xf32, #tpu.memory_space<hbm>>) target_semaphore(%run_scoped3A : memref<!tpu.dma_semaphore, #tpu.memory_space<semaphore_mem>>)
      %dma_wait3A_845 = arith.constant 0 : i32
      %dma_wait3A_846 = tpu.memref_slice %arg6[%arg0, %mul3A_5, %dma_wait3A_845] : memref<2x1280x128xf32, #tpu.memory_space<hbm>> -> memref<1x80x128xf32, #tpu.memory_space<hbm>>
      %dma_wait3A_847 = tpu.memref_squeeze %dma_wait3A_846 : memref<1x80x128xf32, #tpu.memory_space<hbm>> -> memref<80x128xf32, #tpu.memory_space<hbm>>
      %dma_wait3A_848 = arith.constant 0 : i32
      %dma_wait3A_849 = tpu.memref_slice %arg6[%arg0, %mul3A_5, %dma_wait3A_848] : memref<2x1280x128xf32, #tpu.memory_space<hbm>> -> memref<1x80x128xf32, #tpu.memory_space<hbm>>
      %dma_wait3A_850 = tpu.memref_squeeze %dma_wait3A_849 : memref<1x80x128xf32, #tpu.memory_space<hbm>> -> memref<80x128xf32, #tpu.memory_space<hbm>>
      tpu.wait_dma2 semaphore(%run_scoped3A : memref<!tpu.dma_semaphore, #tpu.memory_space<semaphore_mem>>) src(%arg12 : memref<80x128xf32, #tpu.memory_space<vmem>>) dst(%dma_wait3A_850 : memref<80x128xf32, #tpu.memory_space<hbm>>)
      tpu.yield
    }) : () -> ()
    return
  }
}

#map = affine_map<(d0, d1) -> (0, 0)>
#map1 = affine_map<(d0, d1) -> (0)>
module attributes {stable_mosaic.version = 14 : i64} {
  func.func @gather_kernel(%arg0: i32, %arg1: i32, %arg2: memref<10000x128xf32, #tpu.memory_space<hbm>>, %arg3: memref<10000x128xf32, #tpu.memory_space<hbm>>, %arg4: memref<10000x128xf32, #tpu.memory_space<hbm>>, %arg5: memref<320000xi32, #tpu.memory_space<hbm>>, %arg6: memref<320000xi32, #tpu.memory_space<hbm>>, %arg7: memref<320000x128xf32, #tpu.memory_space<hbm>>, %arg8: memref<320000x128xf32, #tpu.memory_space<hbm>>, %arg9: memref<320000x128xf32, #tpu.memory_space<hbm>>, %arg10: memref<10000xi32, #tpu.memory_space<vmem>>, %arg11: memref<10000xi32, #tpu.memory_space<vmem>>, %arg12: memref<80xi32, #tpu.memory_space<vmem>>, %arg13: memref<80xi32, #tpu.memory_space<vmem>>, %arg14: memref<80xi32, #tpu.memory_space<vmem>>, %arg15: memref<80xi32, #tpu.memory_space<vmem>>, %arg16: memref<80x128xf32, #tpu.memory_space<vmem>>, %arg17: memref<80x128xf32, #tpu.memory_space<vmem>>, %arg18: memref<80x128xf32, #tpu.memory_space<vmem>>, %arg19: memref<80x128xf32, #tpu.memory_space<vmem>>, %arg20: memref<80x128xf32, #tpu.memory_space<vmem>>, %arg21: memref<80x128xf32, #tpu.memory_space<vmem>>, %arg22: memref<!tpu.dma_semaphore, #tpu.memory_space<semaphore_mem>>, %arg23: memref<!tpu.dma_semaphore, #tpu.memory_space<semaphore_mem>>, %arg24: memref<!tpu.dma_semaphore, #tpu.memory_space<semaphore_mem>>, %arg25: memref<!tpu.dma_semaphore, #tpu.memory_space<semaphore_mem>>, %arg26: memref<!tpu.dma_semaphore, #tpu.memory_space<semaphore_mem>>, %arg27: memref<!tpu.dma_semaphore, #tpu.memory_space<semaphore_mem>>) attributes {dimension_semantics = [#tpu.dimension_semantics<core_parallel>, #tpu.dimension_semantics<subcore_parallel>], iteration_bounds = array<i64: 2, 16>, scalar_prefetch = 0 : i64, scratch_operands = 18 : i64, tpu.core_type = #tpu.core_type<sc_vector_subcore>, window_params = [{transform_indices = #map}, {transform_indices = #map}, {transform_indices = #map}, {transform_indices = #map1}, {transform_indices = #map1}, {transform_indices = #map}, {transform_indices = #map}, {transform_indices = #map}]} {
    %mul3A = arith.constant 2 : i32
    %mul3A_0 = arith.muli %arg1, %mul3A : i32
    %add3A = arith.addi %mul3A_0, %arg0 : i32
    %mul3A_1 = arith.constant 10000 : i32
    %mul3A_2 = arith.muli %add3A, %mul3A_1 : i32
    "tpu.region"() ({
      %run_scoped3A = tpu.sem_alloc : memref<!tpu.dma_semaphore, #tpu.memory_space<semaphore_mem>>
      %dma_start3A_94 = tpu.memref_slice %arg5[%mul3A_2] : memref<320000xi32, #tpu.memory_space<hbm>> -> memref<10000xi32, #tpu.memory_space<hbm>>
      %dma_start3A_95 = tpu.memref_slice %arg5[%mul3A_2] : memref<320000xi32, #tpu.memory_space<hbm>> -> memref<10000xi32, #tpu.memory_space<hbm>>
      tpu.enqueue_dma source(%dma_start3A_95 : memref<10000xi32, #tpu.memory_space<hbm>>) target(%arg10 : memref<10000xi32, #tpu.memory_space<vmem>>) target_semaphore(%run_scoped3A : memref<!tpu.dma_semaphore, #tpu.memory_space<semaphore_mem>>)
      %dma_wait3A_96 = tpu.memref_slice %arg5[%mul3A_2] : memref<320000xi32, #tpu.memory_space<hbm>> -> memref<10000xi32, #tpu.memory_space<hbm>>
      %dma_wait3A_97 = tpu.memref_slice %arg5[%mul3A_2] : memref<320000xi32, #tpu.memory_space<hbm>> -> memref<10000xi32, #tpu.memory_space<hbm>>
      tpu.wait_dma2 semaphore(%run_scoped3A : memref<!tpu.dma_semaphore, #tpu.memory_space<semaphore_mem>>) src(%dma_wait3A_97 : memref<10000xi32, #tpu.memory_space<hbm>>) dst(%arg10 : memref<10000xi32, #tpu.memory_space<vmem>>)
      tpu.yield
    }) : () -> ()
    "tpu.region"() ({
      %run_scoped3A = tpu.sem_alloc : memref<!tpu.dma_semaphore, #tpu.memory_space<semaphore_mem>>
      %dma_start3A_94 = tpu.memref_slice %arg6[%mul3A_2] : memref<320000xi32, #tpu.memory_space<hbm>> -> memref<10000xi32, #tpu.memory_space<hbm>>
      %dma_start3A_95 = tpu.memref_slice %arg6[%mul3A_2] : memref<320000xi32, #tpu.memory_space<hbm>> -> memref<10000xi32, #tpu.memory_space<hbm>>
      tpu.enqueue_dma source(%dma_start3A_95 : memref<10000xi32, #tpu.memory_space<hbm>>) target(%arg11 : memref<10000xi32, #tpu.memory_space<vmem>>) target_semaphore(%run_scoped3A : memref<!tpu.dma_semaphore, #tpu.memory_space<semaphore_mem>>)
      %dma_wait3A_96 = tpu.memref_slice %arg6[%mul3A_2] : memref<320000xi32, #tpu.memory_space<hbm>> -> memref<10000xi32, #tpu.memory_space<hbm>>
      %dma_wait3A_97 = tpu.memref_slice %arg6[%mul3A_2] : memref<320000xi32, #tpu.memory_space<hbm>> -> memref<10000xi32, #tpu.memory_space<hbm>>
      tpu.wait_dma2 semaphore(%run_scoped3A : memref<!tpu.dma_semaphore, #tpu.memory_space<semaphore_mem>>) src(%dma_wait3A_97 : memref<10000xi32, #tpu.memory_space<hbm>>) dst(%arg11 : memref<10000xi32, #tpu.memory_space<vmem>>)
      tpu.yield
    }) : () -> ()
    %scan3A = arith.constant 0 : i32
    %scan3A_3 = arith.constant 0 : i32
    %scan3A_4 = arith.constant 62 : i32
    %scan3A_5 = arith.addi %scan3A_3, %scan3A_4 : i32
    %scan3A_6 = arith.constant 1 : i32
    scf.for %scan3A_94 = %scan3A_3 to %scan3A_5 step %scan3A_6  : i32 {
      %mul3A_95 = arith.constant 2 : i32
      %mul3A_96 = arith.muli %mul3A_95, %scan3A_94 : i32
      %mul3A_97 = arith.constant 2 : i32
      %mul3A_98 = arith.muli %mul3A_97, %scan3A_94 : i32
      %add3A_99 = arith.constant 1 : i32
      %add3A_100 = arith.addi %mul3A_98, %add3A_99 : i32
      %mul3A_101 = arith.constant 80 : i32
      %mul3A_102 = arith.muli %mul3A_96, %mul3A_101 : i32
      %add3A_103 = arith.constant 0 : i32
      %add3A_104 = arith.addi %mul3A_102, %add3A_103 : i32
      %get3A_105 = arith.index_cast %add3A_104 : i32 to index
      %get3A_106 = tpu.vector_load %arg10[%get3A_105] {strides = array<i32>} : memref<10000xi32, #tpu.memory_space<vmem>>, vector<16xi32>,
      %get3A_107 = vector.shape_cast %get3A_106 : vector<16xi32> to vector<16xi32>
      %swap3A_108 = arith.constant 0 : index
      %swap3A_109 = tpu.vector_load %arg12[%swap3A_108] {strides = array<i32>} : memref<80xi32, #tpu.memory_space<vmem>>, vector<16xi32>,
      %swap3A_110 = vector.shape_cast %swap3A_109 : vector<16xi32> to vector<16xi32>
      %swap3A_111 = vector.shape_cast %get3A_107 : vector<16xi32> to vector<16xi32>
      tpu.vector_store %arg12[%swap3A_108], %swap3A_111 {strides = array<i32>} : memref<80xi32, #tpu.memory_space<vmem>>, vector<16xi32>,
      %mul3A_112 = arith.constant 80 : i32
      %mul3A_113 = arith.muli %mul3A_96, %mul3A_112 : i32
      %add3A_114 = arith.constant 0 : i32
      %add3A_115 = arith.addi %mul3A_113, %add3A_114 : i32
      %get3A_116 = arith.index_cast %add3A_115 : i32 to index
      %get3A_117 = tpu.vector_load %arg11[%get3A_116] {strides = array<i32>} : memref<10000xi32, #tpu.memory_space<vmem>>, vector<16xi32>,
      %get3A_118 = vector.shape_cast %get3A_117 : vector<16xi32> to vector<16xi32>
      %swap3A_119 = arith.constant 0 : index
      %swap3A_120 = tpu.vector_load %arg13[%swap3A_119] {strides = array<i32>} : memref<80xi32, #tpu.memory_space<vmem>>, vector<16xi32>,
      %swap3A_121 = vector.shape_cast %swap3A_120 : vector<16xi32> to vector<16xi32>
      %swap3A_122 = vector.shape_cast %get3A_118 : vector<16xi32> to vector<16xi32>
      tpu.vector_store %arg13[%swap3A_119], %swap3A_122 {strides = array<i32>} : memref<80xi32, #tpu.memory_space<vmem>>, vector<16xi32>,
      %mul3A_123 = arith.constant 80 : i32
      %mul3A_124 = arith.muli %mul3A_96, %mul3A_123 : i32
      %add3A_125 = arith.constant 16 : i32
      %add3A_126 = arith.addi %mul3A_124, %add3A_125 : i32
      %get3A_127 = arith.index_cast %add3A_126 : i32 to index
      %get3A_128 = tpu.vector_load %arg10[%get3A_127] {strides = array<i32>} : memref<10000xi32, #tpu.memory_space<vmem>>, vector<16xi32>,
      %get3A_129 = vector.shape_cast %get3A_128 : vector<16xi32> to vector<16xi32>
      %swap3A_130 = arith.constant 16 : index
      %swap3A_131 = tpu.vector_load %arg12[%swap3A_130] {strides = array<i32>} : memref<80xi32, #tpu.memory_space<vmem>>, vector<16xi32>,
      %swap3A_132 = vector.shape_cast %swap3A_131 : vector<16xi32> to vector<16xi32>
      %swap3A_133 = vector.shape_cast %get3A_129 : vector<16xi32> to vector<16xi32>
      tpu.vector_store %arg12[%swap3A_130], %swap3A_133 {strides = array<i32>} : memref<80xi32, #tpu.memory_space<vmem>>, vector<16xi32>,
      %mul3A_134 = arith.constant 80 : i32
      %mul3A_135 = arith.muli %mul3A_96, %mul3A_134 : i32
      %add3A_136 = arith.constant 16 : i32
      %add3A_137 = arith.addi %mul3A_135, %add3A_136 : i32
      %get3A_138 = arith.index_cast %add3A_137 : i32 to index
      %get3A_139 = tpu.vector_load %arg11[%get3A_138] {strides = array<i32>} : memref<10000xi32, #tpu.memory_space<vmem>>, vector<16xi32>,
      %get3A_140 = vector.shape_cast %get3A_139 : vector<16xi32> to vector<16xi32>
      %swap3A_141 = arith.constant 16 : index
      %swap3A_142 = tpu.vector_load %arg13[%swap3A_141] {strides = array<i32>} : memref<80xi32, #tpu.memory_space<vmem>>, vector<16xi32>,
      %swap3A_143 = vector.shape_cast %swap3A_142 : vector<16xi32> to vector<16xi32>
      %swap3A_144 = vector.shape_cast %get3A_140 : vector<16xi32> to vector<16xi32>
      tpu.vector_store %arg13[%swap3A_141], %swap3A_144 {strides = array<i32>} : memref<80xi32, #tpu.memory_space<vmem>>, vector<16xi32>,
      %mul3A_145 = arith.constant 80 : i32
      %mul3A_146 = arith.muli %mul3A_96, %mul3A_145 : i32
      %add3A_147 = arith.constant 32 : i32
      %add3A_148 = arith.addi %mul3A_146, %add3A_147 : i32
      %get3A_149 = arith.index_cast %add3A_148 : i32 to index
      %get3A_150 = tpu.vector_load %arg10[%get3A_149] {strides = array<i32>} : memref<10000xi32, #tpu.memory_space<vmem>>, vector<16xi32>,
      %get3A_151 = vector.shape_cast %get3A_150 : vector<16xi32> to vector<16xi32>
      %swap3A_152 = arith.constant 32 : index
      %swap3A_153 = tpu.vector_load %arg12[%swap3A_152] {strides = array<i32>} : memref<80xi32, #tpu.memory_space<vmem>>, vector<16xi32>,
      %swap3A_154 = vector.shape_cast %swap3A_153 : vector<16xi32> to vector<16xi32>
      %swap3A_155 = vector.shape_cast %get3A_151 : vector<16xi32> to vector<16xi32>
      tpu.vector_store %arg12[%swap3A_152], %swap3A_155 {strides = array<i32>} : memref<80xi32, #tpu.memory_space<vmem>>, vector<16xi32>,
      %mul3A_156 = arith.constant 80 : i32
      %mul3A_157 = arith.muli %mul3A_96, %mul3A_156 : i32
      %add3A_158 = arith.constant 32 : i32
      %add3A_159 = arith.addi %mul3A_157, %add3A_158 : i32
      %get3A_160 = arith.index_cast %add3A_159 : i32 to index
      %get3A_161 = tpu.vector_load %arg11[%get3A_160] {strides = array<i32>} : memref<10000xi32, #tpu.memory_space<vmem>>, vector<16xi32>,
      %get3A_162 = vector.shape_cast %get3A_161 : vector<16xi32> to vector<16xi32>
      %swap3A_163 = arith.constant 32 : index
      %swap3A_164 = tpu.vector_load %arg13[%swap3A_163] {strides = array<i32>} : memref<80xi32, #tpu.memory_space<vmem>>, vector<16xi32>,
      %swap3A_165 = vector.shape_cast %swap3A_164 : vector<16xi32> to vector<16xi32>
      %swap3A_166 = vector.shape_cast %get3A_162 : vector<16xi32> to vector<16xi32>
      tpu.vector_store %arg13[%swap3A_163], %swap3A_166 {strides = array<i32>} : memref<80xi32, #tpu.memory_space<vmem>>, vector<16xi32>,
      %mul3A_167 = arith.constant 80 : i32
      %mul3A_168 = arith.muli %mul3A_96, %mul3A_167 : i32
      %add3A_169 = arith.constant 48 : i32
      %add3A_170 = arith.addi %mul3A_168, %add3A_169 : i32
      %get3A_171 = arith.index_cast %add3A_170 : i32 to index
      %get3A_172 = tpu.vector_load %arg10[%get3A_171] {strides = array<i32>} : memref<10000xi32, #tpu.memory_space<vmem>>, vector<16xi32>,
      %get3A_173 = vector.shape_cast %get3A_172 : vector<16xi32> to vector<16xi32>
      %swap3A_174 = arith.constant 48 : index
      %swap3A_175 = tpu.vector_load %arg12[%swap3A_174] {strides = array<i32>} : memref<80xi32, #tpu.memory_space<vmem>>, vector<16xi32>,
      %swap3A_176 = vector.shape_cast %swap3A_175 : vector<16xi32> to vector<16xi32>
      %swap3A_177 = vector.shape_cast %get3A_173 : vector<16xi32> to vector<16xi32>
      tpu.vector_store %arg12[%swap3A_174], %swap3A_177 {strides = array<i32>} : memref<80xi32, #tpu.memory_space<vmem>>, vector<16xi32>,
      %mul3A_178 = arith.constant 80 : i32
      %mul3A_179 = arith.muli %mul3A_96, %mul3A_178 : i32
      %add3A_180 = arith.constant 48 : i32
      %add3A_181 = arith.addi %mul3A_179, %add3A_180 : i32
      %get3A_182 = arith.index_cast %add3A_181 : i32 to index
      %get3A_183 = tpu.vector_load %arg11[%get3A_182] {strides = array<i32>} : memref<10000xi32, #tpu.memory_space<vmem>>, vector<16xi32>,
      %get3A_184 = vector.shape_cast %get3A_183 : vector<16xi32> to vector<16xi32>
      %swap3A_185 = arith.constant 48 : index
      %swap3A_186 = tpu.vector_load %arg13[%swap3A_185] {strides = array<i32>} : memref<80xi32, #tpu.memory_space<vmem>>, vector<16xi32>,
      %swap3A_187 = vector.shape_cast %swap3A_186 : vector<16xi32> to vector<16xi32>
      %swap3A_188 = vector.shape_cast %get3A_184 : vector<16xi32> to vector<16xi32>
      tpu.vector_store %arg13[%swap3A_185], %swap3A_188 {strides = array<i32>} : memref<80xi32, #tpu.memory_space<vmem>>, vector<16xi32>,
      %mul3A_189 = arith.constant 80 : i32
      %mul3A_190 = arith.muli %mul3A_96, %mul3A_189 : i32
      %add3A_191 = arith.constant 64 : i32
      %add3A_192 = arith.addi %mul3A_190, %add3A_191 : i32
      %get3A_193 = arith.index_cast %add3A_192 : i32 to index
      %get3A_194 = tpu.vector_load %arg10[%get3A_193] {strides = array<i32>} : memref<10000xi32, #tpu.memory_space<vmem>>, vector<16xi32>,
      %get3A_195 = vector.shape_cast %get3A_194 : vector<16xi32> to vector<16xi32>
      %swap3A_196 = arith.constant 64 : index
      %swap3A_197 = tpu.vector_load %arg12[%swap3A_196] {strides = array<i32>} : memref<80xi32, #tpu.memory_space<vmem>>, vector<16xi32>,
      %swap3A_198 = vector.shape_cast %swap3A_197 : vector<16xi32> to vector<16xi32>
      %swap3A_199 = vector.shape_cast %get3A_195 : vector<16xi32> to vector<16xi32>
      tpu.vector_store %arg12[%swap3A_196], %swap3A_199 {strides = array<i32>} : memref<80xi32, #tpu.memory_space<vmem>>, vector<16xi32>,
      %mul3A_200 = arith.constant 80 : i32
      %mul3A_201 = arith.muli %mul3A_96, %mul3A_200 : i32
      %add3A_202 = arith.constant 64 : i32
      %add3A_203 = arith.addi %mul3A_201, %add3A_202 : i32
      %get3A_204 = arith.index_cast %add3A_203 : i32 to index
      %get3A_205 = tpu.vector_load %arg11[%get3A_204] {strides = array<i32>} : memref<10000xi32, #tpu.memory_space<vmem>>, vector<16xi32>,
      %get3A_206 = vector.shape_cast %get3A_205 : vector<16xi32> to vector<16xi32>
      %swap3A_207 = arith.constant 64 : index
      %swap3A_208 = tpu.vector_load %arg13[%swap3A_207] {strides = array<i32>} : memref<80xi32, #tpu.memory_space<vmem>>, vector<16xi32>,
      %swap3A_209 = vector.shape_cast %swap3A_208 : vector<16xi32> to vector<16xi32>
      %swap3A_210 = vector.shape_cast %get3A_206 : vector<16xi32> to vector<16xi32>
      tpu.vector_store %arg13[%swap3A_207], %swap3A_210 {strides = array<i32>} : memref<80xi32, #tpu.memory_space<vmem>>, vector<16xi32>,
      %dma_start3A_211 = arith.constant 0 : i32
      %dma_start3A_212 = arith.constant 0 : i32
      %dma_start3A_213 = tpu.memref_slice %arg2[%dma_start3A_211, %dma_start3A_212] : memref<10000x128xf32, #tpu.memory_space<hbm>> -> memref<10000x128xf32, #tpu.memory_space<hbm>>
      tpu.enqueue_indirect_dma source(%dma_start3A_213 : memref<10000x128xf32, #tpu.memory_space<hbm>>) target(%arg16 : memref<80x128xf32, #tpu.memory_space<vmem>>) offsets(%arg13 : memref<80xi32, #tpu.memory_space<vmem>>) semaphore(%arg22 : memref<!tpu.dma_semaphore, #tpu.memory_space<semaphore_mem>>)
      %dma_start3A_214 = arith.constant 0 : i32
      %dma_start3A_215 = arith.constant 0 : i32
      %dma_start3A_216 = tpu.memref_slice %arg3[%dma_start3A_214, %dma_start3A_215] : memref<10000x128xf32, #tpu.memory_space<hbm>> -> memref<10000x128xf32, #tpu.memory_space<hbm>>
      tpu.enqueue_indirect_dma source(%dma_start3A_216 : memref<10000x128xf32, #tpu.memory_space<hbm>>) target(%arg17 : memref<80x128xf32, #tpu.memory_space<vmem>>) offsets(%arg12 : memref<80xi32, #tpu.memory_space<vmem>>) semaphore(%arg23 : memref<!tpu.dma_semaphore, #tpu.memory_space<semaphore_mem>>)
      %dma_start3A_217 = arith.constant 0 : i32
      %dma_start3A_218 = arith.constant 0 : i32
      %dma_start3A_219 = tpu.memref_slice %arg4[%dma_start3A_217, %dma_start3A_218] : memref<10000x128xf32, #tpu.memory_space<hbm>> -> memref<10000x128xf32, #tpu.memory_space<hbm>>
      tpu.enqueue_indirect_dma source(%dma_start3A_219 : memref<10000x128xf32, #tpu.memory_space<hbm>>) target(%arg18 : memref<80x128xf32, #tpu.memory_space<vmem>>) offsets(%arg12 : memref<80xi32, #tpu.memory_space<vmem>>) semaphore(%arg24 : memref<!tpu.dma_semaphore, #tpu.memory_space<semaphore_mem>>)
      %mul3A_220 = arith.constant 80 : i32
      %mul3A_221 = arith.muli %add3A_100, %mul3A_220 : i32
      %add3A_222 = arith.constant 0 : i32
      %add3A_223 = arith.addi %mul3A_221, %add3A_222 : i32
      %get3A_224 = arith.index_cast %add3A_223 : i32 to index
      %get3A_225 = tpu.vector_load %arg10[%get3A_224] {strides = array<i32>} : memref<10000xi32, #tpu.memory_space<vmem>>, vector<16xi32>,
      %get3A_226 = vector.shape_cast %get3A_225 : vector<16xi32> to vector<16xi32>
      %swap3A_227 = arith.constant 0 : index
      %swap3A_228 = tpu.vector_load %arg14[%swap3A_227] {strides = array<i32>} : memref<80xi32, #tpu.memory_space<vmem>>, vector<16xi32>,
      %swap3A_229 = vector.shape_cast %swap3A_228 : vector<16xi32> to vector<16xi32>
      %swap3A_230 = vector.shape_cast %get3A_226 : vector<16xi32> to vector<16xi32>
      tpu.vector_store %arg14[%swap3A_227], %swap3A_230 {strides = array<i32>} : memref<80xi32, #tpu.memory_space<vmem>>, vector<16xi32>,
      %mul3A_231 = arith.constant 80 : i32
      %mul3A_232 = arith.muli %add3A_100, %mul3A_231 : i32
      %add3A_233 = arith.constant 0 : i32
      %add3A_234 = arith.addi %mul3A_232, %add3A_233 : i32
      %get3A_235 = arith.index_cast %add3A_234 : i32 to index
      %get3A_236 = tpu.vector_load %arg11[%get3A_235] {strides = array<i32>} : memref<10000xi32, #tpu.memory_space<vmem>>, vector<16xi32>,
      %get3A_237 = vector.shape_cast %get3A_236 : vector<16xi32> to vector<16xi32>
      %swap3A_238 = arith.constant 0 : index
      %swap3A_239 = tpu.vector_load %arg15[%swap3A_238] {strides = array<i32>} : memref<80xi32, #tpu.memory_space<vmem>>, vector<16xi32>,
      %swap3A_240 = vector.shape_cast %swap3A_239 : vector<16xi32> to vector<16xi32>
      %swap3A_241 = vector.shape_cast %get3A_237 : vector<16xi32> to vector<16xi32>
      tpu.vector_store %arg15[%swap3A_238], %swap3A_241 {strides = array<i32>} : memref<80xi32, #tpu.memory_space<vmem>>, vector<16xi32>,
      %mul3A_242 = arith.constant 80 : i32
      %mul3A_243 = arith.muli %add3A_100, %mul3A_242 : i32
      %add3A_244 = arith.constant 16 : i32
      %add3A_245 = arith.addi %mul3A_243, %add3A_244 : i32
      %get3A_246 = arith.index_cast %add3A_245 : i32 to index
      %get3A_247 = tpu.vector_load %arg10[%get3A_246] {strides = array<i32>} : memref<10000xi32, #tpu.memory_space<vmem>>, vector<16xi32>,
      %get3A_248 = vector.shape_cast %get3A_247 : vector<16xi32> to vector<16xi32>
      %swap3A_249 = arith.constant 16 : index
      %swap3A_250 = tpu.vector_load %arg14[%swap3A_249] {strides = array<i32>} : memref<80xi32, #tpu.memory_space<vmem>>, vector<16xi32>,
      %swap3A_251 = vector.shape_cast %swap3A_250 : vector<16xi32> to vector<16xi32>
      %swap3A_252 = vector.shape_cast %get3A_248 : vector<16xi32> to vector<16xi32>
      tpu.vector_store %arg14[%swap3A_249], %swap3A_252 {strides = array<i32>} : memref<80xi32, #tpu.memory_space<vmem>>, vector<16xi32>,
      %mul3A_253 = arith.constant 80 : i32
      %mul3A_254 = arith.muli %add3A_100, %mul3A_253 : i32
      %add3A_255 = arith.constant 16 : i32
      %add3A_256 = arith.addi %mul3A_254, %add3A_255 : i32
      %get3A_257 = arith.index_cast %add3A_256 : i32 to index
      %get3A_258 = tpu.vector_load %arg11[%get3A_257] {strides = array<i32>} : memref<10000xi32, #tpu.memory_space<vmem>>, vector<16xi32>,
      %get3A_259 = vector.shape_cast %get3A_258 : vector<16xi32> to vector<16xi32>
      %swap3A_260 = arith.constant 16 : index
      %swap3A_261 = tpu.vector_load %arg15[%swap3A_260] {strides = array<i32>} : memref<80xi32, #tpu.memory_space<vmem>>, vector<16xi32>,
      %swap3A_262 = vector.shape_cast %swap3A_261 : vector<16xi32> to vector<16xi32>
      %swap3A_263 = vector.shape_cast %get3A_259 : vector<16xi32> to vector<16xi32>
      tpu.vector_store %arg15[%swap3A_260], %swap3A_263 {strides = array<i32>} : memref<80xi32, #tpu.memory_space<vmem>>, vector<16xi32>,
      %mul3A_264 = arith.constant 80 : i32
      %mul3A_265 = arith.muli %add3A_100, %mul3A_264 : i32
      %add3A_266 = arith.constant 32 : i32
      %add3A_267 = arith.addi %mul3A_265, %add3A_266 : i32
      %get3A_268 = arith.index_cast %add3A_267 : i32 to index
      %get3A_269 = tpu.vector_load %arg10[%get3A_268] {strides = array<i32>} : memref<10000xi32, #tpu.memory_space<vmem>>, vector<16xi32>,
      %get3A_270 = vector.shape_cast %get3A_269 : vector<16xi32> to vector<16xi32>
      %swap3A_271 = arith.constant 32 : index
      %swap3A_272 = tpu.vector_load %arg14[%swap3A_271] {strides = array<i32>} : memref<80xi32, #tpu.memory_space<vmem>>, vector<16xi32>,
      %swap3A_273 = vector.shape_cast %swap3A_272 : vector<16xi32> to vector<16xi32>
      %swap3A_274 = vector.shape_cast %get3A_270 : vector<16xi32> to vector<16xi32>
      tpu.vector_store %arg14[%swap3A_271], %swap3A_274 {strides = array<i32>} : memref<80xi32, #tpu.memory_space<vmem>>, vector<16xi32>,
      %mul3A_275 = arith.constant 80 : i32
      %mul3A_276 = arith.muli %add3A_100, %mul3A_275 : i32
      %add3A_277 = arith.constant 32 : i32
      %add3A_278 = arith.addi %mul3A_276, %add3A_277 : i32
      %get3A_279 = arith.index_cast %add3A_278 : i32 to index
      %get3A_280 = tpu.vector_load %arg11[%get3A_279] {strides = array<i32>} : memref<10000xi32, #tpu.memory_space<vmem>>, vector<16xi32>,
      %get3A_281 = vector.shape_cast %get3A_280 : vector<16xi32> to vector<16xi32>
      %swap3A_282 = arith.constant 32 : index
      %swap3A_283 = tpu.vector_load %arg15[%swap3A_282] {strides = array<i32>} : memref<80xi32, #tpu.memory_space<vmem>>, vector<16xi32>,
      %swap3A_284 = vector.shape_cast %swap3A_283 : vector<16xi32> to vector<16xi32>
      %swap3A_285 = vector.shape_cast %get3A_281 : vector<16xi32> to vector<16xi32>
      tpu.vector_store %arg15[%swap3A_282], %swap3A_285 {strides = array<i32>} : memref<80xi32, #tpu.memory_space<vmem>>, vector<16xi32>,
      %mul3A_286 = arith.constant 80 : i32
      %mul3A_287 = arith.muli %add3A_100, %mul3A_286 : i32
      %add3A_288 = arith.constant 48 : i32
      %add3A_289 = arith.addi %mul3A_287, %add3A_288 : i32
      %get3A_290 = arith.index_cast %add3A_289 : i32 to index
      %get3A_291 = tpu.vector_load %arg10[%get3A_290] {strides = array<i32>} : memref<10000xi32, #tpu.memory_space<vmem>>, vector<16xi32>,
      %get3A_292 = vector.shape_cast %get3A_291 : vector<16xi32> to vector<16xi32>
      %swap3A_293 = arith.constant 48 : index
      %swap3A_294 = tpu.vector_load %arg14[%swap3A_293] {strides = array<i32>} : memref<80xi32, #tpu.memory_space<vmem>>, vector<16xi32>,
      %swap3A_295 = vector.shape_cast %swap3A_294 : vector<16xi32> to vector<16xi32>
      %swap3A_296 = vector.shape_cast %get3A_292 : vector<16xi32> to vector<16xi32>
      tpu.vector_store %arg14[%swap3A_293], %swap3A_296 {strides = array<i32>} : memref<80xi32, #tpu.memory_space<vmem>>, vector<16xi32>,
      %mul3A_297 = arith.constant 80 : i32
      %mul3A_298 = arith.muli %add3A_100, %mul3A_297 : i32
      %add3A_299 = arith.constant 48 : i32
      %add3A_300 = arith.addi %mul3A_298, %add3A_299 : i32
      %get3A_301 = arith.index_cast %add3A_300 : i32 to index
      %get3A_302 = tpu.vector_load %arg11[%get3A_301] {strides = array<i32>} : memref<10000xi32, #tpu.memory_space<vmem>>, vector<16xi32>,
      %get3A_303 = vector.shape_cast %get3A_302 : vector<16xi32> to vector<16xi32>
      %swap3A_304 = arith.constant 48 : index
      %swap3A_305 = tpu.vector_load %arg15[%swap3A_304] {strides = array<i32>} : memref<80xi32, #tpu.memory_space<vmem>>, vector<16xi32>,
      %swap3A_306 = vector.shape_cast %swap3A_305 : vector<16xi32> to vector<16xi32>
      %swap3A_307 = vector.shape_cast %get3A_303 : vector<16xi32> to vector<16xi32>
      tpu.vector_store %arg15[%swap3A_304], %swap3A_307 {strides = array<i32>} : memref<80xi32, #tpu.memory_space<vmem>>, vector<16xi32>,
      %mul3A_308 = arith.constant 80 : i32
      %mul3A_309 = arith.muli %add3A_100, %mul3A_308 : i32
      %add3A_310 = arith.constant 64 : i32
      %add3A_311 = arith.addi %mul3A_309, %add3A_310 : i32
      %get3A_312 = arith.index_cast %add3A_311 : i32 to index
      %get3A_313 = tpu.vector_load %arg10[%get3A_312] {strides = array<i32>} : memref<10000xi32, #tpu.memory_space<vmem>>, vector<16xi32>,
      %get3A_314 = vector.shape_cast %get3A_313 : vector<16xi32> to vector<16xi32>
      %swap3A_315 = arith.constant 64 : index
      %swap3A_316 = tpu.vector_load %arg14[%swap3A_315] {strides = array<i32>} : memref<80xi32, #tpu.memory_space<vmem>>, vector<16xi32>,
      %swap3A_317 = vector.shape_cast %swap3A_316 : vector<16xi32> to vector<16xi32>
      %swap3A_318 = vector.shape_cast %get3A_314 : vector<16xi32> to vector<16xi32>
      tpu.vector_store %arg14[%swap3A_315], %swap3A_318 {strides = array<i32>} : memref<80xi32, #tpu.memory_space<vmem>>, vector<16xi32>,
      %mul3A_319 = arith.constant 80 : i32
      %mul3A_320 = arith.muli %add3A_100, %mul3A_319 : i32
      %add3A_321 = arith.constant 64 : i32
      %add3A_322 = arith.addi %mul3A_320, %add3A_321 : i32
      %get3A_323 = arith.index_cast %add3A_322 : i32 to index
      %get3A_324 = tpu.vector_load %arg11[%get3A_323] {strides = array<i32>} : memref<10000xi32, #tpu.memory_space<vmem>>, vector<16xi32>,
      %get3A_325 = vector.shape_cast %get3A_324 : vector<16xi32> to vector<16xi32>
      %swap3A_326 = arith.constant 64 : index
      %swap3A_327 = tpu.vector_load %arg15[%swap3A_326] {strides = array<i32>} : memref<80xi32, #tpu.memory_space<vmem>>, vector<16xi32>,
      %swap3A_328 = vector.shape_cast %swap3A_327 : vector<16xi32> to vector<16xi32>
      %swap3A_329 = vector.shape_cast %get3A_325 : vector<16xi32> to vector<16xi32>
      tpu.vector_store %arg15[%swap3A_326], %swap3A_329 {strides = array<i32>} : memref<80xi32, #tpu.memory_space<vmem>>, vector<16xi32>,
      %dma_start3A_330 = arith.constant 0 : i32
      %dma_start3A_331 = arith.constant 0 : i32
      %dma_start3A_332 = tpu.memref_slice %arg2[%dma_start3A_330, %dma_start3A_331] : memref<10000x128xf32, #tpu.memory_space<hbm>> -> memref<10000x128xf32, #tpu.memory_space<hbm>>
      tpu.enqueue_indirect_dma source(%dma_start3A_332 : memref<10000x128xf32, #tpu.memory_space<hbm>>) target(%arg19 : memref<80x128xf32, #tpu.memory_space<vmem>>) offsets(%arg15 : memref<80xi32, #tpu.memory_space<vmem>>) semaphore(%arg25 : memref<!tpu.dma_semaphore, #tpu.memory_space<semaphore_mem>>)
      %dma_start3A_333 = arith.constant 0 : i32
      %dma_start3A_334 = arith.constant 0 : i32
      %dma_start3A_335 = tpu.memref_slice %arg3[%dma_start3A_333, %dma_start3A_334] : memref<10000x128xf32, #tpu.memory_space<hbm>> -> memref<10000x128xf32, #tpu.memory_space<hbm>>
      tpu.enqueue_indirect_dma source(%dma_start3A_335 : memref<10000x128xf32, #tpu.memory_space<hbm>>) target(%arg20 : memref<80x128xf32, #tpu.memory_space<vmem>>) offsets(%arg14 : memref<80xi32, #tpu.memory_space<vmem>>) semaphore(%arg26 : memref<!tpu.dma_semaphore, #tpu.memory_space<semaphore_mem>>)
      %dma_start3A_336 = arith.constant 0 : i32
      %dma_start3A_337 = arith.constant 0 : i32
      %dma_start3A_338 = tpu.memref_slice %arg4[%dma_start3A_336, %dma_start3A_337] : memref<10000x128xf32, #tpu.memory_space<hbm>> -> memref<10000x128xf32, #tpu.memory_space<hbm>>
      tpu.enqueue_indirect_dma source(%dma_start3A_338 : memref<10000x128xf32, #tpu.memory_space<hbm>>) target(%arg21 : memref<80x128xf32, #tpu.memory_space<vmem>>) offsets(%arg14 : memref<80xi32, #tpu.memory_space<vmem>>) semaphore(%arg27 : memref<!tpu.dma_semaphore, #tpu.memory_space<semaphore_mem>>)
      %mul3A_339 = arith.constant 80 : i32
      %mul3A_340 = arith.muli %mul3A_96, %mul3A_339 : i32
      %add3A_341 = arith.addi %mul3A_2, %mul3A_340 : i32
      %mul3A_342 = arith.constant 80 : i32
      %mul3A_343 = arith.muli %add3A_100, %mul3A_342 : i32
      %add3A_344 = arith.addi %mul3A_2, %mul3A_343 : i32
      %dma_wait3A_345 = arith.constant 0 : i32
      %dma_wait3A_346 = arith.constant 0 : i32
      %dma_wait3A_347 = tpu.memref_slice %arg2[%dma_wait3A_345, %dma_wait3A_346] : memref<10000x128xf32, #tpu.memory_space<hbm>> -> memref<10000x128xf32, #tpu.memory_space<hbm>>
      tpu.wait_indirect_dma semaphore(%arg22 : memref<!tpu.dma_semaphore, #tpu.memory_space<semaphore_mem>>) src(%dma_wait3A_347 : memref<10000x128xf32, #tpu.memory_space<hbm>>) dst(%arg16 : memref<80x128xf32, #tpu.memory_space<vmem>>)
      %dma_start3A_348 = arith.constant 0 : i32
      %dma_start3A_349 = tpu.memref_slice %arg7[%add3A_341, %dma_start3A_348] : memref<320000x128xf32, #tpu.memory_space<hbm>> -> memref<80x128xf32, #tpu.memory_space<hbm>>
      %dma_start3A_350 = arith.constant 0 : i32
      %dma_start3A_351 = tpu.memref_slice %arg7[%add3A_341, %dma_start3A_350] : memref<320000x128xf32, #tpu.memory_space<hbm>> -> memref<80x128xf32, #tpu.memory_space<hbm>>
      tpu.enqueue_dma source(%arg16 : memref<80x128xf32, #tpu.memory_space<vmem>>) target(%dma_start3A_351 : memref<80x128xf32, #tpu.memory_space<hbm>>) target_semaphore(%arg22 : memref<!tpu.dma_semaphore, #tpu.memory_space<semaphore_mem>>)
      %dma_wait3A_352 = arith.constant 0 : i32
      %dma_wait3A_353 = arith.constant 0 : i32
      %dma_wait3A_354 = tpu.memref_slice %arg3[%dma_wait3A_352, %dma_wait3A_353] : memref<10000x128xf32, #tpu.memory_space<hbm>> -> memref<10000x128xf32, #tpu.memory_space<hbm>>
      tpu.wait_indirect_dma semaphore(%arg23 : memref<!tpu.dma_semaphore, #tpu.memory_space<semaphore_mem>>) src(%dma_wait3A_354 : memref<10000x128xf32, #tpu.memory_space<hbm>>) dst(%arg17 : memref<80x128xf32, #tpu.memory_space<vmem>>)
      %dma_start3A_355 = arith.constant 0 : i32
      %dma_start3A_356 = tpu.memref_slice %arg8[%add3A_341, %dma_start3A_355] : memref<320000x128xf32, #tpu.memory_space<hbm>> -> memref<80x128xf32, #tpu.memory_space<hbm>>
      %dma_start3A_357 = arith.constant 0 : i32
      %dma_start3A_358 = tpu.memref_slice %arg8[%add3A_341, %dma_start3A_357] : memref<320000x128xf32, #tpu.memory_space<hbm>> -> memref<80x128xf32, #tpu.memory_space<hbm>>
      tpu.enqueue_dma source(%arg17 : memref<80x128xf32, #tpu.memory_space<vmem>>) target(%dma_start3A_358 : memref<80x128xf32, #tpu.memory_space<hbm>>) target_semaphore(%arg23 : memref<!tpu.dma_semaphore, #tpu.memory_space<semaphore_mem>>)
      %dma_wait3A_359 = arith.constant 0 : i32
      %dma_wait3A_360 = arith.constant 0 : i32
      %dma_wait3A_361 = tpu.memref_slice %arg4[%dma_wait3A_359, %dma_wait3A_360] : memref<10000x128xf32, #tpu.memory_space<hbm>> -> memref<10000x128xf32, #tpu.memory_space<hbm>>
      tpu.wait_indirect_dma semaphore(%arg24 : memref<!tpu.dma_semaphore, #tpu.memory_space<semaphore_mem>>) src(%dma_wait3A_361 : memref<10000x128xf32, #tpu.memory_space<hbm>>) dst(%arg18 : memref<80x128xf32, #tpu.memory_space<vmem>>)
      %dma_start3A_362 = arith.constant 0 : i32
      %dma_start3A_363 = tpu.memref_slice %arg9[%add3A_341, %dma_start3A_362] : memref<320000x128xf32, #tpu.memory_space<hbm>> -> memref<80x128xf32, #tpu.memory_space<hbm>>
      %dma_start3A_364 = arith.constant 0 : i32
      %dma_start3A_365 = tpu.memref_slice %arg9[%add3A_341, %dma_start3A_364] : memref<320000x128xf32, #tpu.memory_space<hbm>> -> memref<80x128xf32, #tpu.memory_space<hbm>>
      tpu.enqueue_dma source(%arg18 : memref<80x128xf32, #tpu.memory_space<vmem>>) target(%dma_start3A_365 : memref<80x128xf32, #tpu.memory_space<hbm>>) target_semaphore(%arg24 : memref<!tpu.dma_semaphore, #tpu.memory_space<semaphore_mem>>)
      %dma_wait3A_366 = arith.constant 0 : i32
      %dma_wait3A_367 = arith.constant 0 : i32
      %dma_wait3A_368 = tpu.memref_slice %arg2[%dma_wait3A_366, %dma_wait3A_367] : memref<10000x128xf32, #tpu.memory_space<hbm>> -> memref<10000x128xf32, #tpu.memory_space<hbm>>
      tpu.wait_indirect_dma semaphore(%arg25 : memref<!tpu.dma_semaphore, #tpu.memory_space<semaphore_mem>>) src(%dma_wait3A_368 : memref<10000x128xf32, #tpu.memory_space<hbm>>) dst(%arg19 : memref<80x128xf32, #tpu.memory_space<vmem>>)
      %dma_start3A_369 = arith.constant 0 : i32
      %dma_start3A_370 = tpu.memref_slice %arg7[%add3A_344, %dma_start3A_369] : memref<320000x128xf32, #tpu.memory_space<hbm>> -> memref<80x128xf32, #tpu.memory_space<hbm>>
      %dma_start3A_371 = arith.constant 0 : i32
      %dma_start3A_372 = tpu.memref_slice %arg7[%add3A_344, %dma_start3A_371] : memref<320000x128xf32, #tpu.memory_space<hbm>> -> memref<80x128xf32, #tpu.memory_space<hbm>>
      tpu.enqueue_dma source(%arg19 : memref<80x128xf32, #tpu.memory_space<vmem>>) target(%dma_start3A_372 : memref<80x128xf32, #tpu.memory_space<hbm>>) target_semaphore(%arg25 : memref<!tpu.dma_semaphore, #tpu.memory_space<semaphore_mem>>)
      %dma_wait3A_373 = arith.constant 0 : i32
      %dma_wait3A_374 = arith.constant 0 : i32
      %dma_wait3A_375 = tpu.memref_slice %arg3[%dma_wait3A_373, %dma_wait3A_374] : memref<10000x128xf32, #tpu.memory_space<hbm>> -> memref<10000x128xf32, #tpu.memory_space<hbm>>
      tpu.wait_indirect_dma semaphore(%arg26 : memref<!tpu.dma_semaphore, #tpu.memory_space<semaphore_mem>>) src(%dma_wait3A_375 : memref<10000x128xf32, #tpu.memory_space<hbm>>) dst(%arg20 : memref<80x128xf32, #tpu.memory_space<vmem>>)
      %dma_start3A_376 = arith.constant 0 : i32
      %dma_start3A_377 = tpu.memref_slice %arg8[%add3A_344, %dma_start3A_376] : memref<320000x128xf32, #tpu.memory_space<hbm>> -> memref<80x128xf32, #tpu.memory_space<hbm>>
      %dma_start3A_378 = arith.constant 0 : i32
      %dma_start3A_379 = tpu.memref_slice %arg8[%add3A_344, %dma_start3A_378] : memref<320000x128xf32, #tpu.memory_space<hbm>> -> memref<80x128xf32, #tpu.memory_space<hbm>>
      tpu.enqueue_dma source(%arg20 : memref<80x128xf32, #tpu.memory_space<vmem>>) target(%dma_start3A_379 : memref<80x128xf32, #tpu.memory_space<hbm>>) target_semaphore(%arg26 : memref<!tpu.dma_semaphore, #tpu.memory_space<semaphore_mem>>)
      %dma_wait3A_380 = arith.constant 0 : i32
      %dma_wait3A_381 = arith.constant 0 : i32
      %dma_wait3A_382 = tpu.memref_slice %arg4[%dma_wait3A_380, %dma_wait3A_381] : memref<10000x128xf32, #tpu.memory_space<hbm>> -> memref<10000x128xf32, #tpu.memory_space<hbm>>
      tpu.wait_indirect_dma semaphore(%arg27 : memref<!tpu.dma_semaphore, #tpu.memory_space<semaphore_mem>>) src(%dma_wait3A_382 : memref<10000x128xf32, #tpu.memory_space<hbm>>) dst(%arg21 : memref<80x128xf32, #tpu.memory_space<vmem>>)
      %dma_start3A_383 = arith.constant 0 : i32
      %dma_start3A_384 = tpu.memref_slice %arg9[%add3A_344, %dma_start3A_383] : memref<320000x128xf32, #tpu.memory_space<hbm>> -> memref<80x128xf32, #tpu.memory_space<hbm>>
      %dma_start3A_385 = arith.constant 0 : i32
      %dma_start3A_386 = tpu.memref_slice %arg9[%add3A_344, %dma_start3A_385] : memref<320000x128xf32, #tpu.memory_space<hbm>> -> memref<80x128xf32, #tpu.memory_space<hbm>>
      tpu.enqueue_dma source(%arg21 : memref<80x128xf32, #tpu.memory_space<vmem>>) target(%dma_start3A_386 : memref<80x128xf32, #tpu.memory_space<hbm>>) target_semaphore(%arg27 : memref<!tpu.dma_semaphore, #tpu.memory_space<semaphore_mem>>)
      %dma_wait3A_387 = arith.constant 0 : i32
      %dma_wait3A_388 = tpu.memref_slice %arg7[%add3A_341, %dma_wait3A_387] : memref<320000x128xf32, #tpu.memory_space<hbm>> -> memref<80x128xf32, #tpu.memory_space<hbm>>
      %dma_wait3A_389 = arith.constant 0 : i32
      %dma_wait3A_390 = tpu.memref_slice %arg7[%add3A_341, %dma_wait3A_389] : memref<320000x128xf32, #tpu.memory_space<hbm>> -> memref<80x128xf32, #tpu.memory_space<hbm>>
      tpu.wait_dma2 semaphore(%arg22 : memref<!tpu.dma_semaphore, #tpu.memory_space<semaphore_mem>>) src(%arg16 : memref<80x128xf32, #tpu.memory_space<vmem>>) dst(%dma_wait3A_390 : memref<80x128xf32, #tpu.memory_space<hbm>>)
      %dma_wait3A_391 = arith.constant 0 : i32
      %dma_wait3A_392 = tpu.memref_slice %arg8[%add3A_341, %dma_wait3A_391] : memref<320000x128xf32, #tpu.memory_space<hbm>> -> memref<80x128xf32, #tpu.memory_space<hbm>>
      %dma_wait3A_393 = arith.constant 0 : i32
      %dma_wait3A_394 = tpu.memref_slice %arg8[%add3A_341, %dma_wait3A_393] : memref<320000x128xf32, #tpu.memory_space<hbm>> -> memref<80x128xf32, #tpu.memory_space<hbm>>
      tpu.wait_dma2 semaphore(%arg23 : memref<!tpu.dma_semaphore, #tpu.memory_space<semaphore_mem>>) src(%arg17 : memref<80x128xf32, #tpu.memory_space<vmem>>) dst(%dma_wait3A_394 : memref<80x128xf32, #tpu.memory_space<hbm>>)
      %dma_wait3A_395 = arith.constant 0 : i32
      %dma_wait3A_396 = tpu.memref_slice %arg9[%add3A_341, %dma_wait3A_395] : memref<320000x128xf32, #tpu.memory_space<hbm>> -> memref<80x128xf32, #tpu.memory_space<hbm>>
      %dma_wait3A_397 = arith.constant 0 : i32
      %dma_wait3A_398 = tpu.memref_slice %arg9[%add3A_341, %dma_wait3A_397] : memref<320000x128xf32, #tpu.memory_space<hbm>> -> memref<80x128xf32, #tpu.memory_space<hbm>>
      tpu.wait_dma2 semaphore(%arg24 : memref<!tpu.dma_semaphore, #tpu.memory_space<semaphore_mem>>) src(%arg18 : memref<80x128xf32, #tpu.memory_space<vmem>>) dst(%dma_wait3A_398 : memref<80x128xf32, #tpu.memory_space<hbm>>)
      %dma_wait3A_399 = arith.constant 0 : i32
      %dma_wait3A_400 = tpu.memref_slice %arg7[%add3A_344, %dma_wait3A_399] : memref<320000x128xf32, #tpu.memory_space<hbm>> -> memref<80x128xf32, #tpu.memory_space<hbm>>
      %dma_wait3A_401 = arith.constant 0 : i32
      %dma_wait3A_402 = tpu.memref_slice %arg7[%add3A_344, %dma_wait3A_401] : memref<320000x128xf32, #tpu.memory_space<hbm>> -> memref<80x128xf32, #tpu.memory_space<hbm>>
      tpu.wait_dma2 semaphore(%arg25 : memref<!tpu.dma_semaphore, #tpu.memory_space<semaphore_mem>>) src(%arg19 : memref<80x128xf32, #tpu.memory_space<vmem>>) dst(%dma_wait3A_402 : memref<80x128xf32, #tpu.memory_space<hbm>>)
      %dma_wait3A_403 = arith.constant 0 : i32
      %dma_wait3A_404 = tpu.memref_slice %arg8[%add3A_344, %dma_wait3A_403] : memref<320000x128xf32, #tpu.memory_space<hbm>> -> memref<80x128xf32, #tpu.memory_space<hbm>>
      %dma_wait3A_405 = arith.constant 0 : i32
      %dma_wait3A_406 = tpu.memref_slice %arg8[%add3A_344, %dma_wait3A_405] : memref<320000x128xf32, #tpu.memory_space<hbm>> -> memref<80x128xf32, #tpu.memory_space<hbm>>
      tpu.wait_dma2 semaphore(%arg26 : memref<!tpu.dma_semaphore, #tpu.memory_space<semaphore_mem>>) src(%arg20 : memref<80x128xf32, #tpu.memory_space<vmem>>) dst(%dma_wait3A_406 : memref<80x128xf32, #tpu.memory_space<hbm>>)
      %dma_wait3A_407 = arith.constant 0 : i32
      %dma_wait3A_408 = tpu.memref_slice %arg9[%add3A_344, %dma_wait3A_407] : memref<320000x128xf32, #tpu.memory_space<hbm>> -> memref<80x128xf32, #tpu.memory_space<hbm>>
      %dma_wait3A_409 = arith.constant 0 : i32
      %dma_wait3A_410 = tpu.memref_slice %arg9[%add3A_344, %dma_wait3A_409] : memref<320000x128xf32, #tpu.memory_space<hbm>> -> memref<80x128xf32, #tpu.memory_space<hbm>>
      tpu.wait_dma2 semaphore(%arg27 : memref<!tpu.dma_semaphore, #tpu.memory_space<semaphore_mem>>) src(%arg21 : memref<80x128xf32, #tpu.memory_space<vmem>>) dst(%dma_wait3A_410 : memref<80x128xf32, #tpu.memory_space<hbm>>)
    }
    %scan3A_7 = arith.constant 62 : i32
    %get3A = arith.constant 9920 : index
    %get3A_8 = tpu.vector_load %arg10[%get3A] {strides = array<i32>} : memref<10000xi32, #tpu.memory_space<vmem>>, vector<16xi32>,
    %get3A_9 = vector.shape_cast %get3A_8 : vector<16xi32> to vector<16xi32>
    %swap3A = arith.constant 0 : index
    %swap3A_10 = tpu.vector_load %arg12[%swap3A] {strides = array<i32>} : memref<80xi32, #tpu.memory_space<vmem>>, vector<16xi32>,
    %swap3A_11 = vector.shape_cast %swap3A_10 : vector<16xi32> to vector<16xi32>
    %swap3A_12 = vector.shape_cast %get3A_9 : vector<16xi32> to vector<16xi32>
    tpu.vector_store %arg12[%swap3A], %swap3A_12 {strides = array<i32>} : memref<80xi32, #tpu.memory_space<vmem>>, vector<16xi32>,
    %get3A_13 = arith.constant 9920 : index
    %get3A_14 = tpu.vector_load %arg11[%get3A_13] {strides = array<i32>} : memref<10000xi32, #tpu.memory_space<vmem>>, vector<16xi32>,
    %get3A_15 = vector.shape_cast %get3A_14 : vector<16xi32> to vector<16xi32>
    %swap3A_16 = arith.constant 0 : index
    %swap3A_17 = tpu.vector_load %arg13[%swap3A_16] {strides = array<i32>} : memref<80xi32, #tpu.memory_space<vmem>>, vector<16xi32>,
    %swap3A_18 = vector.shape_cast %swap3A_17 : vector<16xi32> to vector<16xi32>
    %swap3A_19 = vector.shape_cast %get3A_15 : vector<16xi32> to vector<16xi32>
    tpu.vector_store %arg13[%swap3A_16], %swap3A_19 {strides = array<i32>} : memref<80xi32, #tpu.memory_space<vmem>>, vector<16xi32>,
    %get3A_20 = arith.constant 9936 : index
    %get3A_21 = tpu.vector_load %arg10[%get3A_20] {strides = array<i32>} : memref<10000xi32, #tpu.memory_space<vmem>>, vector<16xi32>,
    %get3A_22 = vector.shape_cast %get3A_21 : vector<16xi32> to vector<16xi32>
    %swap3A_23 = arith.constant 16 : index
    %swap3A_24 = tpu.vector_load %arg12[%swap3A_23] {strides = array<i32>} : memref<80xi32, #tpu.memory_space<vmem>>, vector<16xi32>,
    %swap3A_25 = vector.shape_cast %swap3A_24 : vector<16xi32> to vector<16xi32>
    %swap3A_26 = vector.shape_cast %get3A_22 : vector<16xi32> to vector<16xi32>
    tpu.vector_store %arg12[%swap3A_23], %swap3A_26 {strides = array<i32>} : memref<80xi32, #tpu.memory_space<vmem>>, vector<16xi32>,
    %get3A_27 = arith.constant 9936 : index
    %get3A_28 = tpu.vector_load %arg11[%get3A_27] {strides = array<i32>} : memref<10000xi32, #tpu.memory_space<vmem>>, vector<16xi32>,
    %get3A_29 = vector.shape_cast %get3A_28 : vector<16xi32> to vector<16xi32>
    %swap3A_30 = arith.constant 16 : index
    %swap3A_31 = tpu.vector_load %arg13[%swap3A_30] {strides = array<i32>} : memref<80xi32, #tpu.memory_space<vmem>>, vector<16xi32>,
    %swap3A_32 = vector.shape_cast %swap3A_31 : vector<16xi32> to vector<16xi32>
    %swap3A_33 = vector.shape_cast %get3A_29 : vector<16xi32> to vector<16xi32>
    tpu.vector_store %arg13[%swap3A_30], %swap3A_33 {strides = array<i32>} : memref<80xi32, #tpu.memory_space<vmem>>, vector<16xi32>,
    %get3A_34 = arith.constant 9952 : index
    %get3A_35 = tpu.vector_load %arg10[%get3A_34] {strides = array<i32>} : memref<10000xi32, #tpu.memory_space<vmem>>, vector<16xi32>,
    %get3A_36 = vector.shape_cast %get3A_35 : vector<16xi32> to vector<16xi32>
    %swap3A_37 = arith.constant 32 : index
    %swap3A_38 = tpu.vector_load %arg12[%swap3A_37] {strides = array<i32>} : memref<80xi32, #tpu.memory_space<vmem>>, vector<16xi32>,
    %swap3A_39 = vector.shape_cast %swap3A_38 : vector<16xi32> to vector<16xi32>
    %swap3A_40 = vector.shape_cast %get3A_36 : vector<16xi32> to vector<16xi32>
    tpu.vector_store %arg12[%swap3A_37], %swap3A_40 {strides = array<i32>} : memref<80xi32, #tpu.memory_space<vmem>>, vector<16xi32>,
    %get3A_41 = arith.constant 9952 : index
    %get3A_42 = tpu.vector_load %arg11[%get3A_41] {strides = array<i32>} : memref<10000xi32, #tpu.memory_space<vmem>>, vector<16xi32>,
    %get3A_43 = vector.shape_cast %get3A_42 : vector<16xi32> to vector<16xi32>
    %swap3A_44 = arith.constant 32 : index
    %swap3A_45 = tpu.vector_load %arg13[%swap3A_44] {strides = array<i32>} : memref<80xi32, #tpu.memory_space<vmem>>, vector<16xi32>,
    %swap3A_46 = vector.shape_cast %swap3A_45 : vector<16xi32> to vector<16xi32>
    %swap3A_47 = vector.shape_cast %get3A_43 : vector<16xi32> to vector<16xi32>
    tpu.vector_store %arg13[%swap3A_44], %swap3A_47 {strides = array<i32>} : memref<80xi32, #tpu.memory_space<vmem>>, vector<16xi32>,
    %get3A_48 = arith.constant 9968 : index
    %get3A_49 = tpu.vector_load %arg10[%get3A_48] {strides = array<i32>} : memref<10000xi32, #tpu.memory_space<vmem>>, vector<16xi32>,
    %get3A_50 = vector.shape_cast %get3A_49 : vector<16xi32> to vector<16xi32>
    %swap3A_51 = arith.constant 48 : index
    %swap3A_52 = tpu.vector_load %arg12[%swap3A_51] {strides = array<i32>} : memref<80xi32, #tpu.memory_space<vmem>>, vector<16xi32>,
    %swap3A_53 = vector.shape_cast %swap3A_52 : vector<16xi32> to vector<16xi32>
    %swap3A_54 = vector.shape_cast %get3A_50 : vector<16xi32> to vector<16xi32>
    tpu.vector_store %arg12[%swap3A_51], %swap3A_54 {strides = array<i32>} : memref<80xi32, #tpu.memory_space<vmem>>, vector<16xi32>,
    %get3A_55 = arith.constant 9968 : index
    %get3A_56 = tpu.vector_load %arg11[%get3A_55] {strides = array<i32>} : memref<10000xi32, #tpu.memory_space<vmem>>, vector<16xi32>,
    %get3A_57 = vector.shape_cast %get3A_56 : vector<16xi32> to vector<16xi32>
    %swap3A_58 = arith.constant 48 : index
    %swap3A_59 = tpu.vector_load %arg13[%swap3A_58] {strides = array<i32>} : memref<80xi32, #tpu.memory_space<vmem>>, vector<16xi32>,
    %swap3A_60 = vector.shape_cast %swap3A_59 : vector<16xi32> to vector<16xi32>
    %swap3A_61 = vector.shape_cast %get3A_57 : vector<16xi32> to vector<16xi32>
    tpu.vector_store %arg13[%swap3A_58], %swap3A_61 {strides = array<i32>} : memref<80xi32, #tpu.memory_space<vmem>>, vector<16xi32>,
    %get3A_62 = arith.constant 9984 : index
    %get3A_63 = tpu.vector_load %arg10[%get3A_62] {strides = array<i32>} : memref<10000xi32, #tpu.memory_space<vmem>>, vector<16xi32>,
    %get3A_64 = vector.shape_cast %get3A_63 : vector<16xi32> to vector<16xi32>
    %swap3A_65 = arith.constant 64 : index
    %swap3A_66 = tpu.vector_load %arg12[%swap3A_65] {strides = array<i32>} : memref<80xi32, #tpu.memory_space<vmem>>, vector<16xi32>,
    %swap3A_67 = vector.shape_cast %swap3A_66 : vector<16xi32> to vector<16xi32>
    %swap3A_68 = vector.shape_cast %get3A_64 : vector<16xi32> to vector<16xi32>
    tpu.vector_store %arg12[%swap3A_65], %swap3A_68 {strides = array<i32>} : memref<80xi32, #tpu.memory_space<vmem>>, vector<16xi32>,
    %get3A_69 = arith.constant 9984 : index
    %get3A_70 = tpu.vector_load %arg11[%get3A_69] {strides = array<i32>} : memref<10000xi32, #tpu.memory_space<vmem>>, vector<16xi32>,
    %get3A_71 = vector.shape_cast %get3A_70 : vector<16xi32> to vector<16xi32>
    %swap3A_72 = arith.constant 64 : index
    %swap3A_73 = tpu.vector_load %arg13[%swap3A_72] {strides = array<i32>} : memref<80xi32, #tpu.memory_space<vmem>>, vector<16xi32>,
    %swap3A_74 = vector.shape_cast %swap3A_73 : vector<16xi32> to vector<16xi32>
    %swap3A_75 = vector.shape_cast %get3A_71 : vector<16xi32> to vector<16xi32>
    tpu.vector_store %arg13[%swap3A_72], %swap3A_75 {strides = array<i32>} : memref<80xi32, #tpu.memory_space<vmem>>, vector<16xi32>,
    %dma_start3A = arith.constant 0 : i32
    %dma_start3A_76 = arith.constant 0 : i32
    %dma_start3A_77 = tpu.memref_slice %arg2[%dma_start3A, %dma_start3A_76] : memref<10000x128xf32, #tpu.memory_space<hbm>> -> memref<10000x128xf32, #tpu.memory_space<hbm>>
    tpu.enqueue_indirect_dma source(%dma_start3A_77 : memref<10000x128xf32, #tpu.memory_space<hbm>>) target(%arg16 : memref<80x128xf32, #tpu.memory_space<vmem>>) offsets(%arg13 : memref<80xi32, #tpu.memory_space<vmem>>) semaphore(%arg22 : memref<!tpu.dma_semaphore, #tpu.memory_space<semaphore_mem>>)
    %dma_start3A_78 = arith.constant 0 : i32
    %dma_start3A_79 = arith.constant 0 : i32
    %dma_start3A_80 = tpu.memref_slice %arg3[%dma_start3A_78, %dma_start3A_79] : memref<10000x128xf32, #tpu.memory_space<hbm>> -> memref<10000x128xf32, #tpu.memory_space<hbm>>
    tpu.enqueue_indirect_dma source(%dma_start3A_80 : memref<10000x128xf32, #tpu.memory_space<hbm>>) target(%arg17 : memref<80x128xf32, #tpu.memory_space<vmem>>) offsets(%arg12 : memref<80xi32, #tpu.memory_space<vmem>>) semaphore(%arg23 : memref<!tpu.dma_semaphore, #tpu.memory_space<semaphore_mem>>)
    %dma_start3A_81 = arith.constant 0 : i32
    %dma_start3A_82 = arith.constant 0 : i32
    %dma_start3A_83 = tpu.memref_slice %arg4[%dma_start3A_81, %dma_start3A_82] : memref<10000x128xf32, #tpu.memory_space<hbm>> -> memref<10000x128xf32, #tpu.memory_space<hbm>>
    tpu.enqueue_indirect_dma source(%dma_start3A_83 : memref<10000x128xf32, #tpu.memory_space<hbm>>) target(%arg18 : memref<80x128xf32, #tpu.memory_space<vmem>>) offsets(%arg12 : memref<80xi32, #tpu.memory_space<vmem>>) semaphore(%arg24 : memref<!tpu.dma_semaphore, #tpu.memory_space<semaphore_mem>>)
    %add3A_84 = arith.constant 9920 : i32
    %add3A_85 = arith.addi %mul3A_2, %add3A_84 : i32
    %dma_wait3A = arith.constant 0 : i32
    %dma_wait3A_86 = arith.constant 0 : i32
    %dma_wait3A_87 = tpu.memref_slice %arg2[%dma_wait3A, %dma_wait3A_86] : memref<10000x128xf32, #tpu.memory_space<hbm>> -> memref<10000x128xf32, #tpu.memory_space<hbm>>
    tpu.wait_indirect_dma semaphore(%arg22 : memref<!tpu.dma_semaphore, #tpu.memory_space<semaphore_mem>>) src(%dma_wait3A_87 : memref<10000x128xf32, #tpu.memory_space<hbm>>) dst(%arg16 : memref<80x128xf32, #tpu.memory_space<vmem>>)
    "tpu.region"() ({
      %run_scoped3A = tpu.sem_alloc : memref<!tpu.dma_semaphore, #tpu.memory_space<semaphore_mem>>
      %dma_start3A_94 = arith.constant 0 : i32
      %dma_start3A_95 = tpu.memref_slice %arg7[%add3A_85, %dma_start3A_94] : memref<320000x128xf32, #tpu.memory_space<hbm>> -> memref<80x128xf32, #tpu.memory_space<hbm>>
      %dma_start3A_96 = arith.constant 0 : i32
      %dma_start3A_97 = tpu.memref_slice %arg7[%add3A_85, %dma_start3A_96] : memref<320000x128xf32, #tpu.memory_space<hbm>> -> memref<80x128xf32, #tpu.memory_space<hbm>>
      tpu.enqueue_dma source(%arg16 : memref<80x128xf32, #tpu.memory_space<vmem>>) target(%dma_start3A_97 : memref<80x128xf32, #tpu.memory_space<hbm>>) target_semaphore(%run_scoped3A : memref<!tpu.dma_semaphore, #tpu.memory_space<semaphore_mem>>)
      %dma_wait3A_98 = arith.constant 0 : i32
      %dma_wait3A_99 = tpu.memref_slice %arg7[%add3A_85, %dma_wait3A_98] : memref<320000x128xf32, #tpu.memory_space<hbm>> -> memref<80x128xf32, #tpu.memory_space<hbm>>
      %dma_wait3A_100 = arith.constant 0 : i32
      %dma_wait3A_101 = tpu.memref_slice %arg7[%add3A_85, %dma_wait3A_100] : memref<320000x128xf32, #tpu.memory_space<hbm>> -> memref<80x128xf32, #tpu.memory_space<hbm>>
      tpu.wait_dma2 semaphore(%run_scoped3A : memref<!tpu.dma_semaphore, #tpu.memory_space<semaphore_mem>>) src(%arg16 : memref<80x128xf32, #tpu.memory_space<vmem>>) dst(%dma_wait3A_101 : memref<80x128xf32, #tpu.memory_space<hbm>>)
      tpu.yield
    }) : () -> ()
    %dma_wait3A_88 = arith.constant 0 : i32
    %dma_wait3A_89 = arith.constant 0 : i32
    %dma_wait3A_90 = tpu.memref_slice %arg3[%dma_wait3A_88, %dma_wait3A_89] : memref<10000x128xf32, #tpu.memory_space<hbm>> -> memref<10000x128xf32, #tpu.memory_space<hbm>>
    tpu.wait_indirect_dma semaphore(%arg23 : memref<!tpu.dma_semaphore, #tpu.memory_space<semaphore_mem>>) src(%dma_wait3A_90 : memref<10000x128xf32, #tpu.memory_space<hbm>>) dst(%arg17 : memref<80x128xf32, #tpu.memory_space<vmem>>)
    "tpu.region"() ({
      %run_scoped3A = tpu.sem_alloc : memref<!tpu.dma_semaphore, #tpu.memory_space<semaphore_mem>>
      %dma_start3A_94 = arith.constant 0 : i32
      %dma_start3A_95 = tpu.memref_slice %arg8[%add3A_85, %dma_start3A_94] : memref<320000x128xf32, #tpu.memory_space<hbm>> -> memref<80x128xf32, #tpu.memory_space<hbm>>
      %dma_start3A_96 = arith.constant 0 : i32
      %dma_start3A_97 = tpu.memref_slice %arg8[%add3A_85, %dma_start3A_96] : memref<320000x128xf32, #tpu.memory_space<hbm>> -> memref<80x128xf32, #tpu.memory_space<hbm>>
      tpu.enqueue_dma source(%arg17 : memref<80x128xf32, #tpu.memory_space<vmem>>) target(%dma_start3A_97 : memref<80x128xf32, #tpu.memory_space<hbm>>) target_semaphore(%run_scoped3A : memref<!tpu.dma_semaphore, #tpu.memory_space<semaphore_mem>>)
      %dma_wait3A_98 = arith.constant 0 : i32
      %dma_wait3A_99 = tpu.memref_slice %arg8[%add3A_85, %dma_wait3A_98] : memref<320000x128xf32, #tpu.memory_space<hbm>> -> memref<80x128xf32, #tpu.memory_space<hbm>>
      %dma_wait3A_100 = arith.constant 0 : i32
      %dma_wait3A_101 = tpu.memref_slice %arg8[%add3A_85, %dma_wait3A_100] : memref<320000x128xf32, #tpu.memory_space<hbm>> -> memref<80x128xf32, #tpu.memory_space<hbm>>
      tpu.wait_dma2 semaphore(%run_scoped3A : memref<!tpu.dma_semaphore, #tpu.memory_space<semaphore_mem>>) src(%arg17 : memref<80x128xf32, #tpu.memory_space<vmem>>) dst(%dma_wait3A_101 : memref<80x128xf32, #tpu.memory_space<hbm>>)
      tpu.yield
    }) : () -> ()
    %dma_wait3A_91 = arith.constant 0 : i32
    %dma_wait3A_92 = arith.constant 0 : i32
    %dma_wait3A_93 = tpu.memref_slice %arg4[%dma_wait3A_91, %dma_wait3A_92] : memref<10000x128xf32, #tpu.memory_space<hbm>> -> memref<10000x128xf32, #tpu.memory_space<hbm>>
    tpu.wait_indirect_dma semaphore(%arg24 : memref<!tpu.dma_semaphore, #tpu.memory_space<semaphore_mem>>) src(%dma_wait3A_93 : memref<10000x128xf32, #tpu.memory_space<hbm>>) dst(%arg18 : memref<80x128xf32, #tpu.memory_space<vmem>>)
    "tpu.region"() ({
      %run_scoped3A = tpu.sem_alloc : memref<!tpu.dma_semaphore, #tpu.memory_space<semaphore_mem>>
      %dma_start3A_94 = arith.constant 0 : i32
      %dma_start3A_95 = tpu.memref_slice %arg9[%add3A_85, %dma_start3A_94] : memref<320000x128xf32, #tpu.memory_space<hbm>> -> memref<80x128xf32, #tpu.memory_space<hbm>>
      %dma_start3A_96 = arith.constant 0 : i32
      %dma_start3A_97 = tpu.memref_slice %arg9[%add3A_85, %dma_start3A_96] : memref<320000x128xf32, #tpu.memory_space<hbm>> -> memref<80x128xf32, #tpu.memory_space<hbm>>
      tpu.enqueue_dma source(%arg18 : memref<80x128xf32, #tpu.memory_space<vmem>>) target(%dma_start3A_97 : memref<80x128xf32, #tpu.memory_space<hbm>>) target_semaphore(%run_scoped3A : memref<!tpu.dma_semaphore, #tpu.memory_space<semaphore_mem>>)
      %dma_wait3A_98 = arith.constant 0 : i32
      %dma_wait3A_99 = tpu.memref_slice %arg9[%add3A_85, %dma_wait3A_98] : memref<320000x128xf32, #tpu.memory_space<hbm>> -> memref<80x128xf32, #tpu.memory_space<hbm>>
      %dma_wait3A_100 = arith.constant 0 : i32
      %dma_wait3A_101 = tpu.memref_slice %arg9[%add3A_85, %dma_wait3A_100] : memref<320000x128xf32, #tpu.memory_space<hbm>> -> memref<80x128xf32, #tpu.memory_space<hbm>>
      tpu.wait_dma2 semaphore(%run_scoped3A : memref<!tpu.dma_semaphore, #tpu.memory_space<semaphore_mem>>) src(%arg18 : memref<80x128xf32, #tpu.memory_space<vmem>>) dst(%dma_wait3A_101 : memref<80x128xf32, #tpu.memory_space<hbm>>)
      tpu.yield
    }) : () -> ()
    return
  }
}

module attributes {stable_mosaic.version = 14 : i64} {
  func.func @_node_prep_body(%arg0: memref<10000x128xf32, #tpu.memory_space<vmem>>, %arg1: memref<128x128xf32, #tpu.memory_space<vmem>>, %arg2: memref<1x128xf32, #tpu.memory_space<vmem>>, %arg3: memref<128x128xf32, #tpu.memory_space<vmem>>, %arg4: memref<1x128xf32, #tpu.memory_space<vmem>>, %arg5: memref<128x128xf32, #tpu.memory_space<vmem>>, %arg6: memref<1x128xf32, #tpu.memory_space<vmem>>, %arg7: memref<1x128xf32, #tpu.memory_space<vmem>>, %arg8: memref<1x128xf32, #tpu.memory_space<vmem>>, %arg9: memref<10000x128xf32, #tpu.memory_space<vmem>>, %arg10: memref<10000x128xf32, #tpu.memory_space<vmem>>, %arg11: memref<10000x128xf32, #tpu.memory_space<vmem>>, %arg12: memref<10000x128xf32, #tpu.memory_space<vmem>>) attributes {dimension_semantics = [], scalar_prefetch = 0 : i64, scratch_operands = 0 : i64, tpu.core_type = #tpu.core_type<tc>} {
    %get3A = arith.constant 0 : index
    %get3A_0 = arith.constant 0 : index
    %get3A_1 = vector.load %arg0[%get3A, %get3A_0] : memref<10000x128xf32, #tpu.memory_space<vmem>>, vector<10000x128xf32>
    %get3A_2 = arith.constant 0 : index
    %get3A_3 = arith.constant 0 : index
    %get3A_4 = vector.load %arg7[%get3A_2, %get3A_3] : memref<1x128xf32, #tpu.memory_space<vmem>>, vector<1x128xf32>
    %get3A_5 = arith.constant 0 : index
    %get3A_6 = arith.constant 0 : index
    %get3A_7 = vector.load %arg8[%get3A_5, %get3A_6] : memref<1x128xf32, #tpu.memory_space<vmem>>, vector<1x128xf32>
    %reduce_sum3A = arith.constant dense<0.000000e+00> : vector<10000xf32>
    %reduce_sum3A_8 = vector.multi_reduction <add>, %get3A_1, %reduce_sum3A [1] : vector<10000x128xf32> to vector<10000xf32>
    %broadcast_in_dim3A = vector.shape_cast %reduce_sum3A_8 : vector<10000xf32> to vector<10000x1xf32>
    %div3A = arith.constant 1.280000e+02 : f32
    %div3A_9 = vector.broadcast %div3A : f32 to vector<10000x1xf32>
    %div3A_10 = arith.divf %broadcast_in_dim3A, %div3A_9 : vector<10000x1xf32>
    %sub3A = vector.broadcast %div3A_10 : vector<10000x1xf32> to vector<10000x128xf32>
    %sub3A_11 = arith.subf %get3A_1, %sub3A : vector<10000x128xf32>
    %integer_pow3A = arith.mulf %sub3A_11, %sub3A_11 : vector<10000x128xf32>
    %reduce_sum3A_12 = arith.constant dense<0.000000e+00> : vector<10000xf32>
    %reduce_sum3A_13 = vector.multi_reduction <add>, %integer_pow3A, %reduce_sum3A_12 [1] : vector<10000x128xf32> to vector<10000xf32>
    %broadcast_in_dim3A_14 = vector.shape_cast %reduce_sum3A_13 : vector<10000xf32> to vector<10000x1xf32>
    %div3A_15 = arith.constant 1.280000e+02 : f32
    %div3A_16 = vector.broadcast %div3A_15 : f32 to vector<10000x1xf32>
    %div3A_17 = arith.divf %broadcast_in_dim3A_14, %div3A_16 : vector<10000x1xf32>
    %sub3A_18 = vector.broadcast %div3A_10 : vector<10000x1xf32> to vector<10000x128xf32>
    %sub3A_19 = arith.subf %get3A_1, %sub3A_18 : vector<10000x128xf32>
    %add3A = arith.constant 9.99999974E-6 : f32
    %add3A_20 = vector.broadcast %add3A : f32 to vector<10000x1xf32>
    %add3A_21 = arith.addf %div3A_17, %add3A_20 : vector<10000x1xf32>
    %sqrt3A = math.sqrt %add3A_21 : vector<10000x1xf32>
    %div3A_22 = vector.broadcast %sqrt3A : vector<10000x1xf32> to vector<10000x128xf32>
    %div3A_23 = arith.divf %sub3A_19, %div3A_22 : vector<10000x128xf32>
    %mul3A = vector.broadcast %get3A_4 : vector<1x128xf32> to vector<10000x128xf32>
    %mul3A_24 = arith.mulf %div3A_23, %mul3A : vector<10000x128xf32>
    %add3A_25 = vector.broadcast %get3A_7 : vector<1x128xf32> to vector<10000x128xf32>
    %add3A_26 = arith.addf %mul3A_24, %add3A_25 : vector<10000x128xf32>
    %swap3A = arith.constant 0 : index
    %swap3A_27 = arith.constant 0 : index
    %swap3A_28 = vector.load %arg9[%swap3A, %swap3A_27] : memref<10000x128xf32, #tpu.memory_space<vmem>>, vector<10000x128xf32>
    tpu.vector_store %arg9[%swap3A, %swap3A_27], %add3A_26 {strides = array<i32>} : memref<10000x128xf32, #tpu.memory_space<vmem>>, vector<10000x128xf32>,
    %get3A_29 = arith.constant 0 : index
    %get3A_30 = arith.constant 0 : index
    %get3A_31 = vector.load %arg1[%get3A_29, %get3A_30] : memref<128x128xf32, #tpu.memory_space<vmem>>, vector<128x128xf32>
    %dot_general3A = arith.constant dense<0.000000e+00> : vector<10000x128xf32>
    %dot_general3A_32 = tpu.matmul %add3A_26, %get3A_31, %dot_general3A {dimension_numbers = #tpu.dot_dimension_numbers<[1], [1], [0], [0], [0, 0, 1, 0], [], []>, transpose_lhs_hint = false} : vector<10000x128xf32>, vector<128x128xf32>, vector<10000x128xf32> -> vector<10000x128xf32>
    %get3A_33 = arith.constant 0 : index
    %get3A_34 = arith.constant 0 : index
    %get3A_35 = vector.load %arg2[%get3A_33, %get3A_34] : memref<1x128xf32, #tpu.memory_space<vmem>>, vector<1x128xf32>
    %add3A_36 = vector.broadcast %get3A_35 : vector<1x128xf32> to vector<10000x128xf32>
    %add3A_37 = arith.addf %dot_general3A_32, %add3A_36 : vector<10000x128xf32>
    %sqrt3A_38 = arith.constant 1.600000e+01 : f32
    %sqrt3A_39 = math.sqrt %sqrt3A_38 : f32
    %div3A_40 = arith.constant 1.000000e+00 : f32
    %div3A_41 = arith.divf %div3A_40, %sqrt3A_39 : f32
    %mul3A_42 = vector.broadcast %div3A_41 : f32 to vector<10000x128xf32>
    %mul3A_43 = arith.mulf %add3A_37, %mul3A_42 : vector<10000x128xf32>
    %swap3A_44 = arith.constant 0 : index
    %swap3A_45 = arith.constant 0 : index
    %swap3A_46 = vector.load %arg10[%swap3A_44, %swap3A_45] : memref<10000x128xf32, #tpu.memory_space<vmem>>, vector<10000x128xf32>
    tpu.vector_store %arg10[%swap3A_44, %swap3A_45], %mul3A_43 {strides = array<i32>} : memref<10000x128xf32, #tpu.memory_space<vmem>>, vector<10000x128xf32>,
    %get3A_47 = arith.constant 0 : index
    %get3A_48 = arith.constant 0 : index
    %get3A_49 = vector.load %arg3[%get3A_47, %get3A_48] : memref<128x128xf32, #tpu.memory_space<vmem>>, vector<128x128xf32>
    %dot_general3A_50 = arith.constant dense<0.000000e+00> : vector<10000x128xf32>
    %dot_general3A_51 = tpu.matmul %add3A_26, %get3A_49, %dot_general3A_50 {dimension_numbers = #tpu.dot_dimension_numbers<[1], [1], [0], [0], [0, 0, 1, 0], [], []>, transpose_lhs_hint = false} : vector<10000x128xf32>, vector<128x128xf32>, vector<10000x128xf32> -> vector<10000x128xf32>
    %get3A_52 = arith.constant 0 : index
    %get3A_53 = arith.constant 0 : index
    %get3A_54 = vector.load %arg4[%get3A_52, %get3A_53] : memref<1x128xf32, #tpu.memory_space<vmem>>, vector<1x128xf32>
    %add3A_55 = vector.broadcast %get3A_54 : vector<1x128xf32> to vector<10000x128xf32>
    %add3A_56 = arith.addf %dot_general3A_51, %add3A_55 : vector<10000x128xf32>
    %swap3A_57 = arith.constant 0 : index
    %swap3A_58 = arith.constant 0 : index
    %swap3A_59 = vector.load %arg11[%swap3A_57, %swap3A_58] : memref<10000x128xf32, #tpu.memory_space<vmem>>, vector<10000x128xf32>
    tpu.vector_store %arg11[%swap3A_57, %swap3A_58], %add3A_56 {strides = array<i32>} : memref<10000x128xf32, #tpu.memory_space<vmem>>, vector<10000x128xf32>,
    %get3A_60 = arith.constant 0 : index
    %get3A_61 = arith.constant 0 : index
    %get3A_62 = vector.load %arg5[%get3A_60, %get3A_61] : memref<128x128xf32, #tpu.memory_space<vmem>>, vector<128x128xf32>
    %dot_general3A_63 = arith.constant dense<0.000000e+00> : vector<10000x128xf32>
    %dot_general3A_64 = tpu.matmul %add3A_26, %get3A_62, %dot_general3A_63 {dimension_numbers = #tpu.dot_dimension_numbers<[1], [1], [0], [0], [0, 0, 1, 0], [], []>, transpose_lhs_hint = false} : vector<10000x128xf32>, vector<128x128xf32>, vector<10000x128xf32> -> vector<10000x128xf32>
    %get3A_65 = arith.constant 0 : index
    %get3A_66 = arith.constant 0 : index
    %get3A_67 = vector.load %arg6[%get3A_65, %get3A_66] : memref<1x128xf32, #tpu.memory_space<vmem>>, vector<1x128xf32>
    %add3A_68 = vector.broadcast %get3A_67 : vector<1x128xf32> to vector<10000x128xf32>
    %add3A_69 = arith.addf %dot_general3A_64, %add3A_68 : vector<10000x128xf32>
    %swap3A_70 = arith.constant 0 : index
    %swap3A_71 = arith.constant 0 : index
    %swap3A_72 = vector.load %arg12[%swap3A_70, %swap3A_71] : memref<10000x128xf32, #tpu.memory_space<vmem>>, vector<10000x128xf32>
    tpu.vector_store %arg12[%swap3A_70, %swap3A_71], %add3A_69 {strides = array<i32>} : memref<10000x128xf32, #tpu.memory_space<vmem>>, vector<10000x128xf32>,
    return
  }
}

module attributes {stable_mosaic.version = 14 : i64} {
  func.func @_edge_body(%arg0: i32, %arg1: memref<4000x128xf32, #tpu.memory_space<vmem>>, %arg2: memref<4000x128xf32, #tpu.memory_space<vmem>>, %arg3: memref<4000x128xf32, #tpu.memory_space<vmem>>, %arg4: memref<4000x128xf32, #tpu.memory_space<vmem>>, %arg5: memref<1x1x4000xi32, #tpu.memory_space<vmem>>, %arg6: memref<128x128xf32, #tpu.memory_space<vmem>>, %arg7: memref<1x128xf32, #tpu.memory_space<vmem>>, %arg8: memref<128x128xf32, #tpu.memory_space<vmem>>, %arg9: memref<1x128xf32, #tpu.memory_space<vmem>>, %arg10: memref<1x128xf32, #tpu.memory_space<vmem>>, %arg11: memref<1x128xf32, #tpu.memory_space<vmem>>, %arg12: memref<128x16xf32, #tpu.memory_space<vmem>>, %arg13: memref<16x128xf32, #tpu.memory_space<vmem>>, %arg14: memref<16x128xf32, #tpu.memory_space<vmem>>, %arg15: memref<4000x128xf32, #tpu.memory_space<vmem>>, %arg16: memref<4000x128xf32, #tpu.memory_space<vmem>>) attributes {dimension_semantics = [#tpu.dimension_semantics<arbitrary>], iteration_bounds = array<i64: 80>, scalar_prefetch = 0 : i64, scratch_operands = 0 : i64, tpu.core_type = #tpu.core_type<tc>, window_params = [{transform_indices = @transform_0, window_bounds = array<i64: 4000, 128>}, {transform_indices = @transform_1, window_bounds = array<i64: 4000, 128>}, {transform_indices = @transform_2, window_bounds = array<i64: 4000, 128>}, {transform_indices = @transform_3, window_bounds = array<i64: 4000, 128>}, {transform_indices = @transform_4, window_bounds = array<i64: 1, 1, 4000>}, {pipeline_mode = #tpu.pipeline_mode<synchronous>, transform_indices = @transform_5, window_bounds = array<i64: 128, 128>}, {pipeline_mode = #tpu.pipeline_mode<synchronous>, transform_indices = @transform_6, window_bounds = array<i64: 1, 128>}, {pipeline_mode = #tpu.pipeline_mode<synchronous>, transform_indices = @transform_7, window_bounds = array<i64: 128, 128>}, {pipeline_mode = #tpu.pipeline_mode<synchronous>, transform_indices = @transform_8, window_bounds = array<i64: 1, 128>}, {pipeline_mode = #tpu.pipeline_mode<synchronous>, transform_indices = @transform_9, window_bounds = array<i64: 1, 128>}, {pipeline_mode = #tpu.pipeline_mode<synchronous>, transform_indices = @transform_10, window_bounds = array<i64: 1, 128>}, {pipeline_mode = #tpu.pipeline_mode<synchronous>, transform_indices = @transform_11, window_bounds = array<i64: 128, 16>}, {pipeline_mode = #tpu.pipeline_mode<synchronous>, transform_indices = @transform_12, window_bounds = array<i64: 16, 128>}, {pipeline_mode = #tpu.pipeline_mode<synchronous>, transform_indices = @transform_13, window_bounds = array<i64: 16, 128>}, {transform_indices = @transform_14, window_bounds = array<i64: 4000, 128>}, {transform_indices = @transform_15, window_bounds = array<i64: 4000, 128>}]} {
    %get3A = arith.constant 0 : index
    %get3A_0 = arith.constant 0 : index
    %get3A_1 = vector.load %arg1[%get3A, %get3A_0] : memref<4000x128xf32, #tpu.memory_space<vmem>>, vector<4000x128xf32>
    %get3A_2 = arith.constant 0 : index
    %get3A_3 = arith.constant 0 : index
    %get3A_4 = vector.load %arg10[%get3A_2, %get3A_3] : memref<1x128xf32, #tpu.memory_space<vmem>>, vector<1x128xf32>
    %get3A_5 = arith.constant 0 : index
    %get3A_6 = arith.constant 0 : index
    %get3A_7 = vector.load %arg11[%get3A_5, %get3A_6] : memref<1x128xf32, #tpu.memory_space<vmem>>, vector<1x128xf32>
    %reduce_sum3A = arith.constant dense<0.000000e+00> : vector<4000xf32>
    %reduce_sum3A_8 = vector.multi_reduction <add>, %get3A_1, %reduce_sum3A [1] : vector<4000x128xf32> to vector<4000xf32>
    %broadcast_in_dim3A = vector.shape_cast %reduce_sum3A_8 : vector<4000xf32> to vector<4000x1xf32>
    %div3A = arith.constant 1.280000e+02 : f32
    %div3A_9 = vector.broadcast %div3A : f32 to vector<4000x1xf32>
    %div3A_10 = arith.divf %broadcast_in_dim3A, %div3A_9 : vector<4000x1xf32>
    %sub3A = vector.broadcast %div3A_10 : vector<4000x1xf32> to vector<4000x128xf32>
    %sub3A_11 = arith.subf %get3A_1, %sub3A : vector<4000x128xf32>
    %integer_pow3A = arith.mulf %sub3A_11, %sub3A_11 : vector<4000x128xf32>
    %reduce_sum3A_12 = arith.constant dense<0.000000e+00> : vector<4000xf32>
    %reduce_sum3A_13 = vector.multi_reduction <add>, %integer_pow3A, %reduce_sum3A_12 [1] : vector<4000x128xf32> to vector<4000xf32>
    %broadcast_in_dim3A_14 = vector.shape_cast %reduce_sum3A_13 : vector<4000xf32> to vector<4000x1xf32>
    %div3A_15 = arith.constant 1.280000e+02 : f32
    %div3A_16 = vector.broadcast %div3A_15 : f32 to vector<4000x1xf32>
    %div3A_17 = arith.divf %broadcast_in_dim3A_14, %div3A_16 : vector<4000x1xf32>
    %sub3A_18 = vector.broadcast %div3A_10 : vector<4000x1xf32> to vector<4000x128xf32>
    %sub3A_19 = arith.subf %get3A_1, %sub3A_18 : vector<4000x128xf32>
    %add3A = arith.constant 9.99999974E-6 : f32
    %add3A_20 = vector.broadcast %add3A : f32 to vector<4000x1xf32>
    %add3A_21 = arith.addf %div3A_17, %add3A_20 : vector<4000x1xf32>
    %sqrt3A = math.sqrt %add3A_21 : vector<4000x1xf32>
    %div3A_22 = vector.broadcast %sqrt3A : vector<4000x1xf32> to vector<4000x128xf32>
    %div3A_23 = arith.divf %sub3A_19, %div3A_22 : vector<4000x128xf32>
    %mul3A = vector.broadcast %get3A_4 : vector<1x128xf32> to vector<4000x128xf32>
    %mul3A_24 = arith.mulf %div3A_23, %mul3A : vector<4000x128xf32>
    %add3A_25 = vector.broadcast %get3A_7 : vector<1x128xf32> to vector<4000x128xf32>
    %add3A_26 = arith.addf %mul3A_24, %add3A_25 : vector<4000x128xf32>
    %get3A_27 = arith.constant 0 : index
    %get3A_28 = arith.constant 0 : index
    %get3A_29 = vector.load %arg6[%get3A_27, %get3A_28] : memref<128x128xf32, #tpu.memory_space<vmem>>, vector<128x128xf32>
    %dot_general3A = arith.constant dense<0.000000e+00> : vector<4000x128xf32>
    %dot_general3A_30 = tpu.matmul %add3A_26, %get3A_29, %dot_general3A {dimension_numbers = #tpu.dot_dimension_numbers<[1], [1], [0], [0], [0, 0, 1, 0], [], []>, transpose_lhs_hint = false} : vector<4000x128xf32>, vector<128x128xf32>, vector<4000x128xf32> -> vector<4000x128xf32>
    %get3A_31 = arith.constant 0 : index
    %get3A_32 = arith.constant 0 : index
    %get3A_33 = vector.load %arg7[%get3A_31, %get3A_32] : memref<1x128xf32, #tpu.memory_space<vmem>>, vector<1x128xf32>
    %add3A_34 = vector.broadcast %get3A_33 : vector<1x128xf32> to vector<4000x128xf32>
    %add3A_35 = arith.addf %dot_general3A_30, %add3A_34 : vector<4000x128xf32>
    %get3A_36 = arith.constant 0 : index
    %get3A_37 = arith.constant 0 : index
    %get3A_38 = vector.load %arg2[%get3A_36, %get3A_37] : memref<4000x128xf32, #tpu.memory_space<vmem>>, vector<4000x128xf32>
    %get3A_39 = arith.constant 0 : index
    %get3A_40 = arith.constant 0 : index
    %get3A_41 = vector.load %arg3[%get3A_39, %get3A_40] : memref<4000x128xf32, #tpu.memory_space<vmem>>, vector<4000x128xf32>
    %add3A_42 = arith.addf %get3A_41, %add3A_35 : vector<4000x128xf32>
    %mul3A_43 = arith.mulf %get3A_38, %add3A_42 : vector<4000x128xf32>
    %get3A_44 = arith.constant 0 : index
    %get3A_45 = arith.constant 0 : index
    %get3A_46 = vector.load %arg12[%get3A_44, %get3A_45] : memref<128x16xf32, #tpu.memory_space<vmem>>, vector<128x16xf32>
    %dot_general3A_47 = arith.constant dense<0.000000e+00> : vector<4000x16xf32>
    %dot_general3A_48 = tpu.matmul %mul3A_43, %get3A_46, %dot_general3A_47 {dimension_numbers = #tpu.dot_dimension_numbers<[1], [0], [0], [1], [0, 0, 1, 1], [], []>, transpose_lhs_hint = false} : vector<4000x128xf32>, vector<128x16xf32>, vector<4000x16xf32> -> vector<4000x16xf32>
    %exp3A = math.exp %dot_general3A_48 : vector<4000x16xf32>
    %get3A_49 = arith.constant 0 : index
    %get3A_50 = arith.constant 0 : index
    %get3A_51 = vector.load %arg8[%get3A_49, %get3A_50] : memref<128x128xf32, #tpu.memory_space<vmem>>, vector<128x128xf32>
    %dot_general3A_52 = arith.constant dense<0.000000e+00> : vector<4000x128xf32>
    %dot_general3A_53 = tpu.matmul %add3A_26, %get3A_51, %dot_general3A_52 {dimension_numbers = #tpu.dot_dimension_numbers<[1], [1], [0], [0], [0, 0, 1, 0], [], []>, transpose_lhs_hint = false} : vector<4000x128xf32>, vector<128x128xf32>, vector<4000x128xf32> -> vector<4000x128xf32>
    %get3A_54 = arith.constant 0 : index
    %get3A_55 = arith.constant 0 : index
    %get3A_56 = vector.load %arg9[%get3A_54, %get3A_55] : memref<1x128xf32, #tpu.memory_space<vmem>>, vector<1x128xf32>
    %add3A_57 = vector.broadcast %get3A_56 : vector<1x128xf32> to vector<4000x128xf32>
    %add3A_58 = arith.addf %dot_general3A_53, %add3A_57 : vector<4000x128xf32>
    %get3A_59 = arith.constant 0 : index
    %get3A_60 = arith.constant 0 : index
    %get3A_61 = vector.load %arg13[%get3A_59, %get3A_60] : memref<16x128xf32, #tpu.memory_space<vmem>>, vector<16x128xf32>
    %dot_general3A_62 = arith.constant dense<0.000000e+00> : vector<4000x128xf32>
    %dot_general3A_63 = tpu.matmul %exp3A, %get3A_61, %dot_general3A_62 {dimension_numbers = #tpu.dot_dimension_numbers<[1], [0], [0], [1], [0, 0, 1, 1], [], []>, transpose_lhs_hint = false} : vector<4000x16xf32>, vector<16x128xf32>, vector<4000x128xf32> -> vector<4000x128xf32>
    %get3A_64 = arith.constant 0 : index
    %get3A_65 = arith.constant 0 : index
    %get3A_66 = vector.load %arg4[%get3A_64, %get3A_65] : memref<4000x128xf32, #tpu.memory_space<vmem>>, vector<4000x128xf32>
    %add3A_67 = arith.addf %get3A_66, %add3A_58 : vector<4000x128xf32>
    %mul3A_68 = arith.mulf %add3A_67, %dot_general3A_63 : vector<4000x128xf32>
    %swap3A = arith.constant 0 : index
    %swap3A_69 = arith.constant 0 : index
    %swap3A_70 = vector.load %arg15[%swap3A, %swap3A_69] : memref<4000x128xf32, #tpu.memory_space<vmem>>, vector<4000x128xf32>
    tpu.vector_store %arg15[%swap3A, %swap3A_69], %mul3A_68 {strides = array<i32>} : memref<4000x128xf32, #tpu.memory_space<vmem>>, vector<4000x128xf32>,
    %get3A_71 = arith.constant 0 : index
    %get3A_72 = arith.constant 0 : index
    %get3A_73 = arith.constant 0 : index
    %get3A_74 = vector.load %arg5[%get3A_71, %get3A_72, %get3A_73] : memref<1x1x4000xi32, #tpu.memory_space<vmem>>, vector<1x1x4000xi32>
    %get3A_75 = vector.shape_cast %get3A_74 : vector<1x1x4000xi32> to vector<4000xi32>
    %jit3A = arith.constant 8 : i32
    %eq3A = arith.constant 0 : i32
    %eq3A_76 = arith.cmpi eq, %jit3A, %eq3A : i32
    %jit3A_77 = arith.constant 1 : i32
    %select_n3A = arith.select %eq3A_76, %jit3A_77, %jit3A : i32
    %rem3A = vector.broadcast %select_n3A : i32 to vector<4000xi32>
    %rem3A_78 = arith.remsi %get3A_75, %rem3A : vector<4000xi32>
    %ne3A = arith.constant 0 : i32
    %ne3A_79 = vector.broadcast %ne3A : i32 to vector<4000xi32>
    %ne3A_80 = arith.cmpi ne, %rem3A_78, %ne3A_79 : vector<4000xi32>
    %lt3A = arith.constant 0 : i32
    %lt3A_81 = vector.broadcast %lt3A : i32 to vector<4000xi32>
    %lt3A_82 = arith.cmpi slt, %rem3A_78, %lt3A_81 : vector<4000xi32>
    %lt3A_83 = arith.constant 0 : i32
    %lt3A_84 = arith.cmpi slt, %select_n3A, %lt3A_83 : i32
    %ne3A_85 = vector.broadcast %lt3A_84 : i1 to vector<4000xi1>
    %ne3A_86 = vector.broadcast %ne3A_85 : vector<4000xi1> to vector<4000xi1>
    %ne3A_87 = arith.xori %lt3A_82, %ne3A_86 : vector<4000xi1>
    %and3A = arith.andi %ne3A_87, %ne3A_80 : vector<4000xi1>
    %add3A_88 = vector.broadcast %select_n3A : i32 to vector<4000xi32>
    %add3A_89 = arith.addi %rem3A_78, %add3A_88 : vector<4000xi32>
    %select_n3A_90 = arith.select %and3A, %add3A_89, %rem3A_78 : vector<4000xi1>, vector<4000xi32>
    %reshape3A = vector.shape_cast %select_n3A_90 : vector<4000xi32> to vector<4000x1xi32>
    %iota3A = tpu.iota {dimensions = array<i32: 1>} : vector<4000x128xi32>
    %get3A_91 = arith.constant 0 : index
    %get3A_92 = arith.constant 0 : index
    %get3A_93 = vector.load %arg14[%get3A_91, %get3A_92] : memref<16x128xf32, #tpu.memory_space<vmem>>, vector<16x128xf32>
    %dot_general3A_94 = arith.constant dense<0.000000e+00> : vector<4000x128xf32>
    %dot_general3A_95 = tpu.matmul %exp3A, %get3A_93, %dot_general3A_94 {dimension_numbers = #tpu.dot_dimension_numbers<[1], [0], [0], [1], [0, 0, 1, 1], [], []>, transpose_lhs_hint = false} : vector<4000x16xf32>, vector<16x128xf32>, vector<4000x128xf32> -> vector<4000x128xf32>
    %jit3A_96 = arith.constant 16 : i32
    %div3A_97 = vector.broadcast %jit3A_96 : i32 to vector<4000x128xi32>
    %div3A_98 = arith.divsi %iota3A, %div3A_97 : vector<4000x128xi32>
    %sign3A = arith.constant 0 : i32
    %sign3A_99 = vector.broadcast %sign3A : i32 to vector<4000x128xi32>
    %sign3A_100 = arith.cmpi sgt, %iota3A, %sign3A_99 : vector<4000x128xi32>
    %sign3A_101 = arith.extui %sign3A_100 : vector<4000x128xi1> to vector<4000x128xi32>
    %sign3A_102 = arith.constant 0 : i32
    %sign3A_103 = vector.broadcast %sign3A_102 : i32 to vector<4000x128xi32>
    %sign3A_104 = arith.cmpi slt, %iota3A, %sign3A_103 : vector<4000x128xi32>
    %sign3A_105 = arith.extui %sign3A_104 : vector<4000x128xi1> to vector<4000x128xi32>
    %sign3A_106 = arith.subi %sign3A_101, %sign3A_105 : vector<4000x128xi32>
    %sign3A_107 = arith.constant 0 : i32
    %sign3A_108 = arith.cmpi sgt, %jit3A_96, %sign3A_107 : i32
    %sign3A_109 = arith.extui %sign3A_108 : i1 to i32
    %sign3A_110 = arith.constant 0 : i32
    %sign3A_111 = arith.cmpi slt, %jit3A_96, %sign3A_110 : i32
    %sign3A_112 = arith.extui %sign3A_111 : i1 to i32
    %sign3A_113 = arith.subi %sign3A_109, %sign3A_112 : i32
    %ne3A_114 = vector.broadcast %sign3A_113 : i32 to vector<4000x128xi32>
    %ne3A_115 = arith.cmpi ne, %sign3A_106, %ne3A_114 : vector<4000x128xi32>
    %rem3A_116 = vector.broadcast %jit3A_96 : i32 to vector<4000x128xi32>
    %rem3A_117 = arith.remsi %iota3A, %rem3A_116 : vector<4000x128xi32>
    %ne3A_118 = arith.constant 0 : i32
    %ne3A_119 = vector.broadcast %ne3A_118 : i32 to vector<4000x128xi32>
    %ne3A_120 = arith.cmpi ne, %rem3A_117, %ne3A_119 : vector<4000x128xi32>
    %and3A_121 = arith.andi %ne3A_115, %ne3A_120 : vector<4000x128xi1>
    %sub3A_122 = arith.constant 1 : i32
    %sub3A_123 = vector.broadcast %sub3A_122 : i32 to vector<4000x128xi32>
    %sub3A_124 = arith.subi %div3A_98, %sub3A_123 : vector<4000x128xi32>
    %select_n3A_125 = arith.select %and3A_121, %sub3A_124, %div3A_98 : vector<4000x128xi1>, vector<4000x128xi32>
    %eq3A_126 = vector.broadcast %reshape3A : vector<4000x1xi32> to vector<4000x128xi32>
    %eq3A_127 = arith.cmpi eq, %select_n3A_125, %eq3A_126 : vector<4000x128xi32>
    %jit3A_128 = arith.constant 0.000000e+00 : f32
    %broadcast_in_dim3A_129 = vector.broadcast %jit3A_128 : f32 to vector<4000x128xf32>
    %select_n3A_130 = arith.select %eq3A_127, %dot_general3A_95, %broadcast_in_dim3A_129 : vector<4000x128xi1>, vector<4000x128xf32>
    %swap3A_131 = arith.constant 0 : index
    %swap3A_132 = arith.constant 0 : index
    %swap3A_133 = vector.load %arg16[%swap3A_131, %swap3A_132] : memref<4000x128xf32, #tpu.memory_space<vmem>>, vector<4000x128xf32>
    tpu.vector_store %arg16[%swap3A_131, %swap3A_132], %select_n3A_130 {strides = array<i32>} : memref<4000x128xf32, #tpu.memory_space<vmem>>, vector<4000x128xf32>,
    return
  }
  func.func @transform_0(%arg0: i32) -> (i32, i32) {
    %c0_i32 = arith.constant 0 : i32
    %c0_i32_0 = arith.constant 0 : i32
    return %arg0, %c0_i32 : i32, i32
  }
  func.func @transform_1(%arg0: i32) -> (i32, i32) {
    %c0_i32 = arith.constant 0 : i32
    %c0_i32_0 = arith.constant 0 : i32
    return %arg0, %c0_i32 : i32, i32
  }
  func.func @transform_2(%arg0: i32) -> (i32, i32) {
    %c0_i32 = arith.constant 0 : i32
    %c0_i32_0 = arith.constant 0 : i32
    return %arg0, %c0_i32 : i32, i32
  }
  func.func @transform_3(%arg0: i32) -> (i32, i32) {
    %c0_i32 = arith.constant 0 : i32
    %c0_i32_0 = arith.constant 0 : i32
    return %arg0, %c0_i32 : i32, i32
  }
  func.func @transform_4(%arg0: i32) -> (i32, i32, i32) {
    %c0_i32 = arith.constant 0 : i32
    %c0_i32_0 = arith.constant 0 : i32
    %c0_i32_1 = arith.constant 0 : i32
    return %arg0, %c0_i32, %c0_i32_0 : i32, i32, i32
  }
  func.func @transform_5(%arg0: i32) -> (i32, i32) {
    %c0_i32 = arith.constant 0 : i32
    %c0_i32_0 = arith.constant 0 : i32
    %c0_i32_1 = arith.constant 0 : i32
    return %c0_i32, %c0_i32_0 : i32, i32
  }
  func.func @transform_6(%arg0: i32) -> (i32, i32) {
    %c0_i32 = arith.constant 0 : i32
    %c0_i32_0 = arith.constant 0 : i32
    %c0_i32_1 = arith.constant 0 : i32
    return %c0_i32, %c0_i32_0 : i32, i32
  }
  func.func @transform_7(%arg0: i32) -> (i32, i32) {
    %c0_i32 = arith.constant 0 : i32
    %c0_i32_0 = arith.constant 0 : i32
    %c0_i32_1 = arith.constant 0 : i32
    return %c0_i32, %c0_i32_0 : i32, i32
  }
  func.func @transform_8(%arg0: i32) -> (i32, i32) {
    %c0_i32 = arith.constant 0 : i32
    %c0_i32_0 = arith.constant 0 : i32
    %c0_i32_1 = arith.constant 0 : i32
    return %c0_i32, %c0_i32_0 : i32, i32
  }
  func.func @transform_9(%arg0: i32) -> (i32, i32) {
    %c0_i32 = arith.constant 0 : i32
    %c0_i32_0 = arith.constant 0 : i32
    %c0_i32_1 = arith.constant 0 : i32
    return %c0_i32, %c0_i32_0 : i32, i32
  }
  func.func @transform_10(%arg0: i32) -> (i32, i32) {
    %c0_i32 = arith.constant 0 : i32
    %c0_i32_0 = arith.constant 0 : i32
    %c0_i32_1 = arith.constant 0 : i32
    return %c0_i32, %c0_i32_0 : i32, i32
  }
  func.func @transform_11(%arg0: i32) -> (i32, i32) {
    %c0_i32 = arith.constant 0 : i32
    %c0_i32_0 = arith.constant 0 : i32
    %c0_i32_1 = arith.constant 0 : i32
    return %c0_i32, %c0_i32_0 : i32, i32
  }
  func.func @transform_12(%arg0: i32) -> (i32, i32) {
    %c0_i32 = arith.constant 0 : i32
    %c0_i32_0 = arith.constant 0 : i32
    %c0_i32_1 = arith.constant 0 : i32
    return %c0_i32, %c0_i32_0 : i32, i32
  }
  func.func @transform_13(%arg0: i32) -> (i32, i32) {
    %c0_i32 = arith.constant 0 : i32
    %c0_i32_0 = arith.constant 0 : i32
    %c0_i32_1 = arith.constant 0 : i32
    return %c0_i32, %c0_i32_0 : i32, i32
  }
  func.func @transform_14(%arg0: i32) -> (i32, i32) {
    %c0_i32 = arith.constant 0 : i32
    %c0_i32_0 = arith.constant 0 : i32
    return %arg0, %c0_i32 : i32, i32
  }
  func.func @transform_15(%arg0: i32) -> (i32, i32) {
    %c0_i32 = arith.constant 0 : i32
    %c0_i32_0 = arith.constant 0 : i32
    return %arg0, %c0_i32 : i32, i32
  }
}

module attributes {stable_mosaic.version = 14 : i64} {
  func.func @_final_body(%arg0: i32, %arg1: memref<2000x128xf32, #tpu.memory_space<vmem>>, %arg2: memref<2x2000x128xf32, #tpu.memory_space<vmem>>, %arg3: memref<2x2000x16xf32, #tpu.memory_space<vmem>>, %arg4: memref<512x128xf32, #tpu.memory_space<vmem>>, %arg5: memref<1x512xf32, #tpu.memory_space<vmem>>, %arg6: memref<128x512xf32, #tpu.memory_space<vmem>>, %arg7: memref<1x128xf32, #tpu.memory_space<vmem>>, %arg8: memref<1x128xf32, #tpu.memory_space<vmem>>, %arg9: memref<1x128xf32, #tpu.memory_space<vmem>>, %arg10: memref<16x128xf32, #tpu.memory_space<vmem>>, %arg11: memref<2000x128xf32, #tpu.memory_space<vmem>>) attributes {dimension_semantics = [#tpu.dimension_semantics<arbitrary>], iteration_bounds = array<i64: 5>, scalar_prefetch = 0 : i64, scratch_operands = 0 : i64, tpu.core_type = #tpu.core_type<tc>, window_params = [{transform_indices = @transform_0, window_bounds = array<i64: 2000, 128>}, {transform_indices = @transform_1, window_bounds = array<i64: 2, 2000, 128>}, {transform_indices = @transform_2, window_bounds = array<i64: 2, 2000, 16>}, {pipeline_mode = #tpu.pipeline_mode<synchronous>, transform_indices = @transform_3, window_bounds = array<i64: 512, 128>}, {pipeline_mode = #tpu.pipeline_mode<synchronous>, transform_indices = @transform_4, window_bounds = array<i64: 1, 512>}, {pipeline_mode = #tpu.pipeline_mode<synchronous>, transform_indices = @transform_5, window_bounds = array<i64: 128, 512>}, {pipeline_mode = #tpu.pipeline_mode<synchronous>, transform_indices = @transform_6, window_bounds = array<i64: 1, 128>}, {pipeline_mode = #tpu.pipeline_mode<synchronous>, transform_indices = @transform_7, window_bounds = array<i64: 1, 128>}, {pipeline_mode = #tpu.pipeline_mode<synchronous>, transform_indices = @transform_8, window_bounds = array<i64: 1, 128>}, {pipeline_mode = #tpu.pipeline_mode<synchronous>, transform_indices = @transform_9, window_bounds = array<i64: 16, 128>}, {transform_indices = @transform_10, window_bounds = array<i64: 2000, 128>}]} {
    %get3A = arith.constant 0 : index
    %get3A_0 = arith.constant 0 : index
    %get3A_1 = arith.constant 0 : index
    %get3A_2 = vector.load %arg2[%get3A, %get3A_0, %get3A_1] : memref<2x2000x128xf32, #tpu.memory_space<vmem>>, vector<1x2000x128xf32>
    %get3A_3 = vector.shape_cast %get3A_2 : vector<1x2000x128xf32> to vector<2000x128xf32>
    %get3A_4 = arith.constant 1 : index
    %get3A_5 = arith.constant 0 : index
    %get3A_6 = arith.constant 0 : index
    %get3A_7 = vector.load %arg2[%get3A_4, %get3A_5, %get3A_6] : memref<2x2000x128xf32, #tpu.memory_space<vmem>>, vector<1x2000x128xf32>
    %get3A_8 = vector.shape_cast %get3A_7 : vector<1x2000x128xf32> to vector<2000x128xf32>
    %add3A = arith.addf %get3A_3, %get3A_8 : vector<2000x128xf32>
    %get3A_9 = arith.constant 0 : index
    %get3A_10 = arith.constant 0 : index
    %get3A_11 = arith.constant 0 : index
    %get3A_12 = vector.load %arg3[%get3A_9, %get3A_10, %get3A_11] : memref<2x2000x16xf32, #tpu.memory_space<vmem>>, vector<1x2000x16xf32>
    %get3A_13 = vector.shape_cast %get3A_12 : vector<1x2000x16xf32> to vector<2000x16xf32>
    %get3A_14 = arith.constant 1 : index
    %get3A_15 = arith.constant 0 : index
    %get3A_16 = arith.constant 0 : index
    %get3A_17 = vector.load %arg3[%get3A_14, %get3A_15, %get3A_16] : memref<2x2000x16xf32, #tpu.memory_space<vmem>>, vector<1x2000x16xf32>
    %get3A_18 = vector.shape_cast %get3A_17 : vector<1x2000x16xf32> to vector<2000x16xf32>
    %add3A_19 = arith.addf %get3A_13, %get3A_18 : vector<2000x16xf32>
    %get3A_20 = arith.constant 0 : index
    %get3A_21 = arith.constant 0 : index
    %get3A_22 = vector.load %arg10[%get3A_20, %get3A_21] : memref<16x128xf32, #tpu.memory_space<vmem>>, vector<16x128xf32>
    %dot_general3A = arith.constant dense<0.000000e+00> : vector<2000x128xf32>
    %dot_general3A_23 = tpu.matmul %add3A_19, %get3A_22, %dot_general3A {dimension_numbers = #tpu.dot_dimension_numbers<[1], [0], [0], [1], [0, 0, 1, 1], [], []>, transpose_lhs_hint = false} : vector<2000x16xf32>, vector<16x128xf32>, vector<2000x128xf32> -> vector<2000x128xf32>
    %get3A_24 = arith.constant 0 : index
    %get3A_25 = arith.constant 0 : index
    %get3A_26 = vector.load %arg1[%get3A_24, %get3A_25] : memref<2000x128xf32, #tpu.memory_space<vmem>>, vector<2000x128xf32>
    %add3A_27 = arith.constant 1.000000e-16 : f32
    %add3A_28 = vector.broadcast %add3A_27 : f32 to vector<2000x128xf32>
    %add3A_29 = arith.addf %dot_general3A_23, %add3A_28 : vector<2000x128xf32>
    %div3A = arith.divf %add3A, %add3A_29 : vector<2000x128xf32>
    %add3A_30 = arith.addf %get3A_26, %div3A : vector<2000x128xf32>
    %get3A_31 = arith.constant 0 : index
    %get3A_32 = arith.constant 0 : index
    %get3A_33 = vector.load %arg8[%get3A_31, %get3A_32] : memref<1x128xf32, #tpu.memory_space<vmem>>, vector<1x128xf32>
    %get3A_34 = arith.constant 0 : index
    %get3A_35 = arith.constant 0 : index
    %get3A_36 = vector.load %arg9[%get3A_34, %get3A_35] : memref<1x128xf32, #tpu.memory_space<vmem>>, vector<1x128xf32>
    %reduce_sum3A = arith.constant dense<0.000000e+00> : vector<2000xf32>
    %reduce_sum3A_37 = vector.multi_reduction <add>, %add3A_30, %reduce_sum3A [1] : vector<2000x128xf32> to vector<2000xf32>
    %broadcast_in_dim3A = vector.shape_cast %reduce_sum3A_37 : vector<2000xf32> to vector<2000x1xf32>
    %div3A_38 = arith.constant 1.280000e+02 : f32
    %div3A_39 = vector.broadcast %div3A_38 : f32 to vector<2000x1xf32>
    %div3A_40 = arith.divf %broadcast_in_dim3A, %div3A_39 : vector<2000x1xf32>
    %sub3A = vector.broadcast %div3A_40 : vector<2000x1xf32> to vector<2000x128xf32>
    %sub3A_41 = arith.subf %add3A_30, %sub3A : vector<2000x128xf32>
    %integer_pow3A = arith.mulf %sub3A_41, %sub3A_41 : vector<2000x128xf32>
    %reduce_sum3A_42 = arith.constant dense<0.000000e+00> : vector<2000xf32>
    %reduce_sum3A_43 = vector.multi_reduction <add>, %integer_pow3A, %reduce_sum3A_42 [1] : vector<2000x128xf32> to vector<2000xf32>
    %broadcast_in_dim3A_44 = vector.shape_cast %reduce_sum3A_43 : vector<2000xf32> to vector<2000x1xf32>
    %div3A_45 = arith.constant 1.280000e+02 : f32
    %div3A_46 = vector.broadcast %div3A_45 : f32 to vector<2000x1xf32>
    %div3A_47 = arith.divf %broadcast_in_dim3A_44, %div3A_46 : vector<2000x1xf32>
    %sub3A_48 = vector.broadcast %div3A_40 : vector<2000x1xf32> to vector<2000x128xf32>
    %sub3A_49 = arith.subf %add3A_30, %sub3A_48 : vector<2000x128xf32>
    %add3A_50 = arith.constant 9.99999974E-6 : f32
    %add3A_51 = vector.broadcast %add3A_50 : f32 to vector<2000x1xf32>
    %add3A_52 = arith.addf %div3A_47, %add3A_51 : vector<2000x1xf32>
    %sqrt3A = math.sqrt %add3A_52 : vector<2000x1xf32>
    %div3A_53 = vector.broadcast %sqrt3A : vector<2000x1xf32> to vector<2000x128xf32>
    %div3A_54 = arith.divf %sub3A_49, %div3A_53 : vector<2000x128xf32>
    %mul3A = vector.broadcast %get3A_33 : vector<1x128xf32> to vector<2000x128xf32>
    %mul3A_55 = arith.mulf %div3A_54, %mul3A : vector<2000x128xf32>
    %add3A_56 = vector.broadcast %get3A_36 : vector<1x128xf32> to vector<2000x128xf32>
    %add3A_57 = arith.addf %mul3A_55, %add3A_56 : vector<2000x128xf32>
    %get3A_58 = arith.constant 0 : index
    %get3A_59 = arith.constant 0 : index
    %get3A_60 = vector.load %arg4[%get3A_58, %get3A_59] : memref<512x128xf32, #tpu.memory_space<vmem>>, vector<512x128xf32>
    %dot_general3A_61 = arith.constant dense<0.000000e+00> : vector<2000x512xf32>
    %dot_general3A_62 = tpu.matmul %add3A_57, %get3A_60, %dot_general3A_61 {dimension_numbers = #tpu.dot_dimension_numbers<[1], [1], [0], [0], [0, 0, 1, 0], [], []>, transpose_lhs_hint = false} : vector<2000x128xf32>, vector<512x128xf32>, vector<2000x512xf32> -> vector<2000x512xf32>
    %get3A_63 = arith.constant 0 : index
    %get3A_64 = arith.constant 0 : index
    %get3A_65 = vector.load %arg5[%get3A_63, %get3A_64] : memref<1x512xf32, #tpu.memory_space<vmem>>, vector<1x512xf32>
    %add3A_66 = vector.broadcast %get3A_65 : vector<1x512xf32> to vector<2000x512xf32>
    %add3A_67 = arith.addf %dot_general3A_62, %add3A_66 : vector<2000x512xf32>
    %max3A = arith.constant 0.000000e+00 : f32
    %max3A_68 = vector.broadcast %max3A : f32 to vector<2000x512xf32>
    %max3A_69 = arith.maximumf %add3A_67, %max3A_68 : vector<2000x512xf32>
    %get3A_70 = arith.constant 0 : index
    %get3A_71 = arith.constant 0 : index
    %get3A_72 = vector.load %arg6[%get3A_70, %get3A_71] : memref<128x512xf32, #tpu.memory_space<vmem>>, vector<128x512xf32>
    %dot_general3A_73 = arith.constant dense<0.000000e+00> : vector<2000x128xf32>
    %dot_general3A_74 = tpu.matmul %max3A_69, %get3A_72, %dot_general3A_73 {dimension_numbers = #tpu.dot_dimension_numbers<[1], [1], [0], [0], [0, 0, 1, 0], [], []>, transpose_lhs_hint = false} : vector<2000x512xf32>, vector<128x512xf32>, vector<2000x128xf32> -> vector<2000x128xf32>
    %add3A_75 = arith.addf %add3A_30, %dot_general3A_74 : vector<2000x128xf32>
    %get3A_76 = arith.constant 0 : index
    %get3A_77 = arith.constant 0 : index
    %get3A_78 = vector.load %arg7[%get3A_76, %get3A_77] : memref<1x128xf32, #tpu.memory_space<vmem>>, vector<1x128xf32>
    %add3A_79 = vector.broadcast %get3A_78 : vector<1x128xf32> to vector<2000x128xf32>
    %add3A_80 = arith.addf %add3A_75, %add3A_79 : vector<2000x128xf32>
    %swap3A = arith.constant 0 : index
    %swap3A_81 = arith.constant 0 : index
    %swap3A_82 = vector.load %arg11[%swap3A, %swap3A_81] : memref<2000x128xf32, #tpu.memory_space<vmem>>, vector<2000x128xf32>
    tpu.vector_store %arg11[%swap3A, %swap3A_81], %add3A_80 {strides = array<i32>} : memref<2000x128xf32, #tpu.memory_space<vmem>>, vector<2000x128xf32>,
    return
  }
  func.func @transform_0(%arg0: i32) -> (i32, i32) {
    %c0_i32 = arith.constant 0 : i32
    %c0_i32_0 = arith.constant 0 : i32
    return %arg0, %c0_i32 : i32, i32
  }
  func.func @transform_1(%arg0: i32) -> (i32, i32, i32) {
    %c0_i32 = arith.constant 0 : i32
    %c0_i32_0 = arith.constant 0 : i32
    %c0_i32_1 = arith.constant 0 : i32
    return %c0_i32, %arg0, %c0_i32_0 : i32, i32, i32
  }
  func.func @transform_2(%arg0: i32) -> (i32, i32, i32) {
    %c0_i32 = arith.constant 0 : i32
    %c0_i32_0 = arith.constant 0 : i32
    %c0_i32_1 = arith.constant 0 : i32
    return %c0_i32, %arg0, %c0_i32_0 : i32, i32, i32
  }
  func.func @transform_3(%arg0: i32) -> (i32, i32) {
    %c0_i32 = arith.constant 0 : i32
    %c0_i32_0 = arith.constant 0 : i32
    %c0_i32_1 = arith.constant 0 : i32
    return %c0_i32, %c0_i32_0 : i32, i32
  }
  func.func @transform_4(%arg0: i32) -> (i32, i32) {
    %c0_i32 = arith.constant 0 : i32
    %c0_i32_0 = arith.constant 0 : i32
    %c0_i32_1 = arith.constant 0 : i32
    return %c0_i32, %c0_i32_0 : i32, i32
  }
  func.func @transform_5(%arg0: i32) -> (i32, i32) {
    %c0_i32 = arith.constant 0 : i32
    %c0_i32_0 = arith.constant 0 : i32
    %c0_i32_1 = arith.constant 0 : i32
    return %c0_i32, %c0_i32_0 : i32, i32
  }
  func.func @transform_6(%arg0: i32) -> (i32, i32) {
    %c0_i32 = arith.constant 0 : i32
    %c0_i32_0 = arith.constant 0 : i32
    %c0_i32_1 = arith.constant 0 : i32
    return %c0_i32, %c0_i32_0 : i32, i32
  }
  func.func @transform_7(%arg0: i32) -> (i32, i32) {
    %c0_i32 = arith.constant 0 : i32
    %c0_i32_0 = arith.constant 0 : i32
    %c0_i32_1 = arith.constant 0 : i32
    return %c0_i32, %c0_i32_0 : i32, i32
  }
  func.func @transform_8(%arg0: i32) -> (i32, i32) {
    %c0_i32 = arith.constant 0 : i32
    %c0_i32_0 = arith.constant 0 : i32
    %c0_i32_1 = arith.constant 0 : i32
    return %c0_i32, %c0_i32_0 : i32, i32
  }
  func.func @transform_9(%arg0: i32) -> (i32, i32) {
    %c0_i32 = arith.constant 0 : i32
    %c0_i32_0 = arith.constant 0 : i32
    %c0_i32_1 = arith.constant 0 : i32
    return %c0_i32, %c0_i32_0 : i32, i32
  }
  func.func @transform_10(%arg0: i32) -> (i32, i32) {
    %c0_i32 = arith.constant 0 : i32
    %c0_i32_0 = arith.constant 0 : i32
    return %arg0, %c0_i32 : i32, i32
  }
}

</mosaic_0001>

<sc_bundles>
// kernel: kernel.10.cloned.1.call-start
scs
__scs_entry_jumppad:
0x0: {  	(pc) =	sbr.rel $0x88, $3  }
0x1: {  	(tag) =	ssettag $0x0;
	lr =	simm.s32 $0x1  }
0x2: {  	[smem:$0x3F8A] =	sst lr;
	_ =	strace $0xD0000000  }
0x3: {  	_ = 	snop  }
0x4: {  	_ = 	snop  }
0x5: {  	_ = 	snop  }
0x6: {  	_ = 	snop  }
0x7: {  	_ = 	snop  }
__scs_overlays_trampoline_lowered:
0x8: {  	[smem:$0x3F99] =	sst s0  }
0x9: {  	[smem:$0x3F9A] =	sst s1  }
0xa: {  	[smem:$0x3F9B] =	sst s2  }
0xb: {  	[smem:$0x3F9C] =	sst s3  }
0xc: {  	[smem:$0x3F9D] =	sst s4  }
0xd: {  	[smem:$0x3F9E] =	sst s5  }
0xe: {  	[smem:$0x3F9F] =	sst s6  }
0xf: {  	[smem:$0x3FA0] =	sst s7  }
0x10: {  	[smem:$0x3FA1] =	sst s8  }
0x11: {  	[smem:$0x3FA2] =	sst s9;
	s0 =	simm.s32 @!p0 $0x0  }
0x12: {  	s1 =	sld [smem:$0x3F88];
	s0 =	simm.s32 @p0 $0x1  }
0x13: {  	[smem:$0x3FA3] =	sst s0;
	s0 =	simm.s32 @!p1 $0x0  }
0x14: {  	s2 =	sld [smem:$0x3F87];
	s0 =	simm.s32 @p1 $0x1  }
0x15: {  	[smem:$0x3FA4] =	sst s0;
	s0 =	simm.s32 @!p2 $0x0  }
0x16: {  	s3 =	sld [smem:$0x3FDB];
	s0 =	simm.s32 @p2 $0x1  }
0x17: {  	s4 =	simm.s32 $0x1BF5;
	[smem:$0x3FA6] =	sst s0  }
0x18: {  	s0 =	sld [smem:$0x3F89];
	_ =	swait.ge [sflag:s4], $0x0  }
0x19: {  	s7 =	sld [smem:$0x3F8A]  }
0x1a: {  	s8 =	sadd.s32 $0xFFFFE003, lr  }
0x1b: {  	s9 =	sadd.s32 $0xFFFFFEF7, lr;
	s5 =	simm.s32 $0xFFFFFFFF;
	p2 =	slt.u32 s8, $0xFFFFF086  }
0x1c: {  	p1 =	slt.u32 s9, $0xF7A;
	s5 =	simm.s32 @!p2 $0x0  }
0x1d: {  	s5 =	simm.s32 @p1 $0x1;
	p0 =	seq.s32 s7, s2  }
0x1e: {  	s7 =	smul.u32 @!p0 $0xF7A, s2;
	p2 =	seq.s32 @!p0 s5, $0x0  }
0x1f: {  	s9 =	smul.u32 $0xF7A, s1;
	s8 =	simm.s32 @!p0 $0x1BF5;
	p2 =	por !p2, p0  }
0x20: {  	[sflag:s8] =	ssyncset.s32 @!p0 $0xFFFFF086;
	s6 =	sadd.s32 @!p0 s3, s7;
	s7 =	simm.s32 @!p0 $0x108  }
0x21: {  	s3 =	sadd.s32 s3, s9;
	s6 =	sadd.s32 @!p0 $0x88, s6;
	s7 =	simm.s32 @p2 $0x1082  }
0x22: {  	[simem:s7], [sflag:s8] =	dma.local @!p0 [hbm:s6], $0xF7A  }
0x23: {  	s9 =	sor.u32 $0xD0000000, s2;
	s6 =	simm.s32 $0x108;
	_ =	swait.ge @!p0 [sflag:s8], $0x0  }
0x24: {  	s3 =	sadd.s32 $0x88, s3;
	s6 =	simm.s32 @!p1 $0x1082;
	[sflag:s4] =	ssyncset.s32 $0xFFFFF086  }
0x25: {  	[simem:s6], [sflag:s4] =	dma.local [hbm:s3], $0xF7A  }
0x26: {  	[smem:$0x3F8A] =	sst s1;
	(tag) =	ssettag s2;
	_ =	strace s9  }
0x27: {  	s1 =	sld [smem:$0x3F9A]  }
0x28: {  	s2 =	sld [smem:$0x3F9B]  }
0x29: {  	s4 =	sld [smem:$0x3F9D]  }
0x2a: {  	p0 =	seq.s32 s5, $0x0;
	s5 =	sld [smem:$0x3F9E]  }
0x2b: {  	s6 =	sld [smem:$0x3F9F]  }
0x2c: {  	s7 =	sld [smem:$0x3FA0]  }
0x2d: {  	s3 =	simm.s32 $0x108;
	s8 =	sld [smem:$0x3FA1]  }
0x2e: {  	s3 =	simm.s32 @!p0 $0x1082;
	s9 =	sld [smem:$0x3FA2]  }
0x2f: {  	lr =	sadd.s32 s0, s3;
	s0 =	sld [smem:$0x3F99]  }
0x30: {  	s3 =	sld [smem:$0x3F9C]  }
0x31: {  	[smem:$0x3FA5] =	sst s10  }
0x32: {  	s10 =	sld [smem:$0x3FA3];
	_ =	sdelay $0x3  }
0x33: {  	p0 =	seq.s32 s10, $0x1;
	s10 =	sld [smem:$0x3FA5];
	_ =	sdelay $0x3  }
0x34: {  	[smem:$0x3FA5] =	sst s10  }
0x35: {  	s10 =	sld [smem:$0x3FA4];
	_ =	sdelay $0x3  }
0x36: {  	p1 =	seq.s32 s10, $0x1;
	s10 =	sld [smem:$0x3FA5];
	_ =	sdelay $0x3  }
0x37: {  	[smem:$0x3FA5] =	sst s10  }
0x38: {  	s10 =	sld [smem:$0x3FA6]  }
0x39: {  	_ = 	snop;
	(pc) =	sbr.ind lr, $3  }
0x3a: {  	_ = 	snop  }
0x3b: {  	_ = 	snop  }
0x3c: {  	p2 =	seq.s32 s10, $0x1;
	s10 =	sld [smem:$0x3FA5]  }
0x3d: {  	_ =	shalt  }
0x3e: {  	_ =	shalt  }
0x3f: {  	_ =	shalt  }
0x40: {  	_ =	shalt  }
0x41: {  	_ =	shalt  }
0x42: {  	_ =	shalt  }
0x43: {  	_ =	shalt  }
0x44: {  	_ =	shalt  }
0x45: {  	_ =	shalt  }
0x46: {  	_ =	shalt  }
0x47: {  	_ =	shalt  }
0x48: {  	_ =	shalt  }
0x49: {  	_ =	shalt  }
0x4a: {  	_ =	shalt  }
0x4b: {  	_ =	shalt  }
0x4c: {  	_ =	shalt  }
0x4d: {  	_ =	shalt  }
0x4e: {  	_ =	shalt  }
0x4f: {  	_ =	shalt  }
0x50: {  	_ =	shalt  }
0x51: {  	_ =	shalt  }
0x52: {  	_ =	shalt  }
0x53: {  	_ =	shalt  }
0x54: {  	_ =	shalt  }
0x55: {  	_ =	shalt  }
0x56: {  	_ =	shalt  }
0x57: {  	_ =	shalt  }
0x58: {  	_ =	shalt  }
0x59: {  	_ =	shalt  }
0x5a: {  	_ =	shalt  }
0x5b: {  	_ =	shalt  }
0x5c: {  	_ =	shalt  }
0x5d: {  	_ =	shalt  }
0x5e: {  	_ =	shalt  }
0x5f: {  	_ =	shalt  }
0x60: {  	_ =	shalt  }
0x61: {  	_ =	shalt  }
0x62: {  	_ =	shalt  }
0x63: {  	_ =	shalt  }
0x64: {  	_ =	shalt  }
0x65: {  	_ =	shalt  }
0x66: {  	_ =	shalt  }
0x67: {  	_ =	shalt  }
0x68: {  	_ =	shalt  }
0x69: {  	_ =	shalt  }
0x6a: {  	_ =	shalt  }
0x6b: {  	_ =	shalt  }
0x6c: {  	_ =	shalt  }
0x6d: {  	_ =	shalt  }
0x6e: {  	_ =	shalt  }
0x6f: {  	_ =	shalt  }
0x70: {  	_ =	shalt  }
0x71: {  	_ =	shalt  }
0x72: {  	_ =	shalt  }
0x73: {  	_ =	shalt  }
0x74: {  	_ =	shalt  }
0x75: {  	_ =	shalt  }
0x76: {  	_ =	shalt  }
0x77: {  	_ =	shalt  }
0x78: {  	_ =	shalt  }
0x79: {  	_ =	shalt  }
0x7a: {  	_ =	shalt  }
0x7b: {  	_ =	shalt  }
0x7c: {  	_ =	shalt  }
0x7d: {  	_ =	shalt  }
0x7e: {  	_ =	shalt  }
0x7f: {  	_ =	shalt  }
0x80: {  	_ =	shalt  }
0x81: {  	_ =	shalt  }
0x82: {  	_ =	shalt  }
0x83: {  	_ =	shalt  }
0x84: {  	_ =	shalt  }
0x85: {  	_ =	shalt  }
0x86: {  	_ =	shalt  }
0x87: {  	_ =	shalt  }
.Lfunc_end0:
.L_simem_size_0:
called_computation.1_lowered:
.L_overlay_start_0:
0x88: {  	s2 =	sld [smem:$0x3FD9]  }
0x89: {  	s3 =	sld [smem:$0x3FFE];
	_ =	sdelay $0x1  }
0x8a: {  	s1 =	srdreg.scid  }
0x8b: {  	s0 =	sand.u32 $0x1, s1  }
0x8c: {  	s16 =	sshll.u32 s0, $0xA;
	s2 =	sadd.s32 s3, s2  }
0x8d: {  	s2 =	sadd.s32 s2, s16  }
0x8e: {  	[smem:$0x3FB1] =	sst s2  }
0x8f: {  	_ = 	snop  }
0x90: {  	(tm) =	ssettm $0x1  }
0x91: {  	s17 =	sld [smem:$0x3FFB];
	_ =	sdelay $0x3  }
0x92: {  	_ =	strace s17  }
0x93: {  	s2 =	sld [smem:$0x3FFC];
	_ =	sdelay $0x3  }
0x94: {  	_ =	strace s2  }
0x95: {  	s2 =	sld [smem:$0x3FFD];
	_ =	sdelay $0x3  }
0x96: {  	_ =	strace s2  }
0x97: {  	_ =	strace $0x8FFFFFFF  }
0x98: {  	s18 =	sld [smem:$0x3FDB];
	_ =	sdelay $0x1  }
0x99: {  	s19 =	simm.s32 $_scs_section_size  }
0x9a: {  	s4 =	simm.s32 $_size__tile_overlayer_lowered;
	s5 =	simm.s32 $_tile_overlayer_lowered  }
0x9b: {  	s22 =	simm.s32 $0x1BFF;
	s21 =	sshll.u32 s5, $0x1;
	s2 =	sadd.s32 s19, s18  }
0x9c: {  	s6 =	simm.s32 $0x0;
	s20 =	sshll.u32 s4, $0x1;
	s4 =	sadd.s32 s21, s2  }
0x9d: {  	[timem:s6], [sflag:s22] =	dma.local [hbm:s4], s20  }
0x9e: {  	_ =	swait.ge [sflag:s22], s20  }
0x9f: {  	s3 =	ssub.s32 $0x0, s20;
	[sflag:s22] =	ssyncset.done $0x0  }
0xa0: {  	[sflag:s22] =	ssyncadd.s32 s3;
	_ =	sdelay $0x1  }
0xa1: {  	s23 =	simm.s32 $0x1B8B  }
0xa2: {  	_ =	swait.ge [sflag:s23], $0x1  }
0xa3: {  	[sflag:s23] =	ssyncset.done $0x0  }
0xa4: {  	s25 =	simm.s32 $0x1B8E;
	s24 =	sld [smem:$0x3FFE];
	[sflag:s23] =	ssyncadd.s32 $0xFFFFFFFF  }
0xa5: {  	s26 =	simm.s32 $execute0_lowered;
	[smem:$0x3FD2] =	sst s25  }
0xa6: {  	s4 =	sshll.u32 s26, $0x1;
	_ =	strace $0x80000049;
	[dreg:$0x1] =	wrdreg $0xFFFFFFFF  }
0xa7: {  	s28 =	simm.s32 $_size_execute0_lowered;
	s2 =	sadd.s32 s2, s4;
	[dreg:$0x0] =	wrdreg $0x0  }
0xa8: {  	s4 =	sshll.u32 s28, $0x1;
	[dreg:$0x2] =	wrdreg s2  }
0xa9: {  	[dreg:$0x3] =	wrdreg s4  }
0xaa: {  	[dreg:$0x4] =	wrdreg $0xC0  }
0xab: {  	_ =	task [dreg:s6], $0x5FFFF  }
0xac: {  	[dreg:$0x1] =	wrdreg $0xFFFFFFFF  }
0xad: {  	[dreg:$0x0] =	wrdreg $0x60  }
0xae: {  	[dreg:$0x2] =	wrdreg s24  }
0xaf: {  	[dreg:$0x3] =	wrdreg $0x79000  }
0xb0: {  	[dreg:$0x4] =	wrdreg $0x1B9000  }
0xb1: {  	[dreg:$0x5] =	wrdreg $0x9  }
0xb2: {  	_ =	task.clear_ibuf [dreg:s6], $0x6FFFF;
	_ =	strace $0x90000049  }
0xb3: {  	s29 =	simm.s32 $0x9;
	_ =	strace $0x8000004B  }
0xb4: {  	_ =	swait.ge [sflag:s29], $0x1  }
0xb5: {  	[sflag:s29] =	ssyncadd.s32 $0xFFFFFFFF  }
0xb6: {  	_ =	strace $0x9000004B  }
0xb7: {  	_ =	sfence  }
0xb8: {  	s30 =	sld [smem:$0x0];
	_ =	sdelay $0x2  }
0xb9: {  	s31 =	sshll.u32 s1, $0xD;
	s1 =	sshrl.u32 s1, $0x2  }
0xba: {  	s3 =	sand.u32 $0x4000, s31;
	s1 =	sadd.s32 s1, s30  }
0xbb: {  	s0 =	sor.u32 s3, s0;
	s1 =	sshll.u32 s1, $0x11  }
0xbc: {  	s0 =	sor.u32 s1, s0  }
0xbd: {  	s0 =	sadd.s32 $0x8F2B, s0  }
0xbe: {  	[sflag:s0] =	ssyncadd.remote.s32 $0x1  }
0xbf: {  	_ =	sfence.sel $0xFFFF  }
0xc0: {  	[dreg:$0x0] =	wrdreg $0xFFFFFFFF;
	(pc) =	sbr.abs _section_cstart, $3  }
0xc1: {  	[dreg:$0x1] =	wrdreg $0xFFFFFFFF  }
0xc2: {  	_ =	task.clear_ibuf [dreg:s6], $0x2FFFF;
	_ =	strace $0x9FFFFFFF  }
0xc3: {  	(tm) =	ssettm $0x7FFFFFFF  }
tec
execute0_lowered:
.L_overlay_start_1:
0x0: {  	(tag) =	ssettag $0x1  }
0x1: {  	s0 =	stileid.u32  }
0x2: {  	s1 =	srdreg.scid;
	s4 =	smul.u32 $0x4E200, s0  }
0x3: {  	s3 =	rddreg [dreg:$0x0];
	s7 =	smul.u32 $0x2800, s0  }
0x4: {  	s2 =	rddreg [dreg:$0x2];
	s13 =	smul.u32 $0x280, s0  }
0x5: {  	s10 =	sand.u32 $0x1, s1;
	s6 =	sshll.u32 s0, $0x1;
	s29 =	smul.u32 $0x14000, s0  }
0x6: {  	s5 =	smul.u32 $0x28000, s10;
	s6 =	sor.u32 s10, s6;
	s8 =	ssub.s32 $0x2, s10  }
0x7: {  	s1 =	rddreg [dreg:$0x1];
	s6 =	smul.u32 $0x2710, s6;
	s26 =	sshrl.u32 s8, $0x1  }
0x8: {  	s25 =	sor.u32 $0x50, s13;
	s24 =	sadd.s32 $0xA0, s13;
	s21 =	sadd.s32 $0xF0, s13  }
0x9: {  	s18 =	sadd.s32 $0x140, s13;
	s15 =	sadd.s32 $0x190, s13;
	s14 =	sadd.s32 $0x1E0, s13  }
0xa: {  	s17 =	sadd.s32 $0x230, s13;
	s5 =	sadd.s32 s7, s5;
	s16 =	ssub.s32 s8, s26  }
0xb: {  	s7 =	smul.u32 $0x140000, s10;
	s9 =	sshll.u32 s25, $0x7;
	s11 =	sshll.u32 s24, $0x7  }
0xc: {  	v44 =	vlaneseq.u32;
	s12 =	sshll.u32 s21, $0x7;
	s19 =	sshll.u32 s18, $0x7;
	s30 =	sshll.u32 s15, $0x7  }
0xd: {  	s20 =	sshll.u32 s14, $0x7;
	s31 =	sshll.u32 s17, $0x7;
	v9 =	vor.u32 s24, v44;
	s24 =	sadd.s32 $0x110, s13  }
0xe: {  	v4 =	vor.u32 s25, v44;
	v14 =	vor.u32 s21, v44;
	s21 =	sadd.s32 $0x170, s13;
	s25 =	sadd.s32 $0x1B0, s13;
	v19 =	vor.u32 s18, v44;
	s18 =	sadd.s32 $0x1F0, s13  }
0xf: {  	s6 =	sshrl.u32 s6, $0x3;
	s5 =	sshrl.u32 s5, $0x3;
	v22 =	vor.u32 s21, v44;
	s21 =	sadd.s32 $0x240, s13  }
0x10: {  	v16 =	vor.u32 s24, v44;
	s24 =	sadd.s32 $0x260, s13;
	v31 =	vor.u32 s18, v44;
	s16 =	smax.u32 s16, $0x1;
	s18 =	simm.s32 $0x50  }
0x11: {  	v26 =	vor.u32 s25, v44;
	s25 =	simm.s32 $0x2;
	s8 =	sadd.s32 s29, s7;
	s9 =	sadd.s32 s7, s9  }
0x12: {  	s11 =	sadd.s32 s7, s11;
	s12 =	sadd.s32 s7, s12;
	s22 =	sadd.s32 s7, s19  }
0x13: {  	s23 =	sadd.s32 s7, s30;
	s26 =	sadd.s32 s7, s20;
	s28 =	sadd.s32 s7, s31  }
0x14: {  	s29 =	sadd.s32 s4, s3;
	s20 =	sadd.s32 s6, s3;
	s19 =	sadd.s32 s5, s3  }
0x15: {  	s3 =	sadd.s32 $0x22200, s3;
	s30 =	sor.u32 $0x10, s13;
	s31 =	sor.u32 $0x20, s13  }
0x16: {  	v36 =	vor.u32 s21, v44;
	v38 =	vor.u32 s24, v44;
	s21 =	simm.s32 $0x3;
	s24 =	simm.s32 $0x2780;
	s6 =	sshrl.u32 s8, $0x3  }
0x17: {  	s7 =	sshrl.u32 s9, $0x3;
	s8 =	sshrl.u32 s11, $0x3;
	s9 =	sshrl.u32 s12, $0x3  }
0x18: {  	s11 =	sshrl.u32 s22, $0x3;
	s12 =	sshrl.u32 s23, $0x3;
	s22 =	sshrl.u32 s26, $0x3  }
0x19: {  	s23 =	sshrl.u32 s28, $0x3;
	s26 =	smul.u32 $0x27100, s10;
	s10 =	simm.s32 $0x0  }
0x1a: {  	s28 =	sor.u32 $0x30, s13;
	v0 =	vor.u32 s30, v44;
	s30 =	sor.u32 $0x70, s13;
	v1 =	vor.u32 s31, v44;
	s31 =	sadd.s32 $0x90, s13  }
0x1b: {  	v30 =	vor.u32 s14, v44;
	s14 =	sadd.s32 $0x18200, s19;
	s19 =	simm.s32 $0x2880;
	s4 =	sadd.s32 s3, s6  }
0x1c: {  	s5 =	sadd.s32 s3, s7;
	s6 =	sadd.s32 s3, s8;
	s7 =	sadd.s32 s3, s9  }
0x1d: {  	s8 =	sadd.s32 s3, s11;
	s9 =	sadd.s32 s3, s12;
	s11 =	sadd.s32 s3, s22  }
0x1e: {  	s12 =	sadd.s32 s3, s23;
	[smem:$0x7FF] =	sst s10;
	s22 =	smul.u32 $0x50, s0  }
0x1f: {  	s0 =	sor.u32 $0x40, s13;
	v2 =	vor.u32 s28, v44;
	s28 =	sadd.s32 $0xB0, s13;
	v6 =	vor.u32 s30, v44;
	s30 =	sadd.s32 $0xE0, s13  }
0x20: {  	v8 =	vor.u32 s31, v44;
	s31 =	sadd.s32 $0x100, s13;
	s3 =	sadd.s32 $0x220, s13;
	[dreg:$0x4] =	wrdreg s4  }
0x21: {  	v45 =	vimm.f32 $0.0e+00;
	v27 =	vor.u32 s13, v44;
	v24 =	vor.u32 s15, v44;
	s23 =	sadd.s32 s26, s29;
	s4 =	sor.u32 $0x60, s13;
	s26 =	sadd.s32 $0x80, s13  }
0x22: {  	v3 =	vor.u32 s0, v44;
	s0 =	sadd.s32 $0xC0, s13;
	v10 =	vor.u32 s28, v44;
	s28 =	sadd.s32 $0x150, s13;
	v15 =	vor.u32 s31, v44;
	s31 =	sadd.s32 $0x180, s13  }
0x23: {  	v35 =	vor.u32 s17, v44;
	v13 =	vor.u32 s30, v44;
	s30 =	sadd.s32 $0x1A0, s13;
	_ =	strace $0x8000004A;
	v5 =	vor.u32 s4, v44;
	s4 =	sadd.s32 $0xD0, s13  }
0x24: {  	v7 =	vor.u32 s26, v44;
	s26 =	sadd.s32 $0x120, s13;
	v11 =	vor.u32 s0, v44;
	s0 =	sadd.s32 $0x130, s13;
	v20 =	vor.u32 s28, v44;
	s28 =	sadd.s32 $0x200, s13  }
0x25: {  	v34 =	vor.u32 s3, v44;
	v23 =	vor.u32 s31, v44;
	s31 =	sadd.s32 $0x250, s13;
	v25 =	vor.u32 s30, v44;
	s30 =	sadd.s32 $0x270, s13;
	s15 =	sadd.s32 $0x1415A00, s23  }
0x26: {  	s17 =	sadd.s32 $0xF33A00, s23;
	v40 =	vor.u32 s22, v44;
	s23 =	simm.s32 $0x1;
	v12 =	vor.u32 s4, v44;
	s4 =	sadd.s32 $0x160, s13;
	v17 =	vor.u32 s26, v44  }
0x27: {  	v18 =	vor.u32 s0, v44;
	s26 =	sadd.s32 $0x1C0, s13;
	s0 =	sadd.s32 $0x1D0, s13;
	v32 =	vor.u32 s28, v44;
	s28 =	sadd.s32 $0x30, s22;
	v37 =	vor.u32 s31, v44  }
0x28: {  	v39 =	vor.u32 s30, v44;
	v21 =	vor.u32 s4, v44;
	s4 =	sadd.s32 $0x210, s13;
	s13 =	sadd.s32 $0xE400, s20;
	v28 =	vor.u32 s26, v44;
	s26 =	sadd.s32 $0x10, s22  }
0x29: {  	v29 =	vor.u32 s0, v44;
	s0 =	sadd.s32 $0x20, s22;
	s20 =	simm.s32 $0x2900;
	v43 =	vor.u32 s28, v44;
	v33 =	vor.u32 s4, v44;
	s4 =	sadd.s32 $0x40, s22  }
0x2a: {  	s28 =	simm.s32 $0x0;
	v41 =	vor.u32 s26, v44;
	v42 =	vor.u32 s0, v44;
	s22 =	simm.s32 $0x5100;
	s26 =	simm.s32 $0x2800;
	v44 =	vor.u32 s4, v44  }
.LBB2_1:
0x2b: {  	s29 =	simm.s32 $0x0;
	s30 =	simm.s32 $0x200  }
.LBB2_2:
0x2c: {  	p0 =	sne.s32 s30, $0x9E00;
	[tilespmem:s29+$0x5170] =	vst v45  }
0x2d: {  	[tilespmem:s29+$0x2900] =	vst v45  }
0x2e: {  	[tilespmem:s29+$0x5100] =	vst v45  }
0x2f: {  	[tilespmem:s29+$0x2910] =	vst v45  }
0x30: {  	[tilespmem:s29+$0x5110] =	vst v45  }
0x31: {  	[tilespmem:s29+$0x2920] =	vst v45  }
0x32: {  	[tilespmem:s29+$0x5120] =	vst v45  }
0x33: {  	[tilespmem:s29+$0x2930] =	vst v45  }
0x34: {  	[tilespmem:s29+$0x5130] =	vst v45  }
0x35: {  	[tilespmem:s29+$0x2940] =	vst v45  }
0x36: {  	[tilespmem:s29+$0x5140] =	vst v45  }
.Ltmp0:
0x37: {  	[tilespmem:s29+$0x2950] =	vst v45;
	(pc) =	sbr.rel @p0 .LBB2_2-.Ltmp0, $4  }
0x38: {  	[tilespmem:s29+$0x5150] =	vst v45  }
0x39: {  	[tilespmem:s29+$0x2960] =	vst v45  }
0x3a: {  	[tilespmem:s29+$0x5160] =	vst v45  }
0x3b: {  	[tilespmem:s29+$0x2970] =	vst v45;
	s29 =	sshra.s32 s30, $0x2;
	s30 =	sadd.s32 $0x200, s30  }
0x3c: {  	[tilespmem:s29+$0x5170] =	vst v45  }
0x3d: {  	[tilespmem:s29+$0x2900] =	vst v45  }
0x3e: {  	[tilespmem:s29+$0x5100] =	vst v45  }
0x3f: {  	[tilespmem:s29+$0x2910] =	vst v45  }
0x40: {  	[tilespmem:s29+$0x5110] =	vst v45  }
0x41: {  	[tilespmem:s29+$0x2920] =	vst v45  }
0x42: {  	[tilespmem:s29+$0x5120] =	vst v45  }
0x43: {  	[tilespmem:s29+$0x2930] =	vst v45  }
0x44: {  	[tilespmem:s29+$0x5130] =	vst v45  }
0x45: {  	[tilespmem:s29+$0x2940] =	vst v45  }
0x46: {  	[tilespmem:s29+$0x5140] =	vst v45  }
0x47: {  	[tilespmem:s29+$0x2950] =	vst v45  }
0x48: {  	[tilespmem:s29+$0x5150] =	vst v45  }
0x49: {  	[tilespmem:s29+$0x2960] =	vst v45  }
0x4a: {  	[tilespmem:s29+$0x5160] =	vst v45  }
0x4b: {  	[tilespmem:s29+$0x2970] =	vst v45  }
0x4c: {  	[tilespmem:$0x2880] =	vst v27  }
0x4d: {  	[tilespmem:$0x2890] =	vst v0  }
0x4e: {  	[tilespmem:$0x28A0] =	vst v1  }
0x4f: {  	[tilespmem:$0x28B0] =	vst v2  }
0x50: {  	[tilespmem:$0x28C0] =	vst v3  }
0x51: {  	[spmem:s1] =	stream.indirect.scatter [tilespmem:s20], [sflag:$0x3], $0x80, s19, s18, $0xb8;
	[tilespmem:$0x1E100] =	vst v63  }
0x52: {  	_ =	swait.ge [sflag:s21], $0x2800  }
0x53: {  	[sflag:s21] =	ssyncset.done $0x0  }
0x54: {  	[sflag:s21] =	ssyncadd.s32 $0xFFFFD800  }
0x55: {  	[tilespmem:$0x2880] =	vst v4  }
0x56: {  	[tilespmem:$0x2890] =	vst v5  }
0x57: {  	[tilespmem:$0x28A0] =	vst v6  }
0x58: {  	[tilespmem:$0x28B0] =	vst v7  }
0x59: {  	[tilespmem:$0x28C0] =	vst v8  }
0x5a: {  	[spmem:s1] =	stream.indirect.scatter [tilespmem:s20], [sflag:$0x3], $0x80, s19, s18, $0xb8;
	[tilespmem:$0x1E100] =	vst v63  }
0x5b: {  	_ =	swait.ge [sflag:s21], $0x2800  }
0x5c: {  	[sflag:s21] =	ssyncset.done $0x0  }
0x5d: {  	[sflag:s21] =	ssyncadd.s32 $0xFFFFD800  }
0x5e: {  	[tilespmem:$0x2880] =	vst v9  }
0x5f: {  	[tilespmem:$0x2890] =	vst v10  }
0x60: {  	[tilespmem:$0x28A0] =	vst v11  }
0x61: {  	[tilespmem:$0x28B0] =	vst v12  }
0x62: {  	[tilespmem:$0x28C0] =	vst v13  }
0x63: {  	[spmem:s1] =	stream.indirect.scatter [tilespmem:s20], [sflag:$0x3], $0x80, s19, s18, $0xb8;
	[tilespmem:$0x1E100] =	vst v63  }
0x64: {  	_ =	swait.ge [sflag:s21], $0x2800  }
0x65: {  	[sflag:s21] =	ssyncset.done $0x0  }
0x66: {  	[sflag:s21] =	ssyncadd.s32 $0xFFFFD800  }
0x67: {  	[tilespmem:$0x2880] =	vst v14  }
0x68: {  	[tilespmem:$0x2890] =	vst v15  }
0x69: {  	[tilespmem:$0x28A0] =	vst v16  }
0x6a: {  	[tilespmem:$0x28B0] =	vst v17  }
0x6b: {  	[tilespmem:$0x28C0] =	vst v18  }
0x6c: {  	[spmem:s1] =	stream.indirect.scatter [tilespmem:s20], [sflag:$0x3], $0x80, s19, s18, $0xb8;
	[tilespmem:$0x1E100] =	vst v63  }
0x6d: {  	_ =	swait.ge [sflag:s21], $0x2800  }
0x6e: {  	[sflag:s21] =	ssyncset.done $0x0  }
0x6f: {  	[sflag:s21] =	ssyncadd.s32 $0xFFFFD800  }
0x70: {  	[tilespmem:$0x2880] =	vst v19  }
0x71: {  	[tilespmem:$0x2890] =	vst v20  }
0x72: {  	[tilespmem:$0x28A0] =	vst v21  }
0x73: {  	[tilespmem:$0x28B0] =	vst v22  }
0x74: {  	[tilespmem:$0x28C0] =	vst v23  }
0x75: {  	[spmem:s1] =	stream.indirect.scatter [tilespmem:s20], [sflag:$0x3], $0x80, s19, s18, $0xb8;
	[tilespmem:$0x1E100] =	vst v63  }
0x76: {  	_ =	swait.ge [sflag:s21], $0x2800  }
0x77: {  	[sflag:s21] =	ssyncset.done $0x0  }
0x78: {  	[sflag:s21] =	ssyncadd.s32 $0xFFFFD800  }
0x79: {  	[tilespmem:$0x2880] =	vst v24  }
0x7a: {  	[tilespmem:$0x2890] =	vst v25  }
0x7b: {  	[tilespmem:$0x28A0] =	vst v26  }
0x7c: {  	[tilespmem:$0x28B0] =	vst v28  }
0x7d: {  	[tilespmem:$0x28C0] =	vst v29  }
0x7e: {  	[spmem:s1] =	stream.indirect.scatter [tilespmem:s20], [sflag:$0x3], $0x80, s19, s18, $0xb8;
	[tilespmem:$0x1E100] =	vst v63  }
0x7f: {  	_ =	swait.ge [sflag:s21], $0x2800  }
0x80: {  	[sflag:s21] =	ssyncset.done $0x0  }
0x81: {  	[sflag:s21] =	ssyncadd.s32 $0xFFFFD800  }
0x82: {  	[tilespmem:$0x2880] =	vst v30  }
0x83: {  	[tilespmem:$0x2890] =	vst v31  }
0x84: {  	[tilespmem:$0x28A0] =	vst v32  }
0x85: {  	[tilespmem:$0x28B0] =	vst v33  }
0x86: {  	[tilespmem:$0x28C0] =	vst v34  }
0x87: {  	[spmem:s1] =	stream.indirect.scatter [tilespmem:s20], [sflag:$0x3], $0x80, s19, s18, $0xb8;
	[tilespmem:$0x1E100] =	vst v63  }
0x88: {  	_ =	swait.ge [sflag:s21], $0x2800  }
0x89: {  	[sflag:s21] =	ssyncset.done $0x0  }
0x8a: {  	[sflag:s21] =	ssyncadd.s32 $0xFFFFD800  }
0x8b: {  	[tilespmem:$0x2880] =	vst v35  }
0x8c: {  	[tilespmem:$0x2890] =	vst v36  }
0x8d: {  	[tilespmem:$0x28A0] =	vst v37  }
0x8e: {  	[tilespmem:$0x28B0] =	vst v38  }
0x8f: {  	[tilespmem:$0x28C0] =	vst v39  }
0x90: {  	[spmem:s1] =	stream.indirect.scatter [tilespmem:s20], [sflag:$0x3], $0x80, s19, s18, $0xb8;
	[tilespmem:$0x1E100] =	vst v63  }
0x91: {  	_ =	swait.ge [sflag:s21], $0x2800  }
0x92: {  	[sflag:s21] =	ssyncset.done $0x0  }
0x93: {  	[sflag:s21] =	ssyncadd.s32 $0xFFFFD800  }
0x94: {  	[tilespmem:$0x2880] =	vst v40  }
0x95: {  	[tilespmem:$0x2890] =	vst v41  }
0x96: {  	[tilespmem:$0x28A0] =	vst v42  }
0x97: {  	[tilespmem:$0x28B0] =	vst v43  }
0x98: {  	[tilespmem:$0x28C0] =	vst v44  }
0x99: {  	[spmem:s2] =	stream.indirect.scatter [tilespmem:s22], [sflag:$0x3], $0x80, s19, s18, $0xb8;
	[tilespmem:$0x1E100] =	vst v63  }
0x9a: {  	_ =	swait.ge [sflag:s21], $0x2800  }
0x9b: {  	[sflag:s21] =	ssyncset.done $0x0  }
0x9c: {  	s3 =	simm.s32 $0x0;
	[sflag:s21] =	ssyncadd.s32 $0xFFFFD800  }
0x9d: {  	[tilespmem:s3], [sflag:$0x3] =	stream.linear.gather [hbm4b:s13+s3], $0x2710, $0x38;
	[tilespmem:$0x1E100] =	vst v63  }
0x9e: {  	_ =	swait.ge [sflag:s21], $0x2710  }
0x9f: {  	[sflag:s21] =	ssyncset.done $0x0  }
0xa0: {  	[sflag:s21] =	ssyncadd.s32 $0xFFFFD8F0  }
0xa1: {  	s0 =	sadd.s32 $0x0, s17;
	[bflag:$0x0] =	sbarrier.arrive $0xFFFF  }
0xa2: {  	[tilespmem:s20], [sflag:$0x1] =	stream.linear.gather [hbm4b:s0+s10], $0x2800, $0x38;
	[tilespmem:$0x1E100] =	vst v63  }
0xa3: {  	s4 =	simm.s32 $0x20;
	s29 =	sadd.s32 $0x0, s15  }
0xa4: {  	[tilespmem:s22], [sflag:$0x2] =	stream.linear.gather [hbm4b:s29+s10], $0x2800, $0x38;
	[tilespmem:$0x1E100] =	vst v63  }
0xa5: {  	v46 =	vld [tilespmem:s4+$0xFFFFFFE0];
	_ =	sdelay $0x4  }
0xa6: {  	[tilespmem:$0x2780] =	vst v46;
	v46 =	vshrl.u32 v46, $0x3  }
0xa7: {  	[tilespmem:$0x2800] =	vst v46  }
0xa8: {  	v46 =	vld [tilespmem:s4+$0xFFFFFFF0];
	_ =	sdelay $0x4  }
0xa9: {  	[tilespmem:$0x2790] =	vst v46;
	v46 =	vshrl.u32 v46, $0x3  }
0xaa: {  	[tilespmem:$0x2810] =	vst v46  }
0xab: {  	v46 =	vld [tilespmem:s4+$0x0];
	_ =	sdelay $0x4  }
0xac: {  	[tilespmem:$0x27A0] =	vst v46;
	v46 =	vshrl.u32 v46, $0x3  }
0xad: {  	[tilespmem:$0x2820] =	vst v46  }
0xae: {  	v46 =	vld [tilespmem:s4+$0x10];
	_ =	sdelay $0x4  }
0xaf: {  	[tilespmem:$0x27B0] =	vst v46;
	v46 =	vshrl.u32 v46, $0x3  }
0xb0: {  	[tilespmem:$0x2830] =	vst v46  }
0xb1: {  	v46 =	vld [tilespmem:s4+$0x20];
	_ =	sdelay $0x4  }
0xb2: {  	[tilespmem:$0x27C0] =	vst v46;
	v46 =	vshrl.u32 v46, $0x3  }
0xb3: {  	[tilespmem:$0x2840] =	vst v46  }
0xb4: {  	_ =	swait.ge [sflag:s23], $0x2800  }
0xb5: {  	[sflag:s23] =	ssyncset.done $0x0  }
0xb6: {  	[sflag:s23] =	ssyncadd.s32 $0xFFFFD800  }
0xb7: {  	[spmem:s1] =	stream.indirect.scatter.add.f32 [tilespmem:s20], [sflag:$0x1], $0x80, s24, s18, $0xb8;
	[tilespmem:$0x1E100] =	vst v63  }
0xb8: {  	_ =	swait.ge [sflag:s25], $0x2800  }
0xb9: {  	[sflag:s25] =	ssyncset.done $0x0  }
0xba: {  	[sflag:s25] =	ssyncadd.s32 $0xFFFFD800  }
0xbb: {  	[spmem:s2] =	stream.indirect.scatter.add.f32 [tilespmem:s22], [sflag:$0x2], $0x80, s26, s18, $0xb8;
	[tilespmem:$0x1E100] =	vst v63  }
0xbc: {  	_ =	swait.ge [sflag:s23], $0x2800  }
0xbd: {  	[sflag:s23] =	ssyncset.done $0x0  }
0xbe: {  	[sflag:s23] =	ssyncadd.s32 $0xFFFFD800  }
0xbf: {  	s30 =	simm.s32 $0x500;
	_ =	swait.ge [sflag:s25], $0x2800  }
0xc0: {  	s31 =	simm.s32 $0xA00;
	s29 =	simm.s32 $0x70;
	[sflag:s25] =	ssyncset.done $0x0  }
.LBB2_4:
0xc1: {  	s0 =	sadd.s32 s30, s17  }
0xc2: {  	[sflag:s25] =	ssyncadd.s32 $0xFFFFD800;
	s4 =	smov.u32 s31;
	s3 =	sadd.s32 $0x500, s31  }
0xc3: {  	[tilespmem:s20], [sflag:$0x1] =	stream.linear.gather [hbm4b:s0+s10], $0x2800, $0x38;
	[tilespmem:$0x1E100] =	vst v63  }
0xc4: {  	p0 =	sne.s32 s31, $0x26C00;
	s0 =	sadd.s32 s30, s15;
	s30 =	smov.u32 s4  }
0xc5: {  	[tilespmem:s22], [sflag:$0x2] =	stream.linear.gather [hbm4b:s0+s10], $0x2800, $0x38;
	[tilespmem:$0x1E100] =	vst v63  }
0xc6: {  	v46 =	vld [tilespmem:s29+$0xFFFFFFE0];
	_ =	sdelay $0x4  }
0xc7: {  	[tilespmem:$0x2780] =	vst v46;
	v46 =	vshrl.u32 v46, $0x3  }
0xc8: {  	[tilespmem:$0x2800] =	vst v46  }
0xc9: {  	v46 =	vld [tilespmem:s29+$0xFFFFFFF0];
	_ =	sdelay $0x4  }
0xca: {  	[tilespmem:$0x2790] =	vst v46;
	v46 =	vshrl.u32 v46, $0x3  }
0xcb: {  	[tilespmem:$0x2810] =	vst v46  }
0xcc: {  	v46 =	vld [tilespmem:s29+$0x0];
	_ =	sdelay $0x4  }
0xcd: {  	[tilespmem:$0x27A0] =	vst v46;
	v46 =	vshrl.u32 v46, $0x3  }
0xce: {  	[tilespmem:$0x2820] =	vst v46  }
0xcf: {  	v46 =	vld [tilespmem:s29+$0x10];
	_ =	sdelay $0x4  }
0xd0: {  	[tilespmem:$0x27B0] =	vst v46;
	v46 =	vshrl.u32 v46, $0x3  }
0xd1: {  	[tilespmem:$0x2830] =	vst v46  }
0xd2: {  	v46 =	vld [tilespmem:s29+$0x20];
	_ =	sdelay $0x4  }
0xd3: {  	[tilespmem:$0x27C0] =	vst v46;
	v46 =	vshrl.u32 v46, $0x3  }
0xd4: {  	[tilespmem:$0x2840] =	vst v46  }
0xd5: {  	_ =	swait.ge [sflag:s23], $0x2800  }
0xd6: {  	[sflag:s23] =	ssyncset.done $0x0  }
0xd7: {  	[sflag:s23] =	ssyncadd.s32 $0xFFFFD800  }
0xd8: {  	[spmem:s1] =	stream.indirect.scatter.add.f32 [tilespmem:s20], [sflag:$0x1], $0x80, s24, s18, $0xb8;
	[tilespmem:$0x1E100] =	vst v63  }
0xd9: {  	_ =	swait.ge [sflag:s25], $0x2800  }
0xda: {  	[sflag:s25] =	ssyncset.done $0x0  }
0xdb: {  	[sflag:s25] =	ssyncadd.s32 $0xFFFFD800  }
0xdc: {  	[spmem:s2] =	stream.indirect.scatter.add.f32 [tilespmem:s22], [sflag:$0x2], $0x80, s26, s18, $0xb8;
	[tilespmem:$0x1E100] =	vst v63  }
.Ltmp1:
0xdd: {  	_ =	swait.ge [sflag:s23], $0x2800;
	(pc) =	sbr.rel @p0 .LBB2_4-.Ltmp1, $4  }
0xde: {  	[sflag:s23] =	ssyncset.done $0x0  }
0xdf: {  	[sflag:s23] =	ssyncadd.s32 $0xFFFFD800  }
0xe0: {  	_ =	swait.ge [sflag:s25], $0x2800  }
0xe1: {  	s31 =	smov.u32 s3;
	s29 =	sadd.s32 $0x50, s29;
	[sflag:s25] =	ssyncset.done $0x0  }
0xe2: {  	s0 =	sadd.s32 s30, s17;
	[sflag:s25] =	ssyncadd.s32 $0xFFFFD800  }
0xe3: {  	[tilespmem:s20], [sflag:$0x1] =	stream.linear.gather [hbm4b:s0+s10], $0x2800, $0x38;
	[tilespmem:$0x1E100] =	vst v63  }
0xe4: {  	s30 =	sadd.s32 s30, s15  }
0xe5: {  	[tilespmem:s22], [sflag:$0x2] =	stream.linear.gather [hbm4b:s30+s10], $0x2800, $0x38;
	[tilespmem:$0x1E100] =	vst v63  }
0xe6: {  	v46 =	vld [tilespmem:s29+$0xFFFFFFE0];
	_ =	sdelay $0x4  }
0xe7: {  	[tilespmem:$0x2780] =	vst v46;
	v46 =	vshrl.u32 v46, $0x3  }
0xe8: {  	[tilespmem:$0x2800] =	vst v46  }
0xe9: {  	v46 =	vld [tilespmem:s29+$0xFFFFFFF0];
	_ =	sdelay $0x4  }
0xea: {  	[tilespmem:$0x2790] =	vst v46;
	v46 =	vshrl.u32 v46, $0x3  }
0xeb: {  	[tilespmem:$0x2810] =	vst v46  }
0xec: {  	v46 =	vld [tilespmem:s29+$0x0];
	_ =	sdelay $0x4  }
0xed: {  	[tilespmem:$0x27A0] =	vst v46;
	v46 =	vshrl.u32 v46, $0x3  }
0xee: {  	[tilespmem:$0x2820] =	vst v46  }
0xef: {  	v46 =	vld [tilespmem:s29+$0x10];
	_ =	sdelay $0x4  }
0xf0: {  	[tilespmem:$0x27B0] =	vst v46;
	v46 =	vshrl.u32 v46, $0x3  }
0xf1: {  	[tilespmem:$0x2830] =	vst v46  }
0xf2: {  	v46 =	vld [tilespmem:s29+$0x20];
	_ =	sdelay $0x4  }
0xf3: {  	[tilespmem:$0x27C0] =	vst v46;
	v46 =	vshrl.u32 v46, $0x3  }
0xf4: {  	[tilespmem:$0x2840] =	vst v46  }
0xf5: {  	_ =	swait.ge [sflag:s23], $0x2800  }
0xf6: {  	[sflag:s23] =	ssyncset.done $0x0  }
0xf7: {  	[sflag:s23] =	ssyncadd.s32 $0xFFFFD800  }
0xf8: {  	[spmem:s1] =	stream.indirect.scatter.add.f32 [tilespmem:s20], [sflag:$0x1], $0x80, s24, s18, $0xb8;
	[tilespmem:$0x1E100] =	vst v63  }
0xf9: {  	_ =	swait.ge [sflag:s25], $0x2800  }
0xfa: {  	[sflag:s25] =	ssyncset.done $0x0  }
0xfb: {  	[sflag:s25] =	ssyncadd.s32 $0xFFFFD800  }
0xfc: {  	[spmem:s2] =	stream.indirect.scatter.add.f32 [tilespmem:s22], [sflag:$0x2], $0x80, s26, s18, $0xb8;
	[tilespmem:$0x1E100] =	vst v63  }
0xfd: {  	_ =	swait.ge [sflag:s23], $0x2800  }
0xfe: {  	[sflag:s23] =	ssyncset.done $0x0  }
0xff: {  	[sflag:s23] =	ssyncadd.s32 $0xFFFFD800  }
0x100: {  	_ =	swait.ge [sflag:s25], $0x2800  }
0x101: {  	[sflag:s25] =	ssyncset.done $0x0  }
0x102: {  	[sflag:s25] =	ssyncadd.s32 $0xFFFFD800  }
0x103: {  	[bflag:$0x0] =	sbarrier.arrive $0xFFFF  }
0x104: {  	[tilespmem:$0x2880] =	vst v27  }
0x105: {  	[tilespmem:$0x2890] =	vst v0  }
0x106: {  	[tilespmem:$0x28A0] =	vst v1  }
0x107: {  	[tilespmem:$0x28B0] =	vst v2  }
0x108: {  	[tilespmem:$0x28C0] =	vst v3  }
0x109: {  	[tilespmem:s20], [sflag:$0x1] =	stream.indirect.gather [spmem:s1], $0x80, s19, s18, $0xb8;
	[tilespmem:$0x1E100] =	vst v63  }
0x10a: {  	_ =	swait.ge [sflag:s23], $0x2800  }
0x10b: {  	[sflag:s23] =	ssyncset.done $0x0  }
0x10c: {  	s31 =	rddreg [dreg:$0x4];
	[sflag:s23] =	ssyncadd.s32 $0xFFFFD800  }
0x10d: {  	[hbm4b:s31+s10] =	stream.linear.scatter [tilespmem:s20], [sflag:$0x3], $0x2800, $0x38;
	[tilespmem:$0x1E100] =	vst v63  }
0x10e: {  	_ =	swait.ge [sflag:s21], $0x2800  }
0x10f: {  	[sflag:s21] =	ssyncset.done $0x0  }
0x110: {  	[sflag:s21] =	ssyncadd.s32 $0xFFFFD800  }
0x111: {  	[tilespmem:$0x2880] =	vst v4  }
0x112: {  	[tilespmem:$0x2890] =	vst v5  }
0x113: {  	[tilespmem:$0x28A0] =	vst v6  }
0x114: {  	[tilespmem:$0x28B0] =	vst v7  }
0x115: {  	[tilespmem:$0x28C0] =	vst v8  }
0x116: {  	[tilespmem:s20], [sflag:$0x1] =	stream.indirect.gather [spmem:s1], $0x80, s19, s18, $0xb8;
	[tilespmem:$0x1E100] =	vst v63  }
0x117: {  	_ =	swait.ge [sflag:s23], $0x2800  }
0x118: {  	[sflag:s23] =	ssyncset.done $0x0  }
0x119: {  	[sflag:s23] =	ssyncadd.s32 $0xFFFFD800  }
0x11a: {  	[hbm4b:s5+s10] =	stream.linear.scatter [tilespmem:s20], [sflag:$0x3], $0x2800, $0x38;
	[tilespmem:$0x1E100] =	vst v63  }
0x11b: {  	_ =	swait.ge [sflag:s21], $0x2800  }
0x11c: {  	[sflag:s21] =	ssyncset.done $0x0  }
0x11d: {  	[sflag:s21] =	ssyncadd.s32 $0xFFFFD800  }
0x11e: {  	[tilespmem:$0x2880] =	vst v9  }
0x11f: {  	[tilespmem:$0x2890] =	vst v10  }
0x120: {  	[tilespmem:$0x28A0] =	vst v11  }
0x121: {  	[tilespmem:$0x28B0] =	vst v12  }
0x122: {  	[tilespmem:$0x28C0] =	vst v13  }
0x123: {  	[tilespmem:s20], [sflag:$0x1] =	stream.indirect.gather [spmem:s1], $0x80, s19, s18, $0xb8;
	[tilespmem:$0x1E100] =	vst v63  }
0x124: {  	_ =	swait.ge [sflag:s23], $0x2800  }
0x125: {  	[sflag:s23] =	ssyncset.done $0x0  }
0x126: {  	[sflag:s23] =	ssyncadd.s32 $0xFFFFD800  }
0x127: {  	[hbm4b:s6+s10] =	stream.linear.scatter [tilespmem:s20], [sflag:$0x3], $0x2800, $0x38;
	[tilespmem:$0x1E100] =	vst v63  }
0x128: {  	_ =	swait.ge [sflag:s21], $0x2800  }
0x129: {  	[sflag:s21] =	ssyncset.done $0x0  }
0x12a: {  	[sflag:s21] =	ssyncadd.s32 $0xFFFFD800  }
0x12b: {  	[tilespmem:$0x2880] =	vst v14  }
0x12c: {  	[tilespmem:$0x2890] =	vst v15  }
0x12d: {  	[tilespmem:$0x28A0] =	vst v16  }
0x12e: {  	[tilespmem:$0x28B0] =	vst v17  }
0x12f: {  	[tilespmem:$0x28C0] =	vst v18  }
0x130: {  	[tilespmem:s20], [sflag:$0x1] =	stream.indirect.gather [spmem:s1], $0x80, s19, s18, $0xb8;
	[tilespmem:$0x1E100] =	vst v63  }
0x131: {  	_ =	swait.ge [sflag:s23], $0x2800  }
0x132: {  	[sflag:s23] =	ssyncset.done $0x0  }
0x133: {  	[sflag:s23] =	ssyncadd.s32 $0xFFFFD800  }
0x134: {  	[hbm4b:s7+s10] =	stream.linear.scatter [tilespmem:s20], [sflag:$0x3], $0x2800, $0x38;
	[tilespmem:$0x1E100] =	vst v63  }
0x135: {  	_ =	swait.ge [sflag:s21], $0x2800  }
0x136: {  	[sflag:s21] =	ssyncset.done $0x0  }
0x137: {  	[sflag:s21] =	ssyncadd.s32 $0xFFFFD800  }
0x138: {  	[tilespmem:$0x2880] =	vst v19  }
0x139: {  	[tilespmem:$0x2890] =	vst v20  }
0x13a: {  	[tilespmem:$0x28A0] =	vst v21  }
0x13b: {  	[tilespmem:$0x28B0] =	vst v22  }
0x13c: {  	[tilespmem:$0x28C0] =	vst v23  }
0x13d: {  	[tilespmem:s20], [sflag:$0x1] =	stream.indirect.gather [spmem:s1], $0x80, s19, s18, $0xb8;
	[tilespmem:$0x1E100] =	vst v63  }
0x13e: {  	_ =	swait.ge [sflag:s23], $0x2800  }
0x13f: {  	[sflag:s23] =	ssyncset.done $0x0  }
0x140: {  	[sflag:s23] =	ssyncadd.s32 $0xFFFFD800  }
0x141: {  	[hbm4b:s8+s10] =	stream.linear.scatter [tilespmem:s20], [sflag:$0x3], $0x2800, $0x38;
	[tilespmem:$0x1E100] =	vst v63  }
0x142: {  	_ =	swait.ge [sflag:s21], $0x2800  }
0x143: {  	[sflag:s21] =	ssyncset.done $0x0  }
0x144: {  	[sflag:s21] =	ssyncadd.s32 $0xFFFFD800  }
0x145: {  	[tilespmem:$0x2880] =	vst v24  }
0x146: {  	[tilespmem:$0x2890] =	vst v25  }
0x147: {  	[tilespmem:$0x28A0] =	vst v26  }
0x148: {  	[tilespmem:$0x28B0] =	vst v28  }
0x149: {  	[tilespmem:$0x28C0] =	vst v29  }
0x14a: {  	[tilespmem:s20], [sflag:$0x1] =	stream.indirect.gather [spmem:s1], $0x80, s19, s18, $0xb8;
	[tilespmem:$0x1E100] =	vst v63  }
0x14b: {  	_ =	swait.ge [sflag:s23], $0x2800  }
0x14c: {  	[sflag:s23] =	ssyncset.done $0x0  }
0x14d: {  	[sflag:s23] =	ssyncadd.s32 $0xFFFFD800  }
0x14e: {  	[hbm4b:s9+s10] =	stream.linear.scatter [tilespmem:s20], [sflag:$0x3], $0x2800, $0x38;
	[tilespmem:$0x1E100] =	vst v63  }
0x14f: {  	_ =	swait.ge [sflag:s21], $0x2800  }
0x150: {  	[sflag:s21] =	ssyncset.done $0x0  }
0x151: {  	[sflag:s21] =	ssyncadd.s32 $0xFFFFD800  }
0x152: {  	[tilespmem:$0x2880] =	vst v30  }
0x153: {  	[tilespmem:$0x2890] =	vst v31  }
0x154: {  	[tilespmem:$0x28A0] =	vst v32  }
0x155: {  	[tilespmem:$0x28B0] =	vst v33  }
0x156: {  	[tilespmem:$0x28C0] =	vst v34  }
0x157: {  	[tilespmem:s20], [sflag:$0x1] =	stream.indirect.gather [spmem:s1], $0x80, s19, s18, $0xb8;
	[tilespmem:$0x1E100] =	vst v63  }
0x158: {  	_ =	swait.ge [sflag:s23], $0x2800  }
0x159: {  	[sflag:s23] =	ssyncset.done $0x0  }
0x15a: {  	[sflag:s23] =	ssyncadd.s32 $0xFFFFD800  }
0x15b: {  	[hbm4b:s11+s10] =	stream.linear.scatter [tilespmem:s20], [sflag:$0x3], $0x2800, $0x38;
	[tilespmem:$0x1E100] =	vst v63  }
0x15c: {  	_ =	swait.ge [sflag:s21], $0x2800  }
0x15d: {  	[sflag:s21] =	ssyncset.done $0x0  }
0x15e: {  	[sflag:s21] =	ssyncadd.s32 $0xFFFFD800  }
0x15f: {  	[tilespmem:$0x2880] =	vst v35  }
0x160: {  	[tilespmem:$0x2890] =	vst v36  }
0x161: {  	[tilespmem:$0x28A0] =	vst v37  }
0x162: {  	[tilespmem:$0x28B0] =	vst v38  }
0x163: {  	[tilespmem:$0x28C0] =	vst v39  }
0x164: {  	[tilespmem:s20], [sflag:$0x1] =	stream.indirect.gather [spmem:s1], $0x80, s19, s18, $0xb8;
	[tilespmem:$0x1E100] =	vst v63  }
0x165: {  	_ =	swait.ge [sflag:s23], $0x2800  }
0x166: {  	[sflag:s23] =	ssyncset.done $0x0  }
0x167: {  	[sflag:s23] =	ssyncadd.s32 $0xFFFFD800  }
0x168: {  	[hbm4b:s12+s10] =	stream.linear.scatter [tilespmem:s20], [sflag:$0x3], $0x2800, $0x38;
	[tilespmem:$0x1E100] =	vst v63  }
0x169: {  	_ =	swait.ge [sflag:s21], $0x2800  }
0x16a: {  	[sflag:s21] =	ssyncset.done $0x0  }
0x16b: {  	[sflag:s21] =	ssyncadd.s32 $0xFFFFD800  }
0x16c: {  	[tilespmem:$0x2880] =	vst v40  }
0x16d: {  	[tilespmem:$0x2890] =	vst v41  }
0x16e: {  	[tilespmem:$0x28A0] =	vst v42  }
0x16f: {  	[tilespmem:$0x28B0] =	vst v43  }
0x170: {  	[tilespmem:$0x28C0] =	vst v44  }
0x171: {  	[tilespmem:s22], [sflag:$0x1] =	stream.indirect.gather [spmem:s2], $0x80, s19, s18, $0xb8;
	[tilespmem:$0x1E100] =	vst v63  }
0x172: {  	s28 =	sadd.s32 $0x1, s28;
	_ =	swait.ge [sflag:s23], $0x2800  }
0x173: {  	p0 =	sne.s32 s28, s16;
	[sflag:s23] =	ssyncset.done $0x0  }
.Ltmp2:
0x174: {  	[sflag:s23] =	ssyncadd.s32 $0xFFFFD800;
	(pc) =	sbr.rel @p0 .LBB2_1-.Ltmp2, $4  }
0x175: {  	[hbm4b:s14+s10] =	stream.linear.scatter [tilespmem:s22], [sflag:$0x3], $0x2800, $0x38;
	[tilespmem:$0x1E100] =	vst v63  }
0x176: {  	_ =	swait.ge [sflag:s21], $0x2800  }
0x177: {  	[sflag:s21] =	ssyncset.done $0x0  }
0x178: {  	[sflag:s21] =	ssyncadd.s32 $0xFFFFD800  }
0x179: {  	_ =	sfence.sel $0x180000  }
0x17a: {  	[bflag:$0x0] =	sbarrier.arrive $0xFFFF  }
0x17b: {  	_ =	strace $0x9000004A  }
0x17c: {  	s0 =	stileid.u32;
	[bflag:$0x2] =	sbarrier.arrive $0xFFFF  }
0x17d: {  	p0 =	sne.s32 s0, $0x0;
	s0 =	rddreg [dreg:$0x3]  }
0x17e: {  	s0 =	sadd.s32 @!p0 $0x100000, s0  }
0x17f: {  	[sflag:s0] =	ssyncadd.tile.s32 @!p0 $0x1;
	_ =	shalt  }
.Lfunc_end2:
_tile_overlayer_lowered:
.L_overlay_start_2:
0x180: {  	(tag) =	ssettag $0x2  }
0x181: {  	s0 =	rddreg [dreg:$0x0];
	s2 =	stileid.u32  }
0x182: {  	s1 =	rddreg [dreg:$0x1];
	p0 =	sne.s32 s2, $0x0  }
0x183: {  	s3 =	rddreg [dreg:$0x2];
	[bflag:$0x3] =	sbarrier.arrive $0xFFFF;
	s2 =	simm.s32 @!p0 $0x1C03  }
0x184: {  	[timem:s3], [sflag:s2] =	dma.local @!p0 [hbm:s0], s1  }
0x185: {  	s0 =	simm.s32 @!p0 $0x3  }
0x186: {  	_ =	swait.ge @!p0 [sflag:s0], s1  }
0x187: {  	s1 =	ssub.s32 @!p0 $0x0, s1;
	[sflag:s0] =	ssyncset.done @!p0 $0x0  }
0x188: {  	[sflag:s0] =	ssyncadd.s32 @!p0 s1  }
0x189: {  	[bflag:$0x3] =	sbarrier.arrive $0xFFFF  }
0x18a: {  	_ =	shalt  }

// kernel: kernel.7.cloned.1.call-start
scs
__scs_entry_jumppad:
0x0: {  	(pc) =	sbr.rel $0x88, $3  }
0x1: {  	(tag) =	ssettag $0x0;
	lr =	simm.s32 $0x1  }
0x2: {  	[smem:$0x3F8A] =	sst lr;
	_ =	strace $0xD0000000  }
0x3: {  	_ = 	snop  }
0x4: {  	_ = 	snop  }
0x5: {  	_ = 	snop  }
0x6: {  	_ = 	snop  }
0x7: {  	_ = 	snop  }
__scs_overlays_trampoline_lowered:
0x8: {  	[smem:$0x3F99] =	sst s0  }
0x9: {  	[smem:$0x3F9A] =	sst s1  }
0xa: {  	[smem:$0x3F9B] =	sst s2  }
0xb: {  	[smem:$0x3F9C] =	sst s3  }
0xc: {  	[smem:$0x3F9D] =	sst s4  }
0xd: {  	[smem:$0x3F9E] =	sst s5  }
0xe: {  	[smem:$0x3F9F] =	sst s6  }
0xf: {  	[smem:$0x3FA0] =	sst s7  }
0x10: {  	[smem:$0x3FA1] =	sst s8  }
0x11: {  	[smem:$0x3FA2] =	sst s9;
	s0 =	simm.s32 @!p0 $0x0  }
0x12: {  	s1 =	sld [smem:$0x3F88];
	s0 =	simm.s32 @p0 $0x1  }
0x13: {  	[smem:$0x3FA3] =	sst s0;
	s0 =	simm.s32 @!p1 $0x0  }
0x14: {  	s2 =	sld [smem:$0x3F87];
	s0 =	simm.s32 @p1 $0x1  }
0x15: {  	[smem:$0x3FA4] =	sst s0;
	s0 =	simm.s32 @!p2 $0x0  }
0x16: {  	s3 =	sld [smem:$0x3FDB];
	s0 =	simm.s32 @p2 $0x1  }
0x17: {  	s4 =	simm.s32 $0x1BF5;
	[smem:$0x3FA6] =	sst s0  }
0x18: {  	s0 =	sld [smem:$0x3F89];
	_ =	swait.ge [sflag:s4], $0x0  }
0x19: {  	s7 =	sld [smem:$0x3F8A]  }
0x1a: {  	s8 =	sadd.s32 $0xFFFFE003, lr  }
0x1b: {  	s9 =	sadd.s32 $0xFFFFFEF7, lr;
	s5 =	simm.s32 $0xFFFFFFFF;
	p2 =	slt.u32 s8, $0xFFFFF086  }
0x1c: {  	p1 =	slt.u32 s9, $0xF7A;
	s5 =	simm.s32 @!p2 $0x0  }
0x1d: {  	s5 =	simm.s32 @p1 $0x1;
	p0 =	seq.s32 s7, s2  }
0x1e: {  	s7 =	smul.u32 @!p0 $0xF7A, s2;
	p2 =	seq.s32 @!p0 s5, $0x0  }
0x1f: {  	s9 =	smul.u32 $0xF7A, s1;
	s8 =	simm.s32 @!p0 $0x1BF5;
	p2 =	por !p2, p0  }
0x20: {  	[sflag:s8] =	ssyncset.s32 @!p0 $0xFFFFF086;
	s6 =	sadd.s32 @!p0 s3, s7;
	s7 =	simm.s32 @!p0 $0x108  }
0x21: {  	s3 =	sadd.s32 s3, s9;
	s6 =	sadd.s32 @!p0 $0x88, s6;
	s7 =	simm.s32 @p2 $0x1082  }
0x22: {  	[simem:s7], [sflag:s8] =	dma.local @!p0 [hbm:s6], $0xF7A  }
0x23: {  	s9 =	sor.u32 $0xD0000000, s2;
	s6 =	simm.s32 $0x108;
	_ =	swait.ge @!p0 [sflag:s8], $0x0  }
0x24: {  	s3 =	sadd.s32 $0x88, s3;
	s6 =	simm.s32 @!p1 $0x1082;
	[sflag:s4] =	ssyncset.s32 $0xFFFFF086  }
0x25: {  	[simem:s6], [sflag:s4] =	dma.local [hbm:s3], $0xF7A  }
0x26: {  	[smem:$0x3F8A] =	sst s1;
	(tag) =	ssettag s2;
	_ =	strace s9  }
0x27: {  	s1 =	sld [smem:$0x3F9A]  }
0x28: {  	s2 =	sld [smem:$0x3F9B]  }
0x29: {  	s4 =	sld [smem:$0x3F9D]  }
0x2a: {  	p0 =	seq.s32 s5, $0x0;
	s5 =	sld [smem:$0x3F9E]  }
0x2b: {  	s6 =	sld [smem:$0x3F9F]  }
0x2c: {  	s7 =	sld [smem:$0x3FA0]  }
0x2d: {  	s3 =	simm.s32 $0x108;
	s8 =	sld [smem:$0x3FA1]  }
0x2e: {  	s3 =	simm.s32 @!p0 $0x1082;
	s9 =	sld [smem:$0x3FA2]  }
0x2f: {  	lr =	sadd.s32 s0, s3;
	s0 =	sld [smem:$0x3F99]  }
0x30: {  	s3 =	sld [smem:$0x3F9C]  }
0x31: {  	[smem:$0x3FA5] =	sst s10  }
0x32: {  	s10 =	sld [smem:$0x3FA3];
	_ =	sdelay $0x3  }
0x33: {  	p0 =	seq.s32 s10, $0x1;
	s10 =	sld [smem:$0x3FA5];
	_ =	sdelay $0x3  }
0x34: {  	[smem:$0x3FA5] =	sst s10  }
0x35: {  	s10 =	sld [smem:$0x3FA4];
	_ =	sdelay $0x3  }
0x36: {  	p1 =	seq.s32 s10, $0x1;
	s10 =	sld [smem:$0x3FA5];
	_ =	sdelay $0x3  }
0x37: {  	[smem:$0x3FA5] =	sst s10  }
0x38: {  	s10 =	sld [smem:$0x3FA6]  }
0x39: {  	_ = 	snop;
	(pc) =	sbr.ind lr, $3  }
0x3a: {  	_ = 	snop  }
0x3b: {  	_ = 	snop  }
0x3c: {  	p2 =	seq.s32 s10, $0x1;
	s10 =	sld [smem:$0x3FA5]  }
0x3d: {  	_ =	shalt  }
0x3e: {  	_ =	shalt  }
0x3f: {  	_ =	shalt  }
0x40: {  	_ =	shalt  }
0x41: {  	_ =	shalt  }
0x42: {  	_ =	shalt  }
0x43: {  	_ =	shalt  }
0x44: {  	_ =	shalt  }
0x45: {  	_ =	shalt  }
0x46: {  	_ =	shalt  }
0x47: {  	_ =	shalt  }
0x48: {  	_ =	shalt  }
0x49: {  	_ =	shalt  }
0x4a: {  	_ =	shalt  }
0x4b: {  	_ =	shalt  }
0x4c: {  	_ =	shalt  }
0x4d: {  	_ =	shalt  }
0x4e: {  	_ =	shalt  }
0x4f: {  	_ =	shalt  }
0x50: {  	_ =	shalt  }
0x51: {  	_ =	shalt  }
0x52: {  	_ =	shalt  }
0x53: {  	_ =	shalt  }
0x54: {  	_ =	shalt  }
0x55: {  	_ =	shalt  }
0x56: {  	_ =	shalt  }
0x57: {  	_ =	shalt  }
0x58: {  	_ =	shalt  }
0x59: {  	_ =	shalt  }
0x5a: {  	_ =	shalt  }
0x5b: {  	_ =	shalt  }
0x5c: {  	_ =	shalt  }
0x5d: {  	_ =	shalt  }
0x5e: {  	_ =	shalt  }
0x5f: {  	_ =	shalt  }
0x60: {  	_ =	shalt  }
0x61: {  	_ =	shalt  }
0x62: {  	_ =	shalt  }
0x63: {  	_ =	shalt  }
0x64: {  	_ =	shalt  }
0x65: {  	_ =	shalt  }
0x66: {  	_ =	shalt  }
0x67: {  	_ =	shalt  }
0x68: {  	_ =	shalt  }
0x69: {  	_ =	shalt  }
0x6a: {  	_ =	shalt  }
0x6b: {  	_ =	shalt  }
0x6c: {  	_ =	shalt  }
0x6d: {  	_ =	shalt  }
0x6e: {  	_ =	shalt  }
0x6f: {  	_ =	shalt  }
0x70: {  	_ =	shalt  }
0x71: {  	_ =	shalt  }
0x72: {  	_ =	shalt  }
0x73: {  	_ =	shalt  }
0x74: {  	_ =	shalt  }
0x75: {  	_ =	shalt  }
0x76: {  	_ =	shalt  }
0x77: {  	_ =	shalt  }
0x78: {  	_ =	shalt  }
0x79: {  	_ =	shalt  }
0x7a: {  	_ =	shalt  }
0x7b: {  	_ =	shalt  }
0x7c: {  	_ =	shalt  }
0x7d: {  	_ =	shalt  }
0x7e: {  	_ =	shalt  }
0x7f: {  	_ =	shalt  }
0x80: {  	_ =	shalt  }
0x81: {  	_ =	shalt  }
0x82: {  	_ =	shalt  }
0x83: {  	_ =	shalt  }
0x84: {  	_ =	shalt  }
0x85: {  	_ =	shalt  }
0x86: {  	_ =	shalt  }
0x87: {  	_ =	shalt  }
.Lfunc_end0:
.L_simem_size_0:
called_computation_lowered:
.L_overlay_start_0:
0x88: {  	s2 =	sld [smem:$0x3FD9]  }
0x89: {  	s3 =	sld [smem:$0x3FFE];
	_ =	sdelay $0x1  }
0x8a: {  	s1 =	srdreg.scid  }
0x8b: {  	s0 =	sand.u32 $0x1, s1  }
0x8c: {  	s16 =	sshll.u32 s0, $0xA;
	s2 =	sadd.s32 s3, s2  }
0x8d: {  	s2 =	sadd.s32 s2, s16  }
0x8e: {  	[smem:$0x3FB1] =	sst s2  }
0x8f: {  	_ = 	snop  }
0x90: {  	(tm) =	ssettm $0x1  }
0x91: {  	s17 =	sld [smem:$0x3FFB];
	_ =	sdelay $0x3  }
0x92: {  	_ =	strace s17  }
0x93: {  	s2 =	sld [smem:$0x3FFC];
	_ =	sdelay $0x3  }
0x94: {  	_ =	strace s2  }
0x95: {  	s2 =	sld [smem:$0x3FFD];
	_ =	sdelay $0x3  }
0x96: {  	_ =	strace s2  }
0x97: {  	_ =	strace $0x8FFFFFFF  }
0x98: {  	s18 =	sld [smem:$0x3FDB];
	_ =	sdelay $0x1  }
0x99: {  	s19 =	simm.s32 $_scs_section_size  }
0x9a: {  	s4 =	simm.s32 $_size__tile_overlayer_lowered;
	s5 =	simm.s32 $_tile_overlayer_lowered  }
0x9b: {  	s22 =	simm.s32 $0x1BFF;
	s21 =	sshll.u32 s5, $0x1;
	s2 =	sadd.s32 s19, s18  }
0x9c: {  	s6 =	simm.s32 $0x0;
	s20 =	sshll.u32 s4, $0x1;
	s4 =	sadd.s32 s21, s2  }
0x9d: {  	[timem:s6], [sflag:s22] =	dma.local [hbm:s4], s20  }
0x9e: {  	_ =	swait.ge [sflag:s22], s20  }
0x9f: {  	s3 =	ssub.s32 $0x0, s20;
	[sflag:s22] =	ssyncset.done $0x0  }
0xa0: {  	[sflag:s22] =	ssyncadd.s32 s3;
	_ =	sdelay $0x1  }
0xa1: {  	s23 =	simm.s32 $0x1B8B  }
0xa2: {  	_ =	swait.ge [sflag:s23], $0x1  }
0xa3: {  	[sflag:s23] =	ssyncset.done $0x0  }
0xa4: {  	s25 =	simm.s32 $0x1B8E;
	s24 =	sld [smem:$0x3FFE];
	[sflag:s23] =	ssyncadd.s32 $0xFFFFFFFF  }
0xa5: {  	s26 =	simm.s32 $execute0_lowered;
	[smem:$0x3FD2] =	sst s25  }
0xa6: {  	s4 =	sshll.u32 s26, $0x1;
	_ =	strace $0x80000046;
	[dreg:$0x1] =	wrdreg $0xFFFFFFFF  }
0xa7: {  	s28 =	simm.s32 $_size_execute0_lowered;
	s2 =	sadd.s32 s2, s4;
	[dreg:$0x0] =	wrdreg $0x0  }
0xa8: {  	s4 =	sshll.u32 s28, $0x1;
	[dreg:$0x2] =	wrdreg s2  }
0xa9: {  	[dreg:$0x3] =	wrdreg s4  }
0xaa: {  	[dreg:$0x4] =	wrdreg $0xC0  }
0xab: {  	_ =	task [dreg:s6], $0x5FFFF  }
0xac: {  	[dreg:$0x1] =	wrdreg $0xFFFFFFFF  }
0xad: {  	[dreg:$0x0] =	wrdreg $0x60  }
0xae: {  	[dreg:$0x2] =	wrdreg s24  }
0xaf: {  	[dreg:$0x3] =	wrdreg $0x9  }
0xb0: {  	_ =	task.clear_ibuf [dreg:s6], $0x4FFFF;
	_ =	strace $0x90000046  }
0xb1: {  	s29 =	simm.s32 $0x9;
	_ =	strace $0x80000048  }
0xb2: {  	_ =	swait.ge [sflag:s29], $0x1  }
0xb3: {  	[sflag:s29] =	ssyncadd.s32 $0xFFFFFFFF  }
0xb4: {  	_ =	strace $0x90000048  }
0xb5: {  	_ =	sfence  }
0xb6: {  	s30 =	sld [smem:$0x0];
	_ =	sdelay $0x2  }
0xb7: {  	s31 =	sshll.u32 s1, $0xD;
	s1 =	sshrl.u32 s1, $0x2  }
0xb8: {  	s3 =	sand.u32 $0x4000, s31;
	s1 =	sadd.s32 s1, s30  }
0xb9: {  	s0 =	sor.u32 s3, s0;
	s1 =	sshll.u32 s1, $0x11  }
0xba: {  	s0 =	sor.u32 s1, s0  }
0xbb: {  	s0 =	sadd.s32 $0x8F2B, s0  }
0xbc: {  	[sflag:s0] =	ssyncadd.remote.s32 $0x1  }
0xbd: {  	_ =	sfence.sel $0xFFFF  }
0xbe: {  	[dreg:$0x0] =	wrdreg $0xFFFFFFFF;
	(pc) =	sbr.abs _section_cstart, $3  }
0xbf: {  	[dreg:$0x1] =	wrdreg $0xFFFFFFFF  }
0xc0: {  	_ =	task.clear_ibuf [dreg:s6], $0x2FFFF;
	_ =	strace $0x9FFFFFFF  }
0xc1: {  	(tm) =	ssettm $0x7FFFFFFF  }
tec
execute0_lowered:
.L_overlay_start_1:
0x0: {  	(tag) =	ssettag $0x1  }
0x1: {  	s0 =	srdreg.scid  }
0x2: {  	s12 =	stileid.u32;
	s1 =	rddreg [dreg:$0x0]  }
0x3: {  	s2 =	simm.s32 $0x0;
	s14 =	simm.s32 $0x50;
	s15 =	simm.s32 $0x4F80  }
0x4: {  	s16 =	simm.s32 $0x5100;
	s17 =	simm.s32 $0x4F00;
	s18 =	simm.s32 $0x7900  }
0x5: {  	s19 =	simm.s32 $0xA100;
	s26 =	simm.s32 $0x5080;
	s20 =	simm.s32 $0xC900  }
0x6: {  	s28 =	simm.s32 $0x4;
	s29 =	simm.s32 $0x5;
	s30 =	simm.s32 $0x6  }
0x7: {  	s31 =	simm.s32 $0x0;
	s0 =	sand.u32 $0x1, s0;
	s3 =	sshll.u32 s12, $0x1  }
0x8: {  	[smem:$0x7FF] =	sst s2;
	s4 =	sadd.s32 $0x3F400, s1;
	s5 =	sadd.s32 $0x66600, s1  }
0x9: {  	s9 =	sadd.s32 $0x8D800, s1;
	s10 =	sadd.s32 $0x56F800, s1;
	s12 =	smul.u32 $0x4E200, s12  }
0xa: {  	s6 =	sor.u32 s0, s3;
	s8 =	ssub.s32 $0x2, s0;
	s0 =	smul.u32 $0x27100, s0  }
0xb: {  	_ =	strace $0x80000047;
	s3 =	sadd.s32 $0x18200, s1;
	s7 =	smul.u32 $0x2710, s6  }
0xc: {  	[dreg:$0x5] =	wrdreg s26;
	s11 =	sshrl.u32 s8, $0x1;
	s6 =	smul.u32 $0x138800, s6  }
0xd: {  	s26 =	simm.s32 $0x3;
	s13 =	sadd.s32 s12, s10;
	s11 =	ssub.s32 s8, s11  }
0xe: {  	s24 =	sadd.s32 s0, s13;
	s7 =	sshrl.u32 s7, $0x3;
	s6 =	sshrl.u32 s6, $0x3  }
0xf: {  	[dreg:$0x3] =	wrdreg s24;
	s11 =	smax.u32 s11, $0x1;
	s7 =	sadd.s32 s7, s1  }
0x10: {  	s24 =	simm.s32 $0x1;
	s1 =	sadd.s32 $0xA51800, s1;
	s21 =	sadd.s32 $0x4600, s7  }
0x11: {  	s6 =	sadd.s32 $0x26C00, s6;
	s7 =	sadd.s32 $0xE400, s7;
	[dreg:$0x6] =	wrdreg s21  }
0x12: {  	s22 =	sadd.s32 s12, s1;
	s23 =	sadd.s32 s9, s6;
	[dreg:$0x7] =	wrdreg s7  }
0x13: {  	s12 =	sadd.s32 s12, s9;
	s25 =	sadd.s32 s10, s6;
	[dreg:$0x8] =	wrdreg s23  }
0x14: {  	s1 =	sadd.s32 s1, s6;
	s7 =	sadd.s32 s0, s22;
	[dreg:$0x9] =	wrdreg s25  }
0x15: {  	s0 =	sadd.s32 s0, s12;
	[dreg:$0xa] =	wrdreg s1;
	s12 =	simm.s32 $0x7  }
0x16: {  	s21 =	simm.s32 $0x5000;
	s22 =	simm.s32 $0xF100;
	[dreg:$0x2] =	wrdreg s7  }
0x17: {  	s23 =	simm.s32 $0x11900;
	s25 =	simm.s32 $0x2;
	[dreg:$0x4] =	wrdreg s0  }
.LBB2_1:
0x18: {  	s0 =	rddreg [dreg:$0x6]  }
0x19: {  	[tilespmem:s2], [sflag:$0x7] =	stream.linear.gather [hbm4b:s0+s2], $0x2710, $0x38;
	[tilespmem:$0x14100] =	vst v63  }
0x1a: {  	_ =	swait.ge [sflag:s12], $0x2710  }
0x1b: {  	[sflag:s12] =	ssyncset.done $0x0  }
0x1c: {  	s1 =	simm.s32 $0x2780;
	s6 =	rddreg [dreg:$0x7];
	[sflag:s12] =	ssyncadd.s32 $0xFFFFD8F0  }
0x1d: {  	[tilespmem:s1], [sflag:$0x7] =	stream.linear.gather [hbm4b:s6+s2], $0x2710, $0x38;
	[tilespmem:$0x14100] =	vst v63  }
0x1e: {  	_ =	swait.ge [sflag:s12], $0x2710  }
0x1f: {  	[sflag:s12] =	ssyncset.done $0x0  }
0x20: {  	[sflag:s12] =	ssyncadd.s32 $0xFFFFD8F0  }
0x21: {  	v0 =	vld [tilespmem:s14+$0xFFFFFFB0];
	_ =	sdelay $0x4  }
0x22: {  	s1 =	simm.s32 $0x27D0;
	[tilespmem:$0x4F00] =	vst v0  }
0x23: {  	v0 =	vld [tilespmem:s1+$0xFFFFFFB0];
	_ =	sdelay $0x4  }
0x24: {  	[tilespmem:$0x4F80] =	vst v0  }
0x25: {  	v0 =	vld [tilespmem:s14+$0xFFFFFFC0];
	_ =	sdelay $0x4  }
0x26: {  	[tilespmem:$0x4F10] =	vst v0  }
0x27: {  	v0 =	vld [tilespmem:s1+$0xFFFFFFC0];
	_ =	sdelay $0x4  }
0x28: {  	[tilespmem:$0x4F90] =	vst v0  }
0x29: {  	v0 =	vld [tilespmem:s14+$0xFFFFFFD0];
	_ =	sdelay $0x4  }
0x2a: {  	[tilespmem:$0x4F20] =	vst v0  }
0x2b: {  	v0 =	vld [tilespmem:s1+$0xFFFFFFD0];
	_ =	sdelay $0x4  }
0x2c: {  	[tilespmem:$0x4FA0] =	vst v0  }
0x2d: {  	v0 =	vld [tilespmem:s14+$0xFFFFFFE0];
	_ =	sdelay $0x4  }
0x2e: {  	[tilespmem:$0x4F30] =	vst v0  }
0x2f: {  	v0 =	vld [tilespmem:s1+$0xFFFFFFE0];
	_ =	sdelay $0x4  }
0x30: {  	[tilespmem:$0x4FB0] =	vst v0  }
0x31: {  	v0 =	vld [tilespmem:s14+$0xFFFFFFF0];
	_ =	sdelay $0x4  }
0x32: {  	[tilespmem:$0x4F40] =	vst v0  }
0x33: {  	v0 =	vld [tilespmem:s1+$0xFFFFFFF0];
	_ =	sdelay $0x4  }
0x34: {  	[tilespmem:$0x4FC0] =	vst v0  }
0x35: {  	[tilespmem:s16], [sflag:$0x1] =	stream.indirect.gather [hbm4b:s3+s14], $0x80, s15, s14, $0xb8;
	[tilespmem:$0x14100] =	vst v63  }
0x36: {  	_ = 	snop  }
0x37: {  	[tilespmem:s18], [sflag:$0x2] =	stream.indirect.gather [hbm4b:s4+s14], $0x80, s17, s14, $0xb8;
	[tilespmem:$0x14100] =	vst v63  }
0x38: {  	_ = 	snop  }
0x39: {  	[tilespmem:s19], [sflag:$0x3] =	stream.indirect.gather [hbm4b:s5+s14], $0x80, s17, s14, $0xb8;
	[tilespmem:$0x14100] =	vst v63  }
0x3a: {  	v0 =	vld [tilespmem:s14+$0x0];
	_ =	sdelay $0x4  }
0x3b: {  	[tilespmem:$0x5000] =	vst v0  }
0x3c: {  	v0 =	vld [tilespmem:s1+$0x0];
	_ =	sdelay $0x4  }
0x3d: {  	[tilespmem:$0x5080] =	vst v0  }
0x3e: {  	v0 =	vld [tilespmem:s14+$0x10];
	_ =	sdelay $0x4  }
0x3f: {  	[tilespmem:$0x5010] =	vst v0  }
0x40: {  	v0 =	vld [tilespmem:s1+$0x10];
	_ =	sdelay $0x4  }
0x41: {  	[tilespmem:$0x5090] =	vst v0  }
0x42: {  	v0 =	vld [tilespmem:s14+$0x20];
	_ =	sdelay $0x4  }
0x43: {  	[tilespmem:$0x5020] =	vst v0  }
0x44: {  	v0 =	vld [tilespmem:s1+$0x20];
	_ =	sdelay $0x4  }
0x45: {  	s7 =	sand.u32 $0x3FE0, s2;
	[tilespmem:$0x50A0] =	vst v0  }
0x46: {  	v0 =	vld [tilespmem:s7+$0x80];
	_ =	sdelay $0x4  }
0x47: {  	[tilespmem:$0x5030] =	vst v0  }
0x48: {  	v0 =	vld [tilespmem:s7+$0x2800];
	_ =	sdelay $0x4  }
0x49: {  	[tilespmem:$0x50B0] =	vst v0  }
0x4a: {  	v0 =	vld [tilespmem:s14+$0x40];
	_ =	sdelay $0x4  }
0x4b: {  	[tilespmem:$0x5040] =	vst v0  }
0x4c: {  	v0 =	vld [tilespmem:s1+$0x40];
	_ =	sdelay $0x4  }
0x4d: {  	s8 =	rddreg [dreg:$0x5];
	[tilespmem:$0x50C0] =	vst v0  }
0x4e: {  	[tilespmem:s20], [sflag:$0x4] =	stream.indirect.gather [hbm4b:s3+s14], $0x80, s8, s14, $0xb8;
	[tilespmem:$0x14100] =	vst v63  }
0x4f: {  	_ = 	snop  }
0x50: {  	[tilespmem:s22], [sflag:$0x5] =	stream.indirect.gather [hbm4b:s4+s14], $0x80, s21, s14, $0xb8;
	[tilespmem:$0x14100] =	vst v63  }
0x51: {  	_ = 	snop  }
0x52: {  	[tilespmem:s23], [sflag:$0x6] =	stream.indirect.gather [hbm4b:s5+s14], $0x80, s21, s14, $0xb8;
	[tilespmem:$0x14100] =	vst v63  }
0x53: {  	_ =	swait.ge [sflag:s24], $0x2800  }
0x54: {  	s9 =	rddreg [dreg:$0x4];
	[sflag:s24] =	ssyncset.done $0x0  }
0x55: {  	[sflag:s24] =	ssyncadd.s32 $0xFFFFD800;
	s0 =	sadd.s32 $0x0, s9  }
0x56: {  	[hbm4b:s0+s2] =	stream.linear.scatter [tilespmem:s16], [sflag:$0x1], $0x2800, $0x38;
	[tilespmem:$0x14100] =	vst v63  }
0x57: {  	_ =	swait.ge [sflag:s25], $0x2800  }
0x58: {  	s6 =	rddreg [dreg:$0x3];
	[sflag:s25] =	ssyncset.done $0x0  }
0x59: {  	[sflag:s25] =	ssyncadd.s32 $0xFFFFD800;
	s6 =	sadd.s32 $0x0, s6  }
0x5a: {  	[hbm4b:s6+s2] =	stream.linear.scatter [tilespmem:s18], [sflag:$0x2], $0x2800, $0x38;
	[tilespmem:$0x14100] =	vst v63  }
0x5b: {  	_ =	swait.ge [sflag:s26], $0x2800  }
0x5c: {  	s7 =	rddreg [dreg:$0x2];
	[sflag:s26] =	ssyncset.done $0x0  }
0x5d: {  	[sflag:s26] =	ssyncadd.s32 $0xFFFFD800;
	s7 =	sadd.s32 $0x0, s7  }
0x5e: {  	[hbm4b:s7+s2] =	stream.linear.scatter [tilespmem:s19], [sflag:$0x3], $0x2800, $0x38;
	[tilespmem:$0x14100] =	vst v63  }
0x5f: {  	_ =	swait.ge [sflag:s28], $0x2800  }
0x60: {  	[sflag:s28] =	ssyncset.done $0x0  }
0x61: {  	s0 =	sadd.s32 $0x500, s0;
	[sflag:s28] =	ssyncadd.s32 $0xFFFFD800  }
0x62: {  	[hbm4b:s0+s2] =	stream.linear.scatter [tilespmem:s20], [sflag:$0x4], $0x2800, $0x38;
	[tilespmem:$0x14100] =	vst v63  }
0x63: {  	_ =	swait.ge [sflag:s29], $0x2800  }
0x64: {  	[sflag:s29] =	ssyncset.done $0x0  }
0x65: {  	s10 =	sadd.s32 $0x500, s6;
	[sflag:s29] =	ssyncadd.s32 $0xFFFFD800  }
0x66: {  	[hbm4b:s10+s2] =	stream.linear.scatter [tilespmem:s22], [sflag:$0x5], $0x2800, $0x38;
	[tilespmem:$0x14100] =	vst v63  }
0x67: {  	_ =	swait.ge [sflag:s30], $0x2800  }
0x68: {  	[sflag:s30] =	ssyncset.done $0x0  }
0x69: {  	s13 =	sadd.s32 $0x500, s7;
	[sflag:s30] =	ssyncadd.s32 $0xFFFFD800  }
0x6a: {  	[hbm4b:s13+s2] =	stream.linear.scatter [tilespmem:s23], [sflag:$0x6], $0x2800, $0x38;
	[tilespmem:$0x14100] =	vst v63  }
0x6b: {  	_ =	swait.ge [sflag:s24], $0x2800  }
0x6c: {  	[sflag:s24] =	ssyncset.done $0x0  }
0x6d: {  	[sflag:s24] =	ssyncadd.s32 $0xFFFFD800  }
0x6e: {  	_ =	swait.ge [sflag:s25], $0x2800  }
0x6f: {  	[sflag:s25] =	ssyncset.done $0x0  }
0x70: {  	[sflag:s25] =	ssyncadd.s32 $0xFFFFD800  }
0x71: {  	_ =	swait.ge [sflag:s26], $0x2800  }
0x72: {  	[sflag:s26] =	ssyncset.done $0x0  }
0x73: {  	[sflag:s26] =	ssyncadd.s32 $0xFFFFD800  }
0x74: {  	_ =	swait.ge [sflag:s28], $0x2800  }
0x75: {  	[sflag:s28] =	ssyncset.done $0x0  }
0x76: {  	[sflag:s28] =	ssyncadd.s32 $0xFFFFD800  }
0x77: {  	_ =	swait.ge [sflag:s29], $0x2800  }
0x78: {  	[sflag:s29] =	ssyncset.done $0x0  }
0x79: {  	[sflag:s29] =	ssyncadd.s32 $0xFFFFD800  }
0x7a: {  	s6 =	simm.s32 $0x50;
	_ =	swait.ge [sflag:s30], $0x2800  }
0x7b: {  	s0 =	simm.s32 $0xA00;
	s13 =	simm.s32 $0xA0;
	[sflag:s30] =	ssyncset.done $0x0  }
.LBB2_2:
0x7c: {  	[sflag:s30] =	ssyncadd.s32 $0xFFFFD800;
	s6 =	sadd.s32 $0xA0, s6  }
0x7d: {  	v0 =	vld [tilespmem:s6+$0xFFFFFFB0];
	_ =	sdelay $0x4  }
0x7e: {  	s1 =	sadd.s32 $0xA0, s1;
	[tilespmem:$0x4F00] =	vst v0  }
0x7f: {  	v0 =	vld [tilespmem:s1+$0xFFFFFFB0];
	_ =	sdelay $0x4  }
0x80: {  	[tilespmem:$0x4F80] =	vst v0  }
0x81: {  	v0 =	vld [tilespmem:s6+$0xFFFFFFC0];
	_ =	sdelay $0x4  }
0x82: {  	[tilespmem:$0x4F10] =	vst v0  }
0x83: {  	v0 =	vld [tilespmem:s1+$0xFFFFFFC0];
	_ =	sdelay $0x4  }
0x84: {  	[tilespmem:$0x4F90] =	vst v0  }
0x85: {  	v0 =	vld [tilespmem:s6+$0xFFFFFFD0];
	_ =	sdelay $0x4  }
0x86: {  	[tilespmem:$0x4F20] =	vst v0  }
0x87: {  	v0 =	vld [tilespmem:s1+$0xFFFFFFD0];
	_ =	sdelay $0x4  }
0x88: {  	[tilespmem:$0x4FA0] =	vst v0  }
0x89: {  	v0 =	vld [tilespmem:s6+$0xFFFFFFE0];
	_ =	sdelay $0x4  }
0x8a: {  	[tilespmem:$0x4F30] =	vst v0  }
0x8b: {  	v0 =	vld [tilespmem:s1+$0xFFFFFFE0];
	_ =	sdelay $0x4  }
0x8c: {  	[tilespmem:$0x4FB0] =	vst v0  }
0x8d: {  	v0 =	vld [tilespmem:s6+$0xFFFFFFF0];
	_ =	sdelay $0x4  }
0x8e: {  	[tilespmem:$0x4F40] =	vst v0  }
0x8f: {  	v0 =	vld [tilespmem:s1+$0xFFFFFFF0];
	_ =	sdelay $0x4  }
0x90: {  	[tilespmem:$0x4FC0] =	vst v0  }
0x91: {  	[tilespmem:s16], [sflag:$0x1] =	stream.indirect.gather [hbm4b:s3+s14], $0x80, s15, s14, $0xb8;
	[tilespmem:$0x14100] =	vst v63  }
0x92: {  	_ = 	snop  }
0x93: {  	[tilespmem:s18], [sflag:$0x2] =	stream.indirect.gather [hbm4b:s4+s14], $0x80, s17, s14, $0xb8;
	[tilespmem:$0x14100] =	vst v63  }
0x94: {  	_ = 	snop  }
0x95: {  	[tilespmem:s19], [sflag:$0x3] =	stream.indirect.gather [hbm4b:s5+s14], $0x80, s17, s14, $0xb8;
	[tilespmem:$0x14100] =	vst v63  }
0x96: {  	v0 =	vld [tilespmem:s6+$0x0];
	_ =	sdelay $0x4  }
0x97: {  	[tilespmem:$0x5000] =	vst v0  }
0x98: {  	v0 =	vld [tilespmem:s1+$0x0];
	_ =	sdelay $0x4  }
0x99: {  	[tilespmem:$0x5080] =	vst v0  }
0x9a: {  	v0 =	vld [tilespmem:s6+$0x10];
	_ =	sdelay $0x4  }
0x9b: {  	[tilespmem:$0x5010] =	vst v0  }
0x9c: {  	v0 =	vld [tilespmem:s1+$0x10];
	_ =	sdelay $0x4  }
0x9d: {  	[tilespmem:$0x5090] =	vst v0  }
0x9e: {  	v0 =	vld [tilespmem:s6+$0x20];
	_ =	sdelay $0x4  }
0x9f: {  	[tilespmem:$0x5020] =	vst v0  }
0xa0: {  	v0 =	vld [tilespmem:s1+$0x20];
	_ =	sdelay $0x4  }
0xa1: {  	s8 =	sand.u32 $0x3FE0, s13;
	[tilespmem:$0x50A0] =	vst v0  }
0xa2: {  	v0 =	vld [tilespmem:s8+$0x80];
	_ =	sdelay $0x4  }
0xa3: {  	[tilespmem:$0x5030] =	vst v0  }
0xa4: {  	v0 =	vld [tilespmem:s8+$0x2800];
	_ =	sdelay $0x4  }
0xa5: {  	[tilespmem:$0x50B0] =	vst v0  }
0xa6: {  	v0 =	vld [tilespmem:s6+$0x40];
	_ =	sdelay $0x4  }
0xa7: {  	[tilespmem:$0x5040] =	vst v0  }
0xa8: {  	v0 =	vld [tilespmem:s1+$0x40];
	_ =	sdelay $0x4  }
0xa9: {  	s10 =	rddreg [dreg:$0x5];
	[tilespmem:$0x50C0] =	vst v0  }
0xaa: {  	[tilespmem:s20], [sflag:$0x4] =	stream.indirect.gather [hbm4b:s3+s14], $0x80, s10, s14, $0xb8;
	[tilespmem:$0x14100] =	vst v63  }
0xab: {  	_ = 	snop  }
0xac: {  	[tilespmem:s22], [sflag:$0x5] =	stream.indirect.gather [hbm4b:s4+s14], $0x80, s21, s14, $0xb8;
	[tilespmem:$0x14100] =	vst v63  }
0xad: {  	_ = 	snop  }
0xae: {  	[tilespmem:s23], [sflag:$0x6] =	stream.indirect.gather [hbm4b:s5+s14], $0x80, s21, s14, $0xb8;
	[tilespmem:$0x14100] =	vst v63  }
0xaf: {  	_ =	swait.ge [sflag:s24], $0x2800  }
0xb0: {  	s7 =	smov.u32 s0;
	s9 =	rddreg [dreg:$0x4];
	[sflag:s24] =	ssyncset.done $0x0  }
0xb1: {  	[sflag:s24] =	ssyncadd.s32 $0xFFFFD800;
	s8 =	sadd.s32 s7, s9  }
0xb2: {  	[hbm4b:s8+s2] =	stream.linear.scatter [tilespmem:s16], [sflag:$0x1], $0x2800, $0x38;
	[tilespmem:$0x14100] =	vst v63  }
0xb3: {  	_ =	swait.ge [sflag:s25], $0x2800  }
0xb4: {  	s9 =	rddreg [dreg:$0x3];
	[sflag:s25] =	ssyncset.done $0x0  }
0xb5: {  	[sflag:s25] =	ssyncadd.s32 $0xFFFFD800;
	s9 =	sadd.s32 s7, s9  }
0xb6: {  	[hbm4b:s9+s2] =	stream.linear.scatter [tilespmem:s18], [sflag:$0x2], $0x2800, $0x38;
	[tilespmem:$0x14100] =	vst v63  }
0xb7: {  	_ =	swait.ge [sflag:s26], $0x2800  }
0xb8: {  	s10 =	rddreg [dreg:$0x2];
	[sflag:s26] =	ssyncset.done $0x0  }
0xb9: {  	[sflag:s26] =	ssyncadd.s32 $0xFFFFD800;
	s7 =	sadd.s32 s7, s10  }
0xba: {  	[hbm4b:s7+s2] =	stream.linear.scatter [tilespmem:s19], [sflag:$0x3], $0x2800, $0x38;
	[tilespmem:$0x14100] =	vst v63  }
0xbb: {  	_ =	swait.ge [sflag:s28], $0x2800  }
0xbc: {  	[sflag:s28] =	ssyncset.done $0x0  }
0xbd: {  	s8 =	sadd.s32 $0x500, s8;
	[sflag:s28] =	ssyncadd.s32 $0xFFFFD800  }
0xbe: {  	[hbm4b:s8+s2] =	stream.linear.scatter [tilespmem:s20], [sflag:$0x4], $0x2800, $0x38;
	[tilespmem:$0x14100] =	vst v63  }
0xbf: {  	_ =	swait.ge [sflag:s29], $0x2800  }
0xc0: {  	[sflag:s29] =	ssyncset.done $0x0  }
0xc1: {  	s10 =	sadd.s32 $0x500, s9;
	[sflag:s29] =	ssyncadd.s32 $0xFFFFD800  }
0xc2: {  	[hbm4b:s10+s2] =	stream.linear.scatter [tilespmem:s22], [sflag:$0x5], $0x2800, $0x38;
	[tilespmem:$0x14100] =	vst v63  }
0xc3: {  	_ =	swait.ge [sflag:s30], $0x2800  }
0xc4: {  	[sflag:s30] =	ssyncset.done $0x0  }
0xc5: {  	s7 =	sadd.s32 $0x500, s7;
	[sflag:s30] =	ssyncadd.s32 $0xFFFFD800  }
0xc6: {  	[hbm4b:s7+s2] =	stream.linear.scatter [tilespmem:s23], [sflag:$0x6], $0x2800, $0x38;
	[tilespmem:$0x14100] =	vst v63  }
0xc7: {  	_ =	swait.ge [sflag:s24], $0x2800  }
0xc8: {  	[sflag:s24] =	ssyncset.done $0x0  }
0xc9: {  	[sflag:s24] =	ssyncadd.s32 $0xFFFFD800  }
0xca: {  	_ =	swait.ge [sflag:s25], $0x2800  }
0xcb: {  	[sflag:s25] =	ssyncset.done $0x0  }
0xcc: {  	[sflag:s25] =	ssyncadd.s32 $0xFFFFD800  }
0xcd: {  	_ =	swait.ge [sflag:s26], $0x2800  }
0xce: {  	[sflag:s26] =	ssyncset.done $0x0  }
0xcf: {  	[sflag:s26] =	ssyncadd.s32 $0xFFFFD800  }
0xd0: {  	_ =	swait.ge [sflag:s28], $0x2800  }
0xd1: {  	[sflag:s28] =	ssyncset.done $0x0  }
0xd2: {  	p0 =	sne.s32 s0, $0x26200;
	[sflag:s28] =	ssyncadd.s32 $0xFFFFD800  }
.Ltmp0:
0xd3: {  	_ =	swait.ge [sflag:s29], $0x2800;
	(pc) =	sbr.rel @p0 .LBB2_2-.Ltmp0, $4  }
0xd4: {  	[sflag:s29] =	ssyncset.done $0x0  }
0xd5: {  	[sflag:s29] =	ssyncadd.s32 $0xFFFFD800  }
0xd6: {  	_ =	swait.ge [sflag:s30], $0x2800  }
0xd7: {  	s0 =	sadd.s32 $0xA00, s0;
	s13 =	sadd.s32 $0xA0, s13;
	[sflag:s30] =	ssyncset.done $0x0  }
0xd8: {  	[sflag:s30] =	ssyncadd.s32 $0xFFFFD800  }
0xd9: {  	v0 =	vld [tilespmem:$0x26C0]  }
0xda: {  	v1 =	vld [tilespmem:$0x4E40]  }
0xdb: {  	v2 =	vld [tilespmem:$0x26D0]  }
0xdc: {  	v3 =	vld [tilespmem:$0x4E50]  }
0xdd: {  	v4 =	vld [tilespmem:$0x26E0]  }
0xde: {  	v59 =	vld [tilespmem:$0x4E60];
	[tilespmem:$0x4F00] =	vst v0  }
0xdf: {  	v60 =	vld [tilespmem:$0x26F0];
	[tilespmem:$0x4F80] =	vst v1  }
0xe0: {  	v61 =	vld [tilespmem:$0x4E70];
	[tilespmem:$0x4F10] =	vst v2  }
0xe1: {  	v62 =	vld [tilespmem:$0x2700];
	[tilespmem:$0x4F90] =	vst v3  }
0xe2: {  	v63 =	vld [tilespmem:$0x4E80];
	[tilespmem:$0x4F20] =	vst v4  }
0xe3: {  	[tilespmem:$0x4FA0] =	vst v59  }
0xe4: {  	[tilespmem:$0x4F30] =	vst v60  }
0xe5: {  	[tilespmem:$0x4FB0] =	vst v61  }
0xe6: {  	[tilespmem:$0x4F40] =	vst v62  }
0xe7: {  	[tilespmem:$0x4FC0] =	vst v63  }
0xe8: {  	[tilespmem:s16], [sflag:$0x1] =	stream.indirect.gather [hbm4b:s3+s14], $0x80, s15, s14, $0xb8;
	[tilespmem:$0x14100] =	vst v63  }
0xe9: {  	_ = 	snop  }
0xea: {  	[tilespmem:s18], [sflag:$0x2] =	stream.indirect.gather [hbm4b:s4+s14], $0x80, s17, s14, $0xb8;
	[tilespmem:$0x14100] =	vst v63  }
0xeb: {  	_ = 	snop  }
0xec: {  	[tilespmem:s19], [sflag:$0x3] =	stream.indirect.gather [hbm4b:s5+s14], $0x80, s17, s14, $0xb8;
	[tilespmem:$0x14100] =	vst v63  }
0xed: {  	_ =	swait.ge [sflag:s24], $0x2800  }
0xee: {  	[sflag:s24] =	ssyncset.done $0x0  }
0xef: {  	s0 =	rddreg [dreg:$0x8];
	[sflag:s24] =	ssyncadd.s32 $0xFFFFD800  }
0xf0: {  	[hbm4b:s0+s2] =	stream.linear.scatter [tilespmem:s16], [sflag:$0x7], $0x2800, $0x38;
	[tilespmem:$0x14100] =	vst v63  }
0xf1: {  	_ =	swait.ge [sflag:s12], $0x2800  }
0xf2: {  	[sflag:s12] =	ssyncset.done $0x0  }
0xf3: {  	[sflag:s12] =	ssyncadd.s32 $0xFFFFD800  }
0xf4: {  	_ =	swait.ge [sflag:s25], $0x2800  }
0xf5: {  	[sflag:s25] =	ssyncset.done $0x0  }
0xf6: {  	s10 =	rddreg [dreg:$0x9];
	[sflag:s25] =	ssyncadd.s32 $0xFFFFD800  }
0xf7: {  	[hbm4b:s10+s2] =	stream.linear.scatter [tilespmem:s18], [sflag:$0x7], $0x2800, $0x38;
	[tilespmem:$0x14100] =	vst v63  }
0xf8: {  	_ =	swait.ge [sflag:s12], $0x2800  }
0xf9: {  	[sflag:s12] =	ssyncset.done $0x0  }
0xfa: {  	[sflag:s12] =	ssyncadd.s32 $0xFFFFD800  }
0xfb: {  	s31 =	sadd.s32 $0x1, s31;
	_ =	swait.ge [sflag:s26], $0x2800  }
0xfc: {  	p0 =	sne.s32 s31, s11;
	[sflag:s26] =	ssyncset.done $0x0  }
.Ltmp1:
0xfd: {  	s13 =	rddreg [dreg:$0xa];
	[sflag:s26] =	ssyncadd.s32 $0xFFFFD800;
	(pc) =	sbr.rel @p0 .LBB2_1-.Ltmp1, $4  }
0xfe: {  	[hbm4b:s13+s2] =	stream.linear.scatter [tilespmem:s19], [sflag:$0x7], $0x2800, $0x38;
	[tilespmem:$0x14100] =	vst v63  }
0xff: {  	_ =	swait.ge [sflag:s12], $0x2800  }
0x100: {  	[sflag:s12] =	ssyncset.done $0x0  }
0x101: {  	[sflag:s12] =	ssyncadd.s32 $0xFFFFD800  }
0x102: {  	_ =	sfence.sel $0x180000  }
0x103: {  	[bflag:$0x0] =	sbarrier.arrive $0xFFFF  }
0x104: {  	_ =	strace $0x90000047  }
0x105: {  	s0 =	stileid.u32;
	[bflag:$0x2] =	sbarrier.arrive $0xFFFF  }
0x106: {  	p0 =	sne.s32 s0, $0x0;
	s0 =	rddreg [dreg:$0x1]  }
0x107: {  	s0 =	sadd.s32 @!p0 $0x100000, s0  }
0x108: {  	[sflag:s0] =	ssyncadd.tile.s32 @!p0 $0x1;
	_ =	shalt  }
.Lfunc_end2:
_tile_overlayer_lowered:
.L_overlay_start_2:
0x109: {  	(tag) =	ssettag $0x2  }
0x10a: {  	s0 =	rddreg [dreg:$0x0];
	s2 =	stileid.u32  }
0x10b: {  	s1 =	rddreg [dreg:$0x1];
	p0 =	sne.s32 s2, $0x0  }
0x10c: {  	s3 =	rddreg [dreg:$0x2];
	[bflag:$0x3] =	sbarrier.arrive $0xFFFF;
	s2 =	simm.s32 @!p0 $0x1C07  }
0x10d: {  	[timem:s3], [sflag:s2] =	dma.local @!p0 [hbm:s0], s1  }
0x10e: {  	s0 =	simm.s32 @!p0 $0x7  }
0x10f: {  	_ =	swait.ge @!p0 [sflag:s0], s1  }
0x110: {  	s1 =	ssub.s32 @!p0 $0x0, s1;
	[sflag:s0] =	ssyncset.done @!p0 $0x0  }
0x111: {  	[sflag:s0] =	ssyncadd.s32 @!p0 s1  }
0x112: {  	[bflag:$0x3] =	sbarrier.arrive $0xFFFF  }
0x113: {  	_ =	shalt  }

</sc_bundles>
